<compile_context>
chip_gen: v7x
topology: tpu7x:2x2x1
jax: 0.10.2.dev20260603
libtpu: 0.0.44.dev20260713+nightly
codegen_flags: <defaults>
</compile_context>

<pallas_src>
import functools

import jax
import jax.numpy as jnp
from jax import lax
from jax.experimental import pallas as pl
from jax.experimental.pallas import tpu as pltpu
from jax.experimental.pallas import tpu_sc as plsc

_N = 5000
_C = 81
_NW = 16
_PER = 320
_CHUNKS = 4
_CW = 80

_LN2 = 0.6931471805599453
_SQRT2 = 1.4142135623730951


def _fast_log(x):
    xi = lax.bitcast_convert_type(x, jnp.int32)
    e = lax.shift_right_logical(xi, 23) - 127
    m = lax.bitcast_convert_type((xi & 0x007FFFFF) | 0x3F800000, jnp.float32)
    big = m > jnp.float32(_SQRT2)
    m = jnp.where(big, m * 0.5, m)
    ef = (e + jnp.where(big, 1, 0)).astype(jnp.float32)
    s = (m - 1.0) / (m + 1.0)
    z = s * s
    poly = 1.0 + z * (jnp.float32(1 / 3) + z * (jnp.float32(1 / 5)
                 + z * (jnp.float32(1 / 7) + z * jnp.float32(1 / 9))))
    return ef * jnp.float32(_LN2) + 2.0 * s * poly


_mesh = plsc.VectorSubcoreMesh(
    core_axis_name="c", subcore_axis_name="s", num_cores=1)


@functools.partial(
    pl.kernel,
    mesh=_mesh,
    out_type=jax.ShapeDtypeStruct((_NW, 16), jnp.float32),
    scratch_types=[
        pltpu.VMEM((_CHUNKS, _CW), jnp.int32),
        pltpu.VMEM((_CHUNKS, _CW), jnp.float32),
        pltpu.VMEM((_PER,), jnp.int32),
        pltpu.VMEM((_PER,), jnp.float32),
        pltpu.VMEM((16,), jnp.float32),
        pltpu.SemaphoreType.DMA,
    ],
)
def _sc_partials(pcl_hbm, lab_hbm, w_hbm, out_hbm,
                 idxp_v, col_v, lab_v, w_v, acc_v, sem0):
    wid = lax.axis_index("s")
    s0 = wid * _PER
    a = jnp.minimum(s0, _N - _PER)
    lane = lax.iota(jnp.int32, 16)

    for c in range(_CHUNKS):
        for i in range(_CW // 16):
            ga = a + c * _CW + i * 16 + lane
            idxp_v[c, pl.ds(i * 16, 16)] = ga * _C

    descs = [
        pltpu.async_copy(pcl_hbm.at[idxp_v.at[c]], col_v.at[c], sem0)
        for c in range(_CHUNKS)
    ]
    pltpu.sync_copy(lab_hbm.at[pl.ds(a, _PER)], lab_v)
    pltpu.sync_copy(w_hbm.at[pl.ds(a, _PER)], w_v)
    for dd in descs:
        dd.wait()

    acc = jnp.zeros((16,), jnp.float32)
    for c in range(_CHUNKS):
        for i in range(_CW // 16):
            ga = a + c * _CW + i * 16 + lane
            own = ga >= s0
            p = col_v[c, pl.ds(i * 16, 16)]
            lb = lab_v[pl.ds(c * _CW + i * 16, 16)]
            wt = w_v[pl.ds(c * _CW + i * 16, 16)]
            acc = acc + jnp.where(own & (lb == 0), wt * _fast_log(p), 0.0)

    acc_v[...] = acc
    pltpu.sync_copy(acc_v, out_hbm.at[wid])


def _tc_finale(part_ref, pcp_ref, imgw_ref, iml_ref, out_ref):
    t = jnp.sum(part_ref[...])
    term0 = jnp.where(iml_ref[0, 0] != 0, -t, 0.0)

    q = pcp_ref[0, 0]
    c_idx = jax.lax.broadcasted_iota(jnp.int32, (1, _C), 1)
    mask1 = (c_idx >= 1) & (iml_ref[...] != 0) & (q == c_idx.astype(jnp.float32))
    term1 = -jnp.sum(jnp.where(mask1, imgw_ref[0, 0] * jnp.log(q), 0.0))

    out_ref[...] = jnp.reshape((term0 + term1) / jnp.float32(_N), (1, 1))


def kernel(pcl_prob, labels, cls_loss_weights, gt_assignment, pc_labels,
           pc_probs, pc_count, img_cls_loss_weights, im_labels_real):
    partials = _sc_partials(
        pcl_prob.reshape(-1),
        labels.reshape(-1),
        cls_loss_weights.reshape(-1),
    )
    out = pl.pallas_call(
        _tc_finale,
        out_shape=jax.ShapeDtypeStruct((1, 1), jnp.float32),
    )(partials, pc_probs, img_cls_loss_weights, im_labels_real)
    return out[0, 0]

# --- scband reference (transcript-rebuilt; emitter-appended) ---
"""Pipeline reference for scband-pcl-losses-43550968381611 (READ-ONLY COPY).

The authoritative reference and input builder live on the scoring server;
editing this copy changes nothing except your own understanding.
"""

import jax, jax.numpy as jnp
import numpy as np

N_ROIS = 5000
N_CLASSES = 81
N_CLUSTERS = 64

def setup_inputs(seed: int = 0) -> dict:
    key = jax.random.key(seed)
    ks = jax.random.split(key, 9)
    pcl_prob = jax.random.uniform(ks[0], (N_ROIS, N_CLASSES), dtype=jnp.float32)
    labels = jax.random.randint(ks[1], (1, N_ROIS), 0, N_CLASSES, dtype=jnp.int32)
    cls_loss_weights = jax.random.uniform(ks[2], (1, N_ROIS), dtype=jnp.float32)
    gt_assignment = jax.random.randint(ks[3], (1, N_ROIS), 0, N_CLUSTERS, dtype=jnp.int32)
    pc_labels = jax.random.randint(ks[4], (1, N_CLUSTERS), 0, N_CLASSES, dtype=jnp.int32)
    pc_probs = jax.random.uniform(ks[5], (1, N_CLUSTERS), dtype=jnp.float32)
    pc_count = jax.random.uniform(ks[6], (1, N_CLUSTERS), dtype=jnp.float32)
    img_cls_loss_weights = jax.random.uniform(ks[7], (1, N_CLUSTERS), dtype=jnp.float32)
    im_labels_real = jnp.ones((1, N_CLASSES), dtype=jnp.int32)
    return {
        "pcl_prob": pcl_prob,
        "labels": labels,
        "cls_loss_weights": cls_loss_weights,
        "gt_assignment": gt_assignment,
        "pc_labels": pc_labels,
        "pc_probs": pc_probs,
        "pc_count": pc_count,
        "img_cls_loss_weights": img_cls_loss_weights,
        "im_labels_real": im_labels_real,
    }

def reference(pcl_prob, labels, cls_loss_weights, gt_assignment, pc_labels, pc_probs, pc_count, img_cls_loss_weights, im_labels_real):
    # Faithful translation of PCLLosses.forward (including its quirks):
    # for c in range(channels):
    #   if im_labels[0,c] != 0:
    #     c == 0: loss -= sum_{i: labels[0,i]==0} cls_loss_weights[0,i] * log(pcl_probs[i,0])
    #     c  > 0: for i in range(pc_labels.size(0)) -> only i==0 since pc_labels is [1,P];
    #             if pc_probs[0,0] == c: loss -= img_cls_loss_weights[0,0] * log(pc_probs[0,0])
    # return loss / batch_size
    N, C = pcl_prob.shape
    lab = labels[0]
    term0 = jnp.where(
        im_labels_real[0, 0] != 0,
        -jnp.sum(jnp.where(lab == 0, cls_loss_weights[0] * jnp.log(pcl_prob[:, 0]), 0.0)),
        0.0,
    )
    c_vec = jnp.arange(1, C).astype(pc_probs.dtype)
    mask_c = (im_labels_real[0, 1:] != 0) & (pc_probs[0, 0] == c_vec)
    term1 = -jnp.sum(jnp.where(mask_c, img_cls_loss_weights[0, 0] * jnp.log(pc_probs[0, 0]), 0.0))
    loss = (term0 + term1) / N
    return loss

if __name__ == "__main__":
    import jax
    _d = setup_inputs()
    print(jax.jit(kernel)(*tuple(_d.values())))

</pallas_src>

<mosaic_0001>
#map = affine_map<(d0, d1) -> (0)>
#map1 = affine_map<(d0, d1) -> (0, 0)>
module attributes {stable_mosaic.version = 14 : i64} {
  func.func @_sc_partials(%arg0: i32, %arg1: i32, %arg2: memref<405000xf32, #tpu.memory_space<hbm>>, %arg3: memref<5000xi32, #tpu.memory_space<hbm>>, %arg4: memref<5000xf32, #tpu.memory_space<hbm>>, %arg5: memref<16x16xf32, #tpu.memory_space<hbm>>, %arg6: memref<4x80xi32, #tpu.memory_space<vmem>>, %arg7: memref<4x80xf32, #tpu.memory_space<vmem>>, %arg8: memref<320xi32, #tpu.memory_space<vmem>>, %arg9: memref<320xf32, #tpu.memory_space<vmem>>, %arg10: memref<16xf32, #tpu.memory_space<vmem>>, %arg11: memref<!tpu.dma_semaphore, #tpu.memory_space<semaphore_mem>>) attributes {dimension_semantics = [#tpu.dimension_semantics<core_parallel>, #tpu.dimension_semantics<subcore_parallel>], iteration_bounds = array<i64: 1, 16>, scalar_prefetch = 0 : i64, scratch_operands = 6 : i64, tpu.core_type = #tpu.core_type<sc_vector_subcore>, window_params = [{transform_indices = #map}, {transform_indices = #map}, {transform_indices = #map}, {transform_indices = #map1}]} {
    %mul3A = arith.constant 320 : i32
    %mul3A_0 = arith.muli %arg1, %mul3A : i32
    %min3A = arith.constant 4680 : i32
    %min3A_1 = arith.minsi %mul3A_0, %min3A : i32
    %iota3A = tpu.iota {dimensions = array<i32: 0>} : vector<16xi32>
    %add3A = arith.constant 0 : i32
    %add3A_2 = arith.addi %min3A_1, %add3A : i32
    %add3A_3 = arith.constant 0 : i32
    %add3A_4 = arith.addi %add3A_2, %add3A_3 : i32
    %add3A_5 = vector.broadcast %add3A_4 : i32 to vector<16xi32>
    %add3A_6 = arith.addi %add3A_5, %iota3A : vector<16xi32>
    %mul3A_7 = arith.constant 81 : i32
    %mul3A_8 = vector.broadcast %mul3A_7 : i32 to vector<16xi32>
    %mul3A_9 = arith.muli %add3A_6, %mul3A_8 : vector<16xi32>
    %swap3A = arith.constant 0 : i32
    %swap3A_10 = arith.index_cast %swap3A : i32 to index
    %swap3A_11 = arith.constant 0 : index
    %swap3A_12 = tpu.vector_load %arg6[%swap3A_10, %swap3A_11] {strides = array<i32>} : memref<4x80xi32, #tpu.memory_space<vmem>>, vector<1x16xi32>,
    %swap3A_13 = vector.shape_cast %swap3A_12 : vector<1x16xi32> to vector<16xi32>
    %swap3A_14 = vector.shape_cast %mul3A_9 : vector<16xi32> to vector<1x16xi32>
    tpu.vector_store %arg6[%swap3A_10, %swap3A_11], %swap3A_14 {strides = array<i32>} : memref<4x80xi32, #tpu.memory_space<vmem>>, vector<1x16xi32>,
    %add3A_15 = arith.constant 0 : i32
    %add3A_16 = arith.addi %min3A_1, %add3A_15 : i32
    %add3A_17 = arith.constant 16 : i32
    %add3A_18 = arith.addi %add3A_16, %add3A_17 : i32
    %add3A_19 = vector.broadcast %add3A_18 : i32 to vector<16xi32>
    %add3A_20 = arith.addi %add3A_19, %iota3A : vector<16xi32>
    %mul3A_21 = arith.constant 81 : i32
    %mul3A_22 = vector.broadcast %mul3A_21 : i32 to vector<16xi32>
    %mul3A_23 = arith.muli %add3A_20, %mul3A_22 : vector<16xi32>
    %swap3A_24 = arith.constant 0 : i32
    %swap3A_25 = arith.index_cast %swap3A_24 : i32 to index
    %swap3A_26 = arith.constant 16 : index
    %swap3A_27 = tpu.vector_load %arg6[%swap3A_25, %swap3A_26] {strides = array<i32>} : memref<4x80xi32, #tpu.memory_space<vmem>>, vector<1x16xi32>,
    %swap3A_28 = vector.shape_cast %swap3A_27 : vector<1x16xi32> to vector<16xi32>
    %swap3A_29 = vector.shape_cast %mul3A_23 : vector<16xi32> to vector<1x16xi32>
    tpu.vector_store %arg6[%swap3A_25, %swap3A_26], %swap3A_29 {strides = array<i32>} : memref<4x80xi32, #tpu.memory_space<vmem>>, vector<1x16xi32>,
    %add3A_30 = arith.constant 0 : i32
    %add3A_31 = arith.addi %min3A_1, %add3A_30 : i32
    %add3A_32 = arith.constant 32 : i32
    %add3A_33 = arith.addi %add3A_31, %add3A_32 : i32
    %add3A_34 = vector.broadcast %add3A_33 : i32 to vector<16xi32>
    %add3A_35 = arith.addi %add3A_34, %iota3A : vector<16xi32>
    %mul3A_36 = arith.constant 81 : i32
    %mul3A_37 = vector.broadcast %mul3A_36 : i32 to vector<16xi32>
    %mul3A_38 = arith.muli %add3A_35, %mul3A_37 : vector<16xi32>
    %swap3A_39 = arith.constant 0 : i32
    %swap3A_40 = arith.index_cast %swap3A_39 : i32 to index
    %swap3A_41 = arith.constant 32 : index
    %swap3A_42 = tpu.vector_load %arg6[%swap3A_40, %swap3A_41] {strides = array<i32>} : memref<4x80xi32, #tpu.memory_space<vmem>>, vector<1x16xi32>,
    %swap3A_43 = vector.shape_cast %swap3A_42 : vector<1x16xi32> to vector<16xi32>
    %swap3A_44 = vector.shape_cast %mul3A_38 : vector<16xi32> to vector<1x16xi32>
    tpu.vector_store %arg6[%swap3A_40, %swap3A_41], %swap3A_44 {strides = array<i32>} : memref<4x80xi32, #tpu.memory_space<vmem>>, vector<1x16xi32>,
    %add3A_45 = arith.constant 0 : i32
    %add3A_46 = arith.addi %min3A_1, %add3A_45 : i32
    %add3A_47 = arith.constant 48 : i32
    %add3A_48 = arith.addi %add3A_46, %add3A_47 : i32
    %add3A_49 = vector.broadcast %add3A_48 : i32 to vector<16xi32>
    %add3A_50 = arith.addi %add3A_49, %iota3A : vector<16xi32>
    %mul3A_51 = arith.constant 81 : i32
    %mul3A_52 = vector.broadcast %mul3A_51 : i32 to vector<16xi32>
    %mul3A_53 = arith.muli %add3A_50, %mul3A_52 : vector<16xi32>
    %swap3A_54 = arith.constant 0 : i32
    %swap3A_55 = arith.index_cast %swap3A_54 : i32 to index
    %swap3A_56 = arith.constant 48 : index
    %swap3A_57 = tpu.vector_load %arg6[%swap3A_55, %swap3A_56] {strides = array<i32>} : memref<4x80xi32, #tpu.memory_space<vmem>>, vector<1x16xi32>,
    %swap3A_58 = vector.shape_cast %swap3A_57 : vector<1x16xi32> to vector<16xi32>
    %swap3A_59 = vector.shape_cast %mul3A_53 : vector<16xi32> to vector<1x16xi32>
    tpu.vector_store %arg6[%swap3A_55, %swap3A_56], %swap3A_59 {strides = array<i32>} : memref<4x80xi32, #tpu.memory_space<vmem>>, vector<1x16xi32>,
    %add3A_60 = arith.constant 0 : i32
    %add3A_61 = arith.addi %min3A_1, %add3A_60 : i32
    %add3A_62 = arith.constant 64 : i32
    %add3A_63 = arith.addi %add3A_61, %add3A_62 : i32
    %add3A_64 = vector.broadcast %add3A_63 : i32 to vector<16xi32>
    %add3A_65 = arith.addi %add3A_64, %iota3A : vector<16xi32>
    %mul3A_66 = arith.constant 81 : i32
    %mul3A_67 = vector.broadcast %mul3A_66 : i32 to vector<16xi32>
    %mul3A_68 = arith.muli %add3A_65, %mul3A_67 : vector<16xi32>
    %swap3A_69 = arith.constant 0 : i32
    %swap3A_70 = arith.index_cast %swap3A_69 : i32 to index
    %swap3A_71 = arith.constant 64 : index
    %swap3A_72 = tpu.vector_load %arg6[%swap3A_70, %swap3A_71] {strides = array<i32>} : memref<4x80xi32, #tpu.memory_space<vmem>>, vector<1x16xi32>,
    %swap3A_73 = vector.shape_cast %swap3A_72 : vector<1x16xi32> to vector<16xi32>
    %swap3A_74 = vector.shape_cast %mul3A_68 : vector<16xi32> to vector<1x16xi32>
    tpu.vector_store %arg6[%swap3A_70, %swap3A_71], %swap3A_74 {strides = array<i32>} : memref<4x80xi32, #tpu.memory_space<vmem>>, vector<1x16xi32>,
    %add3A_75 = arith.constant 80 : i32
    %add3A_76 = arith.addi %min3A_1, %add3A_75 : i32
    %add3A_77 = arith.constant 0 : i32
    %add3A_78 = arith.addi %add3A_76, %add3A_77 : i32
    %add3A_79 = vector.broadcast %add3A_78 : i32 to vector<16xi32>
    %add3A_80 = arith.addi %add3A_79, %iota3A : vector<16xi32>
    %mul3A_81 = arith.constant 81 : i32
    %mul3A_82 = vector.broadcast %mul3A_81 : i32 to vector<16xi32>
    %mul3A_83 = arith.muli %add3A_80, %mul3A_82 : vector<16xi32>
    %swap3A_84 = arith.constant 1 : i32
    %swap3A_85 = arith.index_cast %swap3A_84 : i32 to index
    %swap3A_86 = arith.constant 0 : index
    %swap3A_87 = tpu.vector_load %arg6[%swap3A_85, %swap3A_86] {strides = array<i32>} : memref<4x80xi32, #tpu.memory_space<vmem>>, vector<1x16xi32>,
    %swap3A_88 = vector.shape_cast %swap3A_87 : vector<1x16xi32> to vector<16xi32>
    %swap3A_89 = vector.shape_cast %mul3A_83 : vector<16xi32> to vector<1x16xi32>
    tpu.vector_store %arg6[%swap3A_85, %swap3A_86], %swap3A_89 {strides = array<i32>} : memref<4x80xi32, #tpu.memory_space<vmem>>, vector<1x16xi32>,
    %add3A_90 = arith.constant 80 : i32
    %add3A_91 = arith.addi %min3A_1, %add3A_90 : i32
    %add3A_92 = arith.constant 16 : i32
    %add3A_93 = arith.addi %add3A_91, %add3A_92 : i32
    %add3A_94 = vector.broadcast %add3A_93 : i32 to vector<16xi32>
    %add3A_95 = arith.addi %add3A_94, %iota3A : vector<16xi32>
    %mul3A_96 = arith.constant 81 : i32
    %mul3A_97 = vector.broadcast %mul3A_96 : i32 to vector<16xi32>
    %mul3A_98 = arith.muli %add3A_95, %mul3A_97 : vector<16xi32>
    %swap3A_99 = arith.constant 1 : i32
    %swap3A_100 = arith.index_cast %swap3A_99 : i32 to index
    %swap3A_101 = arith.constant 16 : index
    %swap3A_102 = tpu.vector_load %arg6[%swap3A_100, %swap3A_101] {strides = array<i32>} : memref<4x80xi32, #tpu.memory_space<vmem>>, vector<1x16xi32>,
    %swap3A_103 = vector.shape_cast %swap3A_102 : vector<1x16xi32> to vector<16xi32>
    %swap3A_104 = vector.shape_cast %mul3A_98 : vector<16xi32> to vector<1x16xi32>
    tpu.vector_store %arg6[%swap3A_100, %swap3A_101], %swap3A_104 {strides = array<i32>} : memref<4x80xi32, #tpu.memory_space<vmem>>, vector<1x16xi32>,
    %add3A_105 = arith.constant 80 : i32
    %add3A_106 = arith.addi %min3A_1, %add3A_105 : i32
    %add3A_107 = arith.constant 32 : i32
    %add3A_108 = arith.addi %add3A_106, %add3A_107 : i32
    %add3A_109 = vector.broadcast %add3A_108 : i32 to vector<16xi32>
    %add3A_110 = arith.addi %add3A_109, %iota3A : vector<16xi32>
    %mul3A_111 = arith.constant 81 : i32
    %mul3A_112 = vector.broadcast %mul3A_111 : i32 to vector<16xi32>
    %mul3A_113 = arith.muli %add3A_110, %mul3A_112 : vector<16xi32>
    %swap3A_114 = arith.constant 1 : i32
    %swap3A_115 = arith.index_cast %swap3A_114 : i32 to index
    %swap3A_116 = arith.constant 32 : index
    %swap3A_117 = tpu.vector_load %arg6[%swap3A_115, %swap3A_116] {strides = array<i32>} : memref<4x80xi32, #tpu.memory_space<vmem>>, vector<1x16xi32>,
    %swap3A_118 = vector.shape_cast %swap3A_117 : vector<1x16xi32> to vector<16xi32>
    %swap3A_119 = vector.shape_cast %mul3A_113 : vector<16xi32> to vector<1x16xi32>
    tpu.vector_store %arg6[%swap3A_115, %swap3A_116], %swap3A_119 {strides = array<i32>} : memref<4x80xi32, #tpu.memory_space<vmem>>, vector<1x16xi32>,
    %add3A_120 = arith.constant 80 : i32
    %add3A_121 = arith.addi %min3A_1, %add3A_120 : i32
    %add3A_122 = arith.constant 48 : i32
    %add3A_123 = arith.addi %add3A_121, %add3A_122 : i32
    %add3A_124 = vector.broadcast %add3A_123 : i32 to vector<16xi32>
    %add3A_125 = arith.addi %add3A_124, %iota3A : vector<16xi32>
    %mul3A_126 = arith.constant 81 : i32
    %mul3A_127 = vector.broadcast %mul3A_126 : i32 to vector<16xi32>
    %mul3A_128 = arith.muli %add3A_125, %mul3A_127 : vector<16xi32>
    %swap3A_129 = arith.constant 1 : i32
    %swap3A_130 = arith.index_cast %swap3A_129 : i32 to index
    %swap3A_131 = arith.constant 48 : index
    %swap3A_132 = tpu.vector_load %arg6[%swap3A_130, %swap3A_131] {strides = array<i32>} : memref<4x80xi32, #tpu.memory_space<vmem>>, vector<1x16xi32>,
    %swap3A_133 = vector.shape_cast %swap3A_132 : vector<1x16xi32> to vector<16xi32>
    %swap3A_134 = vector.shape_cast %mul3A_128 : vector<16xi32> to vector<1x16xi32>
    tpu.vector_store %arg6[%swap3A_130, %swap3A_131], %swap3A_134 {strides = array<i32>} : memref<4x80xi32, #tpu.memory_space<vmem>>, vector<1x16xi32>,
    %add3A_135 = arith.constant 80 : i32
    %add3A_136 = arith.addi %min3A_1, %add3A_135 : i32
    %add3A_137 = arith.constant 64 : i32
    %add3A_138 = arith.addi %add3A_136, %add3A_137 : i32
    %add3A_139 = vector.broadcast %add3A_138 : i32 to vector<16xi32>
    %add3A_140 = arith.addi %add3A_139, %iota3A : vector<16xi32>
    %mul3A_141 = arith.constant 81 : i32
    %mul3A_142 = vector.broadcast %mul3A_141 : i32 to vector<16xi32>
    %mul3A_143 = arith.muli %add3A_140, %mul3A_142 : vector<16xi32>
    %swap3A_144 = arith.constant 1 : i32
    %swap3A_145 = arith.index_cast %swap3A_144 : i32 to index
    %swap3A_146 = arith.constant 64 : index
    %swap3A_147 = tpu.vector_load %arg6[%swap3A_145, %swap3A_146] {strides = array<i32>} : memref<4x80xi32, #tpu.memory_space<vmem>>, vector<1x16xi32>,
    %swap3A_148 = vector.shape_cast %swap3A_147 : vector<1x16xi32> to vector<16xi32>
    %swap3A_149 = vector.shape_cast %mul3A_143 : vector<16xi32> to vector<1x16xi32>
    tpu.vector_store %arg6[%swap3A_145, %swap3A_146], %swap3A_149 {strides = array<i32>} : memref<4x80xi32, #tpu.memory_space<vmem>>, vector<1x16xi32>,
    %add3A_150 = arith.constant 160 : i32
    %add3A_151 = arith.addi %min3A_1, %add3A_150 : i32
    %add3A_152 = arith.constant 0 : i32
    %add3A_153 = arith.addi %add3A_151, %add3A_152 : i32
    %add3A_154 = vector.broadcast %add3A_153 : i32 to vector<16xi32>
    %add3A_155 = arith.addi %add3A_154, %iota3A : vector<16xi32>
    %mul3A_156 = arith.constant 81 : i32
    %mul3A_157 = vector.broadcast %mul3A_156 : i32 to vector<16xi32>
    %mul3A_158 = arith.muli %add3A_155, %mul3A_157 : vector<16xi32>
    %swap3A_159 = arith.constant 2 : i32
    %swap3A_160 = arith.index_cast %swap3A_159 : i32 to index
    %swap3A_161 = arith.constant 0 : index
    %swap3A_162 = tpu.vector_load %arg6[%swap3A_160, %swap3A_161] {strides = array<i32>} : memref<4x80xi32, #tpu.memory_space<vmem>>, vector<1x16xi32>,
    %swap3A_163 = vector.shape_cast %swap3A_162 : vector<1x16xi32> to vector<16xi32>
    %swap3A_164 = vector.shape_cast %mul3A_158 : vector<16xi32> to vector<1x16xi32>
    tpu.vector_store %arg6[%swap3A_160, %swap3A_161], %swap3A_164 {strides = array<i32>} : memref<4x80xi32, #tpu.memory_space<vmem>>, vector<1x16xi32>,
    %add3A_165 = arith.constant 160 : i32
    %add3A_166 = arith.addi %min3A_1, %add3A_165 : i32
    %add3A_167 = arith.constant 16 : i32
    %add3A_168 = arith.addi %add3A_166, %add3A_167 : i32
    %add3A_169 = vector.broadcast %add3A_168 : i32 to vector<16xi32>
    %add3A_170 = arith.addi %add3A_169, %iota3A : vector<16xi32>
    %mul3A_171 = arith.constant 81 : i32
    %mul3A_172 = vector.broadcast %mul3A_171 : i32 to vector<16xi32>
    %mul3A_173 = arith.muli %add3A_170, %mul3A_172 : vector<16xi32>
    %swap3A_174 = arith.constant 2 : i32
    %swap3A_175 = arith.index_cast %swap3A_174 : i32 to index
    %swap3A_176 = arith.constant 16 : index
    %swap3A_177 = tpu.vector_load %arg6[%swap3A_175, %swap3A_176] {strides = array<i32>} : memref<4x80xi32, #tpu.memory_space<vmem>>, vector<1x16xi32>,
    %swap3A_178 = vector.shape_cast %swap3A_177 : vector<1x16xi32> to vector<16xi32>
    %swap3A_179 = vector.shape_cast %mul3A_173 : vector<16xi32> to vector<1x16xi32>
    tpu.vector_store %arg6[%swap3A_175, %swap3A_176], %swap3A_179 {strides = array<i32>} : memref<4x80xi32, #tpu.memory_space<vmem>>, vector<1x16xi32>,
    %add3A_180 = arith.constant 160 : i32
    %add3A_181 = arith.addi %min3A_1, %add3A_180 : i32
    %add3A_182 = arith.constant 32 : i32
    %add3A_183 = arith.addi %add3A_181, %add3A_182 : i32
    %add3A_184 = vector.broadcast %add3A_183 : i32 to vector<16xi32>
    %add3A_185 = arith.addi %add3A_184, %iota3A : vector<16xi32>
    %mul3A_186 = arith.constant 81 : i32
    %mul3A_187 = vector.broadcast %mul3A_186 : i32 to vector<16xi32>
    %mul3A_188 = arith.muli %add3A_185, %mul3A_187 : vector<16xi32>
    %swap3A_189 = arith.constant 2 : i32
    %swap3A_190 = arith.index_cast %swap3A_189 : i32 to index
    %swap3A_191 = arith.constant 32 : index
    %swap3A_192 = tpu.vector_load %arg6[%swap3A_190, %swap3A_191] {strides = array<i32>} : memref<4x80xi32, #tpu.memory_space<vmem>>, vector<1x16xi32>,
    %swap3A_193 = vector.shape_cast %swap3A_192 : vector<1x16xi32> to vector<16xi32>
    %swap3A_194 = vector.shape_cast %mul3A_188 : vector<16xi32> to vector<1x16xi32>
    tpu.vector_store %arg6[%swap3A_190, %swap3A_191], %swap3A_194 {strides = array<i32>} : memref<4x80xi32, #tpu.memory_space<vmem>>, vector<1x16xi32>,
    %add3A_195 = arith.constant 160 : i32
    %add3A_196 = arith.addi %min3A_1, %add3A_195 : i32
    %add3A_197 = arith.constant 48 : i32
    %add3A_198 = arith.addi %add3A_196, %add3A_197 : i32
    %add3A_199 = vector.broadcast %add3A_198 : i32 to vector<16xi32>
    %add3A_200 = arith.addi %add3A_199, %iota3A : vector<16xi32>
    %mul3A_201 = arith.constant 81 : i32
    %mul3A_202 = vector.broadcast %mul3A_201 : i32 to vector<16xi32>
    %mul3A_203 = arith.muli %add3A_200, %mul3A_202 : vector<16xi32>
    %swap3A_204 = arith.constant 2 : i32
    %swap3A_205 = arith.index_cast %swap3A_204 : i32 to index
    %swap3A_206 = arith.constant 48 : index
    %swap3A_207 = tpu.vector_load %arg6[%swap3A_205, %swap3A_206] {strides = array<i32>} : memref<4x80xi32, #tpu.memory_space<vmem>>, vector<1x16xi32>,
    %swap3A_208 = vector.shape_cast %swap3A_207 : vector<1x16xi32> to vector<16xi32>
    %swap3A_209 = vector.shape_cast %mul3A_203 : vector<16xi32> to vector<1x16xi32>
    tpu.vector_store %arg6[%swap3A_205, %swap3A_206], %swap3A_209 {strides = array<i32>} : memref<4x80xi32, #tpu.memory_space<vmem>>, vector<1x16xi32>,
    %add3A_210 = arith.constant 160 : i32
    %add3A_211 = arith.addi %min3A_1, %add3A_210 : i32
    %add3A_212 = arith.constant 64 : i32
    %add3A_213 = arith.addi %add3A_211, %add3A_212 : i32
    %add3A_214 = vector.broadcast %add3A_213 : i32 to vector<16xi32>
    %add3A_215 = arith.addi %add3A_214, %iota3A : vector<16xi32>
    %mul3A_216 = arith.constant 81 : i32
    %mul3A_217 = vector.broadcast %mul3A_216 : i32 to vector<16xi32>
    %mul3A_218 = arith.muli %add3A_215, %mul3A_217 : vector<16xi32>
    %swap3A_219 = arith.constant 2 : i32
    %swap3A_220 = arith.index_cast %swap3A_219 : i32 to index
    %swap3A_221 = arith.constant 64 : index
    %swap3A_222 = tpu.vector_load %arg6[%swap3A_220, %swap3A_221] {strides = array<i32>} : memref<4x80xi32, #tpu.memory_space<vmem>>, vector<1x16xi32>,
    %swap3A_223 = vector.shape_cast %swap3A_222 : vector<1x16xi32> to vector<16xi32>
    %swap3A_224 = vector.shape_cast %mul3A_218 : vector<16xi32> to vector<1x16xi32>
    tpu.vector_store %arg6[%swap3A_220, %swap3A_221], %swap3A_224 {strides = array<i32>} : memref<4x80xi32, #tpu.memory_space<vmem>>, vector<1x16xi32>,
    %add3A_225 = arith.constant 240 : i32
    %add3A_226 = arith.addi %min3A_1, %add3A_225 : i32
    %add3A_227 = arith.constant 0 : i32
    %add3A_228 = arith.addi %add3A_226, %add3A_227 : i32
    %add3A_229 = vector.broadcast %add3A_228 : i32 to vector<16xi32>
    %add3A_230 = arith.addi %add3A_229, %iota3A : vector<16xi32>
    %mul3A_231 = arith.constant 81 : i32
    %mul3A_232 = vector.broadcast %mul3A_231 : i32 to vector<16xi32>
    %mul3A_233 = arith.muli %add3A_230, %mul3A_232 : vector<16xi32>
    %swap3A_234 = arith.constant 3 : i32
    %swap3A_235 = arith.index_cast %swap3A_234 : i32 to index
    %swap3A_236 = arith.constant 0 : index
    %swap3A_237 = tpu.vector_load %arg6[%swap3A_235, %swap3A_236] {strides = array<i32>} : memref<4x80xi32, #tpu.memory_space<vmem>>, vector<1x16xi32>,
    %swap3A_238 = vector.shape_cast %swap3A_237 : vector<1x16xi32> to vector<16xi32>
    %swap3A_239 = vector.shape_cast %mul3A_233 : vector<16xi32> to vector<1x16xi32>
    tpu.vector_store %arg6[%swap3A_235, %swap3A_236], %swap3A_239 {strides = array<i32>} : memref<4x80xi32, #tpu.memory_space<vmem>>, vector<1x16xi32>,
    %add3A_240 = arith.constant 240 : i32
    %add3A_241 = arith.addi %min3A_1, %add3A_240 : i32
    %add3A_242 = arith.constant 16 : i32
    %add3A_243 = arith.addi %add3A_241, %add3A_242 : i32
    %add3A_244 = vector.broadcast %add3A_243 : i32 to vector<16xi32>
    %add3A_245 = arith.addi %add3A_244, %iota3A : vector<16xi32>
    %mul3A_246 = arith.constant 81 : i32
    %mul3A_247 = vector.broadcast %mul3A_246 : i32 to vector<16xi32>
    %mul3A_248 = arith.muli %add3A_245, %mul3A_247 : vector<16xi32>
    %swap3A_249 = arith.constant 3 : i32
    %swap3A_250 = arith.index_cast %swap3A_249 : i32 to index
    %swap3A_251 = arith.constant 16 : index
    %swap3A_252 = tpu.vector_load %arg6[%swap3A_250, %swap3A_251] {strides = array<i32>} : memref<4x80xi32, #tpu.memory_space<vmem>>, vector<1x16xi32>,
    %swap3A_253 = vector.shape_cast %swap3A_252 : vector<1x16xi32> to vector<16xi32>
    %swap3A_254 = vector.shape_cast %mul3A_248 : vector<16xi32> to vector<1x16xi32>
    tpu.vector_store %arg6[%swap3A_250, %swap3A_251], %swap3A_254 {strides = array<i32>} : memref<4x80xi32, #tpu.memory_space<vmem>>, vector<1x16xi32>,
    %add3A_255 = arith.constant 240 : i32
    %add3A_256 = arith.addi %min3A_1, %add3A_255 : i32
    %add3A_257 = arith.constant 32 : i32
    %add3A_258 = arith.addi %add3A_256, %add3A_257 : i32
    %add3A_259 = vector.broadcast %add3A_258 : i32 to vector<16xi32>
    %add3A_260 = arith.addi %add3A_259, %iota3A : vector<16xi32>
    %mul3A_261 = arith.constant 81 : i32
    %mul3A_262 = vector.broadcast %mul3A_261 : i32 to vector<16xi32>
    %mul3A_263 = arith.muli %add3A_260, %mul3A_262 : vector<16xi32>
    %swap3A_264 = arith.constant 3 : i32
    %swap3A_265 = arith.index_cast %swap3A_264 : i32 to index
    %swap3A_266 = arith.constant 32 : index
    %swap3A_267 = tpu.vector_load %arg6[%swap3A_265, %swap3A_266] {strides = array<i32>} : memref<4x80xi32, #tpu.memory_space<vmem>>, vector<1x16xi32>,
    %swap3A_268 = vector.shape_cast %swap3A_267 : vector<1x16xi32> to vector<16xi32>
    %swap3A_269 = vector.shape_cast %mul3A_263 : vector<16xi32> to vector<1x16xi32>
    tpu.vector_store %arg6[%swap3A_265, %swap3A_266], %swap3A_269 {strides = array<i32>} : memref<4x80xi32, #tpu.memory_space<vmem>>, vector<1x16xi32>,
    %add3A_270 = arith.constant 240 : i32
    %add3A_271 = arith.addi %min3A_1, %add3A_270 : i32
    %add3A_272 = arith.constant 48 : i32
    %add3A_273 = arith.addi %add3A_271, %add3A_272 : i32
    %add3A_274 = vector.broadcast %add3A_273 : i32 to vector<16xi32>
    %add3A_275 = arith.addi %add3A_274, %iota3A : vector<16xi32>
    %mul3A_276 = arith.constant 81 : i32
    %mul3A_277 = vector.broadcast %mul3A_276 : i32 to vector<16xi32>
    %mul3A_278 = arith.muli %add3A_275, %mul3A_277 : vector<16xi32>
    %swap3A_279 = arith.constant 3 : i32
    %swap3A_280 = arith.index_cast %swap3A_279 : i32 to index
    %swap3A_281 = arith.constant 48 : index
    %swap3A_282 = tpu.vector_load %arg6[%swap3A_280, %swap3A_281] {strides = array<i32>} : memref<4x80xi32, #tpu.memory_space<vmem>>, vector<1x16xi32>,
    %swap3A_283 = vector.shape_cast %swap3A_282 : vector<1x16xi32> to vector<16xi32>
    %swap3A_284 = vector.shape_cast %mul3A_278 : vector<16xi32> to vector<1x16xi32>
    tpu.vector_store %arg6[%swap3A_280, %swap3A_281], %swap3A_284 {strides = array<i32>} : memref<4x80xi32, #tpu.memory_space<vmem>>, vector<1x16xi32>,
    %add3A_285 = arith.constant 240 : i32
    %add3A_286 = arith.addi %min3A_1, %add3A_285 : i32
    %add3A_287 = arith.constant 64 : i32
    %add3A_288 = arith.addi %add3A_286, %add3A_287 : i32
    %add3A_289 = vector.broadcast %add3A_288 : i32 to vector<16xi32>
    %add3A_290 = arith.addi %add3A_289, %iota3A : vector<16xi32>
    %mul3A_291 = arith.constant 81 : i32
    %mul3A_292 = vector.broadcast %mul3A_291 : i32 to vector<16xi32>
    %mul3A_293 = arith.muli %add3A_290, %mul3A_292 : vector<16xi32>
    %swap3A_294 = arith.constant 3 : i32
    %swap3A_295 = arith.index_cast %swap3A_294 : i32 to index
    %swap3A_296 = arith.constant 64 : index
    %swap3A_297 = tpu.vector_load %arg6[%swap3A_295, %swap3A_296] {strides = array<i32>} : memref<4x80xi32, #tpu.memory_space<vmem>>, vector<1x16xi32>,
    %swap3A_298 = vector.shape_cast %swap3A_297 : vector<1x16xi32> to vector<16xi32>
    %swap3A_299 = vector.shape_cast %mul3A_293 : vector<16xi32> to vector<1x16xi32>
    tpu.vector_store %arg6[%swap3A_295, %swap3A_296], %swap3A_299 {strides = array<i32>} : memref<4x80xi32, #tpu.memory_space<vmem>>, vector<1x16xi32>,
    %dma_start3A = arith.constant 0 : i32
    %dma_start3A_300 = arith.constant 0 : i32
    %dma_start3A_301 = arith.constant 0 : i32
    %dma_start3A_302 = tpu.memref_slice %arg7[%dma_start3A_300, %dma_start3A_301] : memref<4x80xf32, #tpu.memory_space<vmem>> -> memref<1x80xf32, #tpu.memory_space<vmem>>
    %dma_start3A_303 = tpu.memref_squeeze %dma_start3A_302 : memref<1x80xf32, #tpu.memory_space<vmem>> -> memref<80xf32, #tpu.memory_space<vmem>>
    %dma_start3A_304 = arith.constant 0 : i32
    %dma_start3A_305 = tpu.memref_slice %arg6[%dma_start3A, %dma_start3A_304] : memref<4x80xi32, #tpu.memory_space<vmem>> -> memref<1x80xi32, #tpu.memory_space<vmem>>
    %dma_start3A_306 = tpu.memref_squeeze %dma_start3A_305 : memref<1x80xi32, #tpu.memory_space<vmem>> -> memref<80xi32, #tpu.memory_space<vmem>>
    %dma_start3A_307 = arith.constant 0 : i32
    %dma_start3A_308 = tpu.memref_slice %arg2[%dma_start3A_307] : memref<405000xf32, #tpu.memory_space<hbm>> -> memref<405000xf32, #tpu.memory_space<hbm>>
    tpu.enqueue_indirect_dma source(%dma_start3A_308 : memref<405000xf32, #tpu.memory_space<hbm>>) target(%dma_start3A_303 : memref<80xf32, #tpu.memory_space<vmem>>) offsets(%dma_start3A_306 : memref<80xi32, #tpu.memory_space<vmem>>) semaphore(%arg11 : memref<!tpu.dma_semaphore, #tpu.memory_space<semaphore_mem>>)
    %dma_start3A_309 = arith.constant 1 : i32
    %dma_start3A_310 = arith.constant 1 : i32
    %dma_start3A_311 = arith.constant 0 : i32
    %dma_start3A_312 = tpu.memref_slice %arg7[%dma_start3A_310, %dma_start3A_311] : memref<4x80xf32, #tpu.memory_space<vmem>> -> memref<1x80xf32, #tpu.memory_space<vmem>>
    %dma_start3A_313 = tpu.memref_squeeze %dma_start3A_312 : memref<1x80xf32, #tpu.memory_space<vmem>> -> memref<80xf32, #tpu.memory_space<vmem>>
    %dma_start3A_314 = arith.constant 0 : i32
    %dma_start3A_315 = tpu.memref_slice %arg6[%dma_start3A_309, %dma_start3A_314] : memref<4x80xi32, #tpu.memory_space<vmem>> -> memref<1x80xi32, #tpu.memory_space<vmem>>
    %dma_start3A_316 = tpu.memref_squeeze %dma_start3A_315 : memref<1x80xi32, #tpu.memory_space<vmem>> -> memref<80xi32, #tpu.memory_space<vmem>>
    %dma_start3A_317 = arith.constant 0 : i32
    %dma_start3A_318 = tpu.memref_slice %arg2[%dma_start3A_317] : memref<405000xf32, #tpu.memory_space<hbm>> -> memref<405000xf32, #tpu.memory_space<hbm>>
    tpu.enqueue_indirect_dma source(%dma_start3A_318 : memref<405000xf32, #tpu.memory_space<hbm>>) target(%dma_start3A_313 : memref<80xf32, #tpu.memory_space<vmem>>) offsets(%dma_start3A_316 : memref<80xi32, #tpu.memory_space<vmem>>) semaphore(%arg11 : memref<!tpu.dma_semaphore, #tpu.memory_space<semaphore_mem>>)
    %dma_start3A_319 = arith.constant 2 : i32
    %dma_start3A_320 = arith.constant 2 : i32
    %dma_start3A_321 = arith.constant 0 : i32
    %dma_start3A_322 = tpu.memref_slice %arg7[%dma_start3A_320, %dma_start3A_321] : memref<4x80xf32, #tpu.memory_space<vmem>> -> memref<1x80xf32, #tpu.memory_space<vmem>>
    %dma_start3A_323 = tpu.memref_squeeze %dma_start3A_322 : memref<1x80xf32, #tpu.memory_space<vmem>> -> memref<80xf32, #tpu.memory_space<vmem>>
    %dma_start3A_324 = arith.constant 0 : i32
    %dma_start3A_325 = tpu.memref_slice %arg6[%dma_start3A_319, %dma_start3A_324] : memref<4x80xi32, #tpu.memory_space<vmem>> -> memref<1x80xi32, #tpu.memory_space<vmem>>
    %dma_start3A_326 = tpu.memref_squeeze %dma_start3A_325 : memref<1x80xi32, #tpu.memory_space<vmem>> -> memref<80xi32, #tpu.memory_space<vmem>>
    %dma_start3A_327 = arith.constant 0 : i32
    %dma_start3A_328 = tpu.memref_slice %arg2[%dma_start3A_327] : memref<405000xf32, #tpu.memory_space<hbm>> -> memref<405000xf32, #tpu.memory_space<hbm>>
    tpu.enqueue_indirect_dma source(%dma_start3A_328 : memref<405000xf32, #tpu.memory_space<hbm>>) target(%dma_start3A_323 : memref<80xf32, #tpu.memory_space<vmem>>) offsets(%dma_start3A_326 : memref<80xi32, #tpu.memory_space<vmem>>) semaphore(%arg11 : memref<!tpu.dma_semaphore, #tpu.memory_space<semaphore_mem>>)
    %dma_start3A_329 = arith.constant 3 : i32
    %dma_start3A_330 = arith.constant 3 : i32
    %dma_start3A_331 = arith.constant 0 : i32
    %dma_start3A_332 = tpu.memref_slice %arg7[%dma_start3A_330, %dma_start3A_331] : memref<4x80xf32, #tpu.memory_space<vmem>> -> memref<1x80xf32, #tpu.memory_space<vmem>>
    %dma_start3A_333 = tpu.memref_squeeze %dma_start3A_332 : memref<1x80xf32, #tpu.memory_space<vmem>> -> memref<80xf32, #tpu.memory_space<vmem>>
    %dma_start3A_334 = arith.constant 0 : i32
    %dma_start3A_335 = tpu.memref_slice %arg6[%dma_start3A_329, %dma_start3A_334] : memref<4x80xi32, #tpu.memory_space<vmem>> -> memref<1x80xi32, #tpu.memory_space<vmem>>
    %dma_start3A_336 = tpu.memref_squeeze %dma_start3A_335 : memref<1x80xi32, #tpu.memory_space<vmem>> -> memref<80xi32, #tpu.memory_space<vmem>>
    %dma_start3A_337 = arith.constant 0 : i32
    %dma_start3A_338 = tpu.memref_slice %arg2[%dma_start3A_337] : memref<405000xf32, #tpu.memory_space<hbm>> -> memref<405000xf32, #tpu.memory_space<hbm>>
    tpu.enqueue_indirect_dma source(%dma_start3A_338 : memref<405000xf32, #tpu.memory_space<hbm>>) target(%dma_start3A_333 : memref<80xf32, #tpu.memory_space<vmem>>) offsets(%dma_start3A_336 : memref<80xi32, #tpu.memory_space<vmem>>) semaphore(%arg11 : memref<!tpu.dma_semaphore, #tpu.memory_space<semaphore_mem>>)
    "tpu.region"() ({
      %run_scoped3A = tpu.sem_alloc : memref<!tpu.dma_semaphore, #tpu.memory_space<semaphore_mem>>
      %dma_start3A_2170 = tpu.memref_slice %arg3[%min3A_1] : memref<5000xi32, #tpu.memory_space<hbm>> -> memref<320xi32, #tpu.memory_space<hbm>>
      %dma_start3A_2171 = tpu.memref_slice %arg3[%min3A_1] : memref<5000xi32, #tpu.memory_space<hbm>> -> memref<320xi32, #tpu.memory_space<hbm>>
      tpu.enqueue_dma source(%dma_start3A_2171 : memref<320xi32, #tpu.memory_space<hbm>>) target(%arg8 : memref<320xi32, #tpu.memory_space<vmem>>) target_semaphore(%run_scoped3A : memref<!tpu.dma_semaphore, #tpu.memory_space<semaphore_mem>>)
      %dma_wait3A_2172 = tpu.memref_slice %arg3[%min3A_1] : memref<5000xi32, #tpu.memory_space<hbm>> -> memref<320xi32, #tpu.memory_space<hbm>>
      %dma_wait3A_2173 = tpu.memref_slice %arg3[%min3A_1] : memref<5000xi32, #tpu.memory_space<hbm>> -> memref<320xi32, #tpu.memory_space<hbm>>
      tpu.wait_dma2 semaphore(%run_scoped3A : memref<!tpu.dma_semaphore, #tpu.memory_space<semaphore_mem>>) src(%dma_wait3A_2173 : memref<320xi32, #tpu.memory_space<hbm>>) dst(%arg8 : memref<320xi32, #tpu.memory_space<vmem>>)
      tpu.yield
    }) : () -> ()
    "tpu.region"() ({
      %run_scoped3A = tpu.sem_alloc : memref<!tpu.dma_semaphore, #tpu.memory_space<semaphore_mem>>
      %dma_start3A_2170 = tpu.memref_slice %arg4[%min3A_1] : memref<5000xf32, #tpu.memory_space<hbm>> -> memref<320xf32, #tpu.memory_space<hbm>>
      %dma_start3A_2171 = tpu.memref_slice %arg4[%min3A_1] : memref<5000xf32, #tpu.memory_space<hbm>> -> memref<320xf32, #tpu.memory_space<hbm>>
      tpu.enqueue_dma source(%dma_start3A_2171 : memref<320xf32, #tpu.memory_space<hbm>>) target(%arg9 : memref<320xf32, #tpu.memory_space<vmem>>) target_semaphore(%run_scoped3A : memref<!tpu.dma_semaphore, #tpu.memory_space<semaphore_mem>>)
      %dma_wait3A_2172 = tpu.memref_slice %arg4[%min3A_1] : memref<5000xf32, #tpu.memory_space<hbm>> -> memref<320xf32, #tpu.memory_space<hbm>>
      %dma_wait3A_2173 = tpu.memref_slice %arg4[%min3A_1] : memref<5000xf32, #tpu.memory_space<hbm>> -> memref<320xf32, #tpu.memory_space<hbm>>
      tpu.wait_dma2 semaphore(%run_scoped3A : memref<!tpu.dma_semaphore, #tpu.memory_space<semaphore_mem>>) src(%dma_wait3A_2173 : memref<320xf32, #tpu.memory_space<hbm>>) dst(%arg9 : memref<320xf32, #tpu.memory_space<vmem>>)
      tpu.yield
    }) : () -> ()
    %dma_wait3A = arith.constant 0 : i32
    %dma_wait3A_339 = arith.constant 0 : i32
    %dma_wait3A_340 = arith.constant 0 : i32
    %dma_wait3A_341 = tpu.memref_slice %arg7[%dma_wait3A_339, %dma_wait3A_340] : memref<4x80xf32, #tpu.memory_space<vmem>> -> memref<1x80xf32, #tpu.memory_space<vmem>>
    %dma_wait3A_342 = tpu.memref_squeeze %dma_wait3A_341 : memref<1x80xf32, #tpu.memory_space<vmem>> -> memref<80xf32, #tpu.memory_space<vmem>>
    %dma_wait3A_343 = arith.constant 0 : i32
    %dma_wait3A_344 = tpu.memref_slice %arg6[%dma_wait3A, %dma_wait3A_343] : memref<4x80xi32, #tpu.memory_space<vmem>> -> memref<1x80xi32, #tpu.memory_space<vmem>>
    %dma_wait3A_345 = tpu.memref_squeeze %dma_wait3A_344 : memref<1x80xi32, #tpu.memory_space<vmem>> -> memref<80xi32, #tpu.memory_space<vmem>>
    %dma_wait3A_346 = arith.constant 0 : i32
    %dma_wait3A_347 = tpu.memref_slice %arg2[%dma_wait3A_346] : memref<405000xf32, #tpu.memory_space<hbm>> -> memref<405000xf32, #tpu.memory_space<hbm>>
    tpu.wait_indirect_dma semaphore(%arg11 : memref<!tpu.dma_semaphore, #tpu.memory_space<semaphore_mem>>) src(%dma_wait3A_347 : memref<405000xf32, #tpu.memory_space<hbm>>) dst(%dma_wait3A_342 : memref<80xf32, #tpu.memory_space<vmem>>)
    %dma_wait3A_348 = arith.constant 1 : i32
    %dma_wait3A_349 = arith.constant 1 : i32
    %dma_wait3A_350 = arith.constant 0 : i32
    %dma_wait3A_351 = tpu.memref_slice %arg7[%dma_wait3A_349, %dma_wait3A_350] : memref<4x80xf32, #tpu.memory_space<vmem>> -> memref<1x80xf32, #tpu.memory_space<vmem>>
    %dma_wait3A_352 = tpu.memref_squeeze %dma_wait3A_351 : memref<1x80xf32, #tpu.memory_space<vmem>> -> memref<80xf32, #tpu.memory_space<vmem>>
    %dma_wait3A_353 = arith.constant 0 : i32
    %dma_wait3A_354 = tpu.memref_slice %arg6[%dma_wait3A_348, %dma_wait3A_353] : memref<4x80xi32, #tpu.memory_space<vmem>> -> memref<1x80xi32, #tpu.memory_space<vmem>>
    %dma_wait3A_355 = tpu.memref_squeeze %dma_wait3A_354 : memref<1x80xi32, #tpu.memory_space<vmem>> -> memref<80xi32, #tpu.memory_space<vmem>>
    %dma_wait3A_356 = arith.constant 0 : i32
    %dma_wait3A_357 = tpu.memref_slice %arg2[%dma_wait3A_356] : memref<405000xf32, #tpu.memory_space<hbm>> -> memref<405000xf32, #tpu.memory_space<hbm>>
    tpu.wait_indirect_dma semaphore(%arg11 : memref<!tpu.dma_semaphore, #tpu.memory_space<semaphore_mem>>) src(%dma_wait3A_357 : memref<405000xf32, #tpu.memory_space<hbm>>) dst(%dma_wait3A_352 : memref<80xf32, #tpu.memory_space<vmem>>)
    %dma_wait3A_358 = arith.constant 2 : i32
    %dma_wait3A_359 = arith.constant 2 : i32
    %dma_wait3A_360 = arith.constant 0 : i32
    %dma_wait3A_361 = tpu.memref_slice %arg7[%dma_wait3A_359, %dma_wait3A_360] : memref<4x80xf32, #tpu.memory_space<vmem>> -> memref<1x80xf32, #tpu.memory_space<vmem>>
    %dma_wait3A_362 = tpu.memref_squeeze %dma_wait3A_361 : memref<1x80xf32, #tpu.memory_space<vmem>> -> memref<80xf32, #tpu.memory_space<vmem>>
    %dma_wait3A_363 = arith.constant 0 : i32
    %dma_wait3A_364 = tpu.memref_slice %arg6[%dma_wait3A_358, %dma_wait3A_363] : memref<4x80xi32, #tpu.memory_space<vmem>> -> memref<1x80xi32, #tpu.memory_space<vmem>>
    %dma_wait3A_365 = tpu.memref_squeeze %dma_wait3A_364 : memref<1x80xi32, #tpu.memory_space<vmem>> -> memref<80xi32, #tpu.memory_space<vmem>>
    %dma_wait3A_366 = arith.constant 0 : i32
    %dma_wait3A_367 = tpu.memref_slice %arg2[%dma_wait3A_366] : memref<405000xf32, #tpu.memory_space<hbm>> -> memref<405000xf32, #tpu.memory_space<hbm>>
    tpu.wait_indirect_dma semaphore(%arg11 : memref<!tpu.dma_semaphore, #tpu.memory_space<semaphore_mem>>) src(%dma_wait3A_367 : memref<405000xf32, #tpu.memory_space<hbm>>) dst(%dma_wait3A_362 : memref<80xf32, #tpu.memory_space<vmem>>)
    %dma_wait3A_368 = arith.constant 3 : i32
    %dma_wait3A_369 = arith.constant 3 : i32
    %dma_wait3A_370 = arith.constant 0 : i32
    %dma_wait3A_371 = tpu.memref_slice %arg7[%dma_wait3A_369, %dma_wait3A_370] : memref<4x80xf32, #tpu.memory_space<vmem>> -> memref<1x80xf32, #tpu.memory_space<vmem>>
    %dma_wait3A_372 = tpu.memref_squeeze %dma_wait3A_371 : memref<1x80xf32, #tpu.memory_space<vmem>> -> memref<80xf32, #tpu.memory_space<vmem>>
    %dma_wait3A_373 = arith.constant 0 : i32
    %dma_wait3A_374 = tpu.memref_slice %arg6[%dma_wait3A_368, %dma_wait3A_373] : memref<4x80xi32, #tpu.memory_space<vmem>> -> memref<1x80xi32, #tpu.memory_space<vmem>>
    %dma_wait3A_375 = tpu.memref_squeeze %dma_wait3A_374 : memref<1x80xi32, #tpu.memory_space<vmem>> -> memref<80xi32, #tpu.memory_space<vmem>>
    %dma_wait3A_376 = arith.constant 0 : i32
    %dma_wait3A_377 = tpu.memref_slice %arg2[%dma_wait3A_376] : memref<405000xf32, #tpu.memory_space<hbm>> -> memref<405000xf32, #tpu.memory_space<hbm>>
    tpu.wait_indirect_dma semaphore(%arg11 : memref<!tpu.dma_semaphore, #tpu.memory_space<semaphore_mem>>) src(%dma_wait3A_377 : memref<405000xf32, #tpu.memory_space<hbm>>) dst(%dma_wait3A_372 : memref<80xf32, #tpu.memory_space<vmem>>)
    %broadcast_in_dim3A = arith.constant 0.000000e+00 : f32
    %broadcast_in_dim3A_378 = vector.broadcast %broadcast_in_dim3A : f32 to vector<16xf32>
    %add3A_379 = arith.constant 0 : i32
    %add3A_380 = arith.addi %min3A_1, %add3A_379 : i32
    %add3A_381 = arith.constant 0 : i32
    %add3A_382 = arith.addi %add3A_380, %add3A_381 : i32
    %add3A_383 = vector.broadcast %add3A_382 : i32 to vector<16xi32>
    %add3A_384 = arith.addi %add3A_383, %iota3A : vector<16xi32>
    %ge3A = vector.broadcast %mul3A_0 : i32 to vector<16xi32>
    %ge3A_385 = arith.cmpi sge, %add3A_384, %ge3A : vector<16xi32>
    %get3A = arith.constant 0 : i32
    %get3A_386 = arith.index_cast %get3A : i32 to index
    %get3A_387 = arith.constant 0 : index
    %get3A_388 = tpu.vector_load %arg7[%get3A_386, %get3A_387] {strides = array<i32>} : memref<4x80xf32, #tpu.memory_space<vmem>>, vector<1x16xf32>,
    %get3A_389 = vector.shape_cast %get3A_388 : vector<1x16xf32> to vector<16xf32>
    %get3A_390 = arith.constant 0 : index
    %get3A_391 = tpu.vector_load %arg8[%get3A_390] {strides = array<i32>} : memref<320xi32, #tpu.memory_space<vmem>>, vector<16xi32>,
    %get3A_392 = vector.shape_cast %get3A_391 : vector<16xi32> to vector<16xi32>
    %get3A_393 = arith.constant 0 : index
    %get3A_394 = tpu.vector_load %arg9[%get3A_393] {strides = array<i32>} : memref<320xf32, #tpu.memory_space<vmem>>, vector<16xf32>,
    %get3A_395 = vector.shape_cast %get3A_394 : vector<16xf32> to vector<16xf32>
    %eq3A = arith.constant 0 : i32
    %eq3A_396 = vector.broadcast %eq3A : i32 to vector<16xi32>
    %eq3A_397 = arith.cmpi eq, %get3A_392, %eq3A_396 : vector<16xi32>
    %and3A = arith.andi %ge3A_385, %eq3A_397 : vector<16xi1>
    %bitcast_convert_type3A = tpu.bitcast %get3A_389 : vector<16xf32> -> vector<16xi32>
    %shift_right_logical3A = arith.constant 23 : i32
    %shift_right_logical3A_398 = vector.broadcast %shift_right_logical3A : i32 to vector<16xi32>
    %shift_right_logical3A_399 = arith.shrui %bitcast_convert_type3A, %shift_right_logical3A_398 : vector<16xi32>
    %sub3A = arith.constant 127 : i32
    %sub3A_400 = vector.broadcast %sub3A : i32 to vector<16xi32>
    %sub3A_401 = arith.subi %shift_right_logical3A_399, %sub3A_400 : vector<16xi32>
    %and3A_402 = arith.constant 8388607 : i32
    %and3A_403 = vector.broadcast %and3A_402 : i32 to vector<16xi32>
    %and3A_404 = arith.andi %bitcast_convert_type3A, %and3A_403 : vector<16xi32>
    %or3A = arith.constant 1065353216 : i32
    %or3A_405 = vector.broadcast %or3A : i32 to vector<16xi32>
    %or3A_406 = arith.ori %and3A_404, %or3A_405 : vector<16xi32>
    %bitcast_convert_type3A_407 = tpu.bitcast %or3A_406 : vector<16xi32> -> vector<16xf32>
    %gt3A = arith.constant 1.41421354 : f32
    %gt3A_408 = vector.broadcast %gt3A : f32 to vector<16xf32>
    %gt3A_409 = arith.cmpf ogt, %bitcast_convert_type3A_407, %gt3A_408 : vector<16xf32>
    %mul3A_410 = arith.constant 5.000000e-01 : f32
    %mul3A_411 = vector.broadcast %mul3A_410 : f32 to vector<16xf32>
    %mul3A_412 = arith.mulf %bitcast_convert_type3A_407, %mul3A_411 : vector<16xf32>
    %select_n3A = arith.select %gt3A_409, %mul3A_412, %bitcast_convert_type3A_407 : vector<16xi1>, vector<16xf32>
    %jit3A = arith.constant 1 : i32
    %jit3A_413 = arith.constant 0 : i32
    %broadcast_in_dim3A_414 = vector.broadcast %jit3A : i32 to vector<16xi32>
    %broadcast_in_dim3A_415 = vector.broadcast %jit3A_413 : i32 to vector<16xi32>
    %select_n3A_416 = arith.select %gt3A_409, %broadcast_in_dim3A_414, %broadcast_in_dim3A_415 : vector<16xi1>, vector<16xi32>
    %add3A_417 = arith.addi %sub3A_401, %select_n3A_416 : vector<16xi32>
    %convert_element_type3A = arith.sitofp %add3A_417 : vector<16xi32> to vector<16xf32>
    %sub3A_418 = arith.constant 1.000000e+00 : f32
    %sub3A_419 = vector.broadcast %sub3A_418 : f32 to vector<16xf32>
    %sub3A_420 = arith.subf %select_n3A, %sub3A_419 : vector<16xf32>
    %add3A_421 = arith.constant 1.000000e+00 : f32
    %add3A_422 = vector.broadcast %add3A_421 : f32 to vector<16xf32>
    %add3A_423 = arith.addf %select_n3A, %add3A_422 : vector<16xf32>
    %div3A = arith.divf %sub3A_420, %add3A_423 : vector<16xf32>
    %mul3A_424 = arith.mulf %div3A, %div3A : vector<16xf32>
    %mul3A_425 = arith.constant 0.111111112 : f32
    %mul3A_426 = vector.broadcast %mul3A_425 : f32 to vector<16xf32>
    %mul3A_427 = arith.mulf %mul3A_424, %mul3A_426 : vector<16xf32>
    %add3A_428 = arith.constant 0.142857149 : f32
    %add3A_429 = vector.broadcast %add3A_428 : f32 to vector<16xf32>
    %add3A_430 = arith.addf %add3A_429, %mul3A_427 : vector<16xf32>
    %mul3A_431 = arith.mulf %mul3A_424, %add3A_430 : vector<16xf32>
    %add3A_432 = arith.constant 2.000000e-01 : f32
    %add3A_433 = vector.broadcast %add3A_432 : f32 to vector<16xf32>
    %add3A_434 = arith.addf %add3A_433, %mul3A_431 : vector<16xf32>
    %mul3A_435 = arith.mulf %mul3A_424, %add3A_434 : vector<16xf32>
    %add3A_436 = arith.constant 0.333333343 : f32
    %add3A_437 = vector.broadcast %add3A_436 : f32 to vector<16xf32>
    %add3A_438 = arith.addf %add3A_437, %mul3A_435 : vector<16xf32>
    %mul3A_439 = arith.mulf %mul3A_424, %add3A_438 : vector<16xf32>
    %add3A_440 = arith.constant 1.000000e+00 : f32
    %add3A_441 = vector.broadcast %add3A_440 : f32 to vector<16xf32>
    %add3A_442 = arith.addf %add3A_441, %mul3A_439 : vector<16xf32>
    %mul3A_443 = arith.constant 0.693147182 : f32
    %mul3A_444 = vector.broadcast %mul3A_443 : f32 to vector<16xf32>
    %mul3A_445 = arith.mulf %convert_element_type3A, %mul3A_444 : vector<16xf32>
    %mul3A_446 = arith.constant 2.000000e+00 : f32
    %mul3A_447 = vector.broadcast %mul3A_446 : f32 to vector<16xf32>
    %mul3A_448 = arith.mulf %mul3A_447, %div3A : vector<16xf32>
    %mul3A_449 = arith.mulf %mul3A_448, %add3A_442 : vector<16xf32>
    %add3A_450 = arith.addf %mul3A_445, %mul3A_449 : vector<16xf32>
    %mul3A_451 = arith.mulf %get3A_395, %add3A_450 : vector<16xf32>
    %jit3A_452 = arith.constant 0.000000e+00 : f32
    %broadcast_in_dim3A_453 = vector.broadcast %jit3A_452 : f32 to vector<16xf32>
    %select_n3A_454 = arith.select %and3A, %mul3A_451, %broadcast_in_dim3A_453 : vector<16xi1>, vector<16xf32>
    %add3A_455 = arith.addf %broadcast_in_dim3A_378, %select_n3A_454 : vector<16xf32>
    %add3A_456 = arith.constant 0 : i32
    %add3A_457 = arith.addi %min3A_1, %add3A_456 : i32
    %add3A_458 = arith.constant 16 : i32
    %add3A_459 = arith.addi %add3A_457, %add3A_458 : i32
    %add3A_460 = vector.broadcast %add3A_459 : i32 to vector<16xi32>
    %add3A_461 = arith.addi %add3A_460, %iota3A : vector<16xi32>
    %ge3A_462 = vector.broadcast %mul3A_0 : i32 to vector<16xi32>
    %ge3A_463 = arith.cmpi sge, %add3A_461, %ge3A_462 : vector<16xi32>
    %get3A_464 = arith.constant 0 : i32
    %get3A_465 = arith.index_cast %get3A_464 : i32 to index
    %get3A_466 = arith.constant 16 : index
    %get3A_467 = tpu.vector_load %arg7[%get3A_465, %get3A_466] {strides = array<i32>} : memref<4x80xf32, #tpu.memory_space<vmem>>, vector<1x16xf32>,
    %get3A_468 = vector.shape_cast %get3A_467 : vector<1x16xf32> to vector<16xf32>
    %get3A_469 = arith.constant 16 : index
    %get3A_470 = tpu.vector_load %arg8[%get3A_469] {strides = array<i32>} : memref<320xi32, #tpu.memory_space<vmem>>, vector<16xi32>,
    %get3A_471 = vector.shape_cast %get3A_470 : vector<16xi32> to vector<16xi32>
    %get3A_472 = arith.constant 16 : index
    %get3A_473 = tpu.vector_load %arg9[%get3A_472] {strides = array<i32>} : memref<320xf32, #tpu.memory_space<vmem>>, vector<16xf32>,
    %get3A_474 = vector.shape_cast %get3A_473 : vector<16xf32> to vector<16xf32>
    %eq3A_475 = arith.constant 0 : i32
    %eq3A_476 = vector.broadcast %eq3A_475 : i32 to vector<16xi32>
    %eq3A_477 = arith.cmpi eq, %get3A_471, %eq3A_476 : vector<16xi32>
    %and3A_478 = arith.andi %ge3A_463, %eq3A_477 : vector<16xi1>
    %bitcast_convert_type3A_479 = tpu.bitcast %get3A_468 : vector<16xf32> -> vector<16xi32>
    %shift_right_logical3A_480 = arith.constant 23 : i32
    %shift_right_logical3A_481 = vector.broadcast %shift_right_logical3A_480 : i32 to vector<16xi32>
    %shift_right_logical3A_482 = arith.shrui %bitcast_convert_type3A_479, %shift_right_logical3A_481 : vector<16xi32>
    %sub3A_483 = arith.constant 127 : i32
    %sub3A_484 = vector.broadcast %sub3A_483 : i32 to vector<16xi32>
    %sub3A_485 = arith.subi %shift_right_logical3A_482, %sub3A_484 : vector<16xi32>
    %and3A_486 = arith.constant 8388607 : i32
    %and3A_487 = vector.broadcast %and3A_486 : i32 to vector<16xi32>
    %and3A_488 = arith.andi %bitcast_convert_type3A_479, %and3A_487 : vector<16xi32>
    %or3A_489 = arith.constant 1065353216 : i32
    %or3A_490 = vector.broadcast %or3A_489 : i32 to vector<16xi32>
    %or3A_491 = arith.ori %and3A_488, %or3A_490 : vector<16xi32>
    %bitcast_convert_type3A_492 = tpu.bitcast %or3A_491 : vector<16xi32> -> vector<16xf32>
    %gt3A_493 = arith.constant 1.41421354 : f32
    %gt3A_494 = vector.broadcast %gt3A_493 : f32 to vector<16xf32>
    %gt3A_495 = arith.cmpf ogt, %bitcast_convert_type3A_492, %gt3A_494 : vector<16xf32>
    %mul3A_496 = arith.constant 5.000000e-01 : f32
    %mul3A_497 = vector.broadcast %mul3A_496 : f32 to vector<16xf32>
    %mul3A_498 = arith.mulf %bitcast_convert_type3A_492, %mul3A_497 : vector<16xf32>
    %select_n3A_499 = arith.select %gt3A_495, %mul3A_498, %bitcast_convert_type3A_492 : vector<16xi1>, vector<16xf32>
    %jit3A_500 = arith.constant 1 : i32
    %jit3A_501 = arith.constant 0 : i32
    %broadcast_in_dim3A_502 = vector.broadcast %jit3A_500 : i32 to vector<16xi32>
    %broadcast_in_dim3A_503 = vector.broadcast %jit3A_501 : i32 to vector<16xi32>
    %select_n3A_504 = arith.select %gt3A_495, %broadcast_in_dim3A_502, %broadcast_in_dim3A_503 : vector<16xi1>, vector<16xi32>
    %add3A_505 = arith.addi %sub3A_485, %select_n3A_504 : vector<16xi32>
    %convert_element_type3A_506 = arith.sitofp %add3A_505 : vector<16xi32> to vector<16xf32>
    %sub3A_507 = arith.constant 1.000000e+00 : f32
    %sub3A_508 = vector.broadcast %sub3A_507 : f32 to vector<16xf32>
    %sub3A_509 = arith.subf %select_n3A_499, %sub3A_508 : vector<16xf32>
    %add3A_510 = arith.constant 1.000000e+00 : f32
    %add3A_511 = vector.broadcast %add3A_510 : f32 to vector<16xf32>
    %add3A_512 = arith.addf %select_n3A_499, %add3A_511 : vector<16xf32>
    %div3A_513 = arith.divf %sub3A_509, %add3A_512 : vector<16xf32>
    %mul3A_514 = arith.mulf %div3A_513, %div3A_513 : vector<16xf32>
    %mul3A_515 = arith.constant 0.111111112 : f32
    %mul3A_516 = vector.broadcast %mul3A_515 : f32 to vector<16xf32>
    %mul3A_517 = arith.mulf %mul3A_514, %mul3A_516 : vector<16xf32>
    %add3A_518 = arith.constant 0.142857149 : f32
    %add3A_519 = vector.broadcast %add3A_518 : f32 to vector<16xf32>
    %add3A_520 = arith.addf %add3A_519, %mul3A_517 : vector<16xf32>
    %mul3A_521 = arith.mulf %mul3A_514, %add3A_520 : vector<16xf32>
    %add3A_522 = arith.constant 2.000000e-01 : f32
    %add3A_523 = vector.broadcast %add3A_522 : f32 to vector<16xf32>
    %add3A_524 = arith.addf %add3A_523, %mul3A_521 : vector<16xf32>
    %mul3A_525 = arith.mulf %mul3A_514, %add3A_524 : vector<16xf32>
    %add3A_526 = arith.constant 0.333333343 : f32
    %add3A_527 = vector.broadcast %add3A_526 : f32 to vector<16xf32>
    %add3A_528 = arith.addf %add3A_527, %mul3A_525 : vector<16xf32>
    %mul3A_529 = arith.mulf %mul3A_514, %add3A_528 : vector<16xf32>
    %add3A_530 = arith.constant 1.000000e+00 : f32
    %add3A_531 = vector.broadcast %add3A_530 : f32 to vector<16xf32>
    %add3A_532 = arith.addf %add3A_531, %mul3A_529 : vector<16xf32>
    %mul3A_533 = arith.constant 0.693147182 : f32
    %mul3A_534 = vector.broadcast %mul3A_533 : f32 to vector<16xf32>
    %mul3A_535 = arith.mulf %convert_element_type3A_506, %mul3A_534 : vector<16xf32>
    %mul3A_536 = arith.constant 2.000000e+00 : f32
    %mul3A_537 = vector.broadcast %mul3A_536 : f32 to vector<16xf32>
    %mul3A_538 = arith.mulf %mul3A_537, %div3A_513 : vector<16xf32>
    %mul3A_539 = arith.mulf %mul3A_538, %add3A_532 : vector<16xf32>
    %add3A_540 = arith.addf %mul3A_535, %mul3A_539 : vector<16xf32>
    %mul3A_541 = arith.mulf %get3A_474, %add3A_540 : vector<16xf32>
    %jit3A_542 = arith.constant 0.000000e+00 : f32
    %broadcast_in_dim3A_543 = vector.broadcast %jit3A_542 : f32 to vector<16xf32>
    %select_n3A_544 = arith.select %and3A_478, %mul3A_541, %broadcast_in_dim3A_543 : vector<16xi1>, vector<16xf32>
    %add3A_545 = arith.addf %add3A_455, %select_n3A_544 : vector<16xf32>
    %add3A_546 = arith.constant 0 : i32
    %add3A_547 = arith.addi %min3A_1, %add3A_546 : i32
    %add3A_548 = arith.constant 32 : i32
    %add3A_549 = arith.addi %add3A_547, %add3A_548 : i32
    %add3A_550 = vector.broadcast %add3A_549 : i32 to vector<16xi32>
    %add3A_551 = arith.addi %add3A_550, %iota3A : vector<16xi32>
    %ge3A_552 = vector.broadcast %mul3A_0 : i32 to vector<16xi32>
    %ge3A_553 = arith.cmpi sge, %add3A_551, %ge3A_552 : vector<16xi32>
    %get3A_554 = arith.constant 0 : i32
    %get3A_555 = arith.index_cast %get3A_554 : i32 to index
    %get3A_556 = arith.constant 32 : index
    %get3A_557 = tpu.vector_load %arg7[%get3A_555, %get3A_556] {strides = array<i32>} : memref<4x80xf32, #tpu.memory_space<vmem>>, vector<1x16xf32>,
    %get3A_558 = vector.shape_cast %get3A_557 : vector<1x16xf32> to vector<16xf32>
    %get3A_559 = arith.constant 32 : index
    %get3A_560 = tpu.vector_load %arg8[%get3A_559] {strides = array<i32>} : memref<320xi32, #tpu.memory_space<vmem>>, vector<16xi32>,
    %get3A_561 = vector.shape_cast %get3A_560 : vector<16xi32> to vector<16xi32>
    %get3A_562 = arith.constant 32 : index
    %get3A_563 = tpu.vector_load %arg9[%get3A_562] {strides = array<i32>} : memref<320xf32, #tpu.memory_space<vmem>>, vector<16xf32>,
    %get3A_564 = vector.shape_cast %get3A_563 : vector<16xf32> to vector<16xf32>
    %eq3A_565 = arith.constant 0 : i32
    %eq3A_566 = vector.broadcast %eq3A_565 : i32 to vector<16xi32>
    %eq3A_567 = arith.cmpi eq, %get3A_561, %eq3A_566 : vector<16xi32>
    %and3A_568 = arith.andi %ge3A_553, %eq3A_567 : vector<16xi1>
    %bitcast_convert_type3A_569 = tpu.bitcast %get3A_558 : vector<16xf32> -> vector<16xi32>
    %shift_right_logical3A_570 = arith.constant 23 : i32
    %shift_right_logical3A_571 = vector.broadcast %shift_right_logical3A_570 : i32 to vector<16xi32>
    %shift_right_logical3A_572 = arith.shrui %bitcast_convert_type3A_569, %shift_right_logical3A_571 : vector<16xi32>
    %sub3A_573 = arith.constant 127 : i32
    %sub3A_574 = vector.broadcast %sub3A_573 : i32 to vector<16xi32>
    %sub3A_575 = arith.subi %shift_right_logical3A_572, %sub3A_574 : vector<16xi32>
    %and3A_576 = arith.constant 8388607 : i32
    %and3A_577 = vector.broadcast %and3A_576 : i32 to vector<16xi32>
    %and3A_578 = arith.andi %bitcast_convert_type3A_569, %and3A_577 : vector<16xi32>
    %or3A_579 = arith.constant 1065353216 : i32
    %or3A_580 = vector.broadcast %or3A_579 : i32 to vector<16xi32>
    %or3A_581 = arith.ori %and3A_578, %or3A_580 : vector<16xi32>
    %bitcast_convert_type3A_582 = tpu.bitcast %or3A_581 : vector<16xi32> -> vector<16xf32>
    %gt3A_583 = arith.constant 1.41421354 : f32
    %gt3A_584 = vector.broadcast %gt3A_583 : f32 to vector<16xf32>
    %gt3A_585 = arith.cmpf ogt, %bitcast_convert_type3A_582, %gt3A_584 : vector<16xf32>
    %mul3A_586 = arith.constant 5.000000e-01 : f32
    %mul3A_587 = vector.broadcast %mul3A_586 : f32 to vector<16xf32>
    %mul3A_588 = arith.mulf %bitcast_convert_type3A_582, %mul3A_587 : vector<16xf32>
    %select_n3A_589 = arith.select %gt3A_585, %mul3A_588, %bitcast_convert_type3A_582 : vector<16xi1>, vector<16xf32>
    %jit3A_590 = arith.constant 1 : i32
    %jit3A_591 = arith.constant 0 : i32
    %broadcast_in_dim3A_592 = vector.broadcast %jit3A_590 : i32 to vector<16xi32>
    %broadcast_in_dim3A_593 = vector.broadcast %jit3A_591 : i32 to vector<16xi32>
    %select_n3A_594 = arith.select %gt3A_585, %broadcast_in_dim3A_592, %broadcast_in_dim3A_593 : vector<16xi1>, vector<16xi32>
    %add3A_595 = arith.addi %sub3A_575, %select_n3A_594 : vector<16xi32>
    %convert_element_type3A_596 = arith.sitofp %add3A_595 : vector<16xi32> to vector<16xf32>
    %sub3A_597 = arith.constant 1.000000e+00 : f32
    %sub3A_598 = vector.broadcast %sub3A_597 : f32 to vector<16xf32>
    %sub3A_599 = arith.subf %select_n3A_589, %sub3A_598 : vector<16xf32>
    %add3A_600 = arith.constant 1.000000e+00 : f32
    %add3A_601 = vector.broadcast %add3A_600 : f32 to vector<16xf32>
    %add3A_602 = arith.addf %select_n3A_589, %add3A_601 : vector<16xf32>
    %div3A_603 = arith.divf %sub3A_599, %add3A_602 : vector<16xf32>
    %mul3A_604 = arith.mulf %div3A_603, %div3A_603 : vector<16xf32>
    %mul3A_605 = arith.constant 0.111111112 : f32
    %mul3A_606 = vector.broadcast %mul3A_605 : f32 to vector<16xf32>
    %mul3A_607 = arith.mulf %mul3A_604, %mul3A_606 : vector<16xf32>
    %add3A_608 = arith.constant 0.142857149 : f32
    %add3A_609 = vector.broadcast %add3A_608 : f32 to vector<16xf32>
    %add3A_610 = arith.addf %add3A_609, %mul3A_607 : vector<16xf32>
    %mul3A_611 = arith.mulf %mul3A_604, %add3A_610 : vector<16xf32>
    %add3A_612 = arith.constant 2.000000e-01 : f32
    %add3A_613 = vector.broadcast %add3A_612 : f32 to vector<16xf32>
    %add3A_614 = arith.addf %add3A_613, %mul3A_611 : vector<16xf32>
    %mul3A_615 = arith.mulf %mul3A_604, %add3A_614 : vector<16xf32>
    %add3A_616 = arith.constant 0.333333343 : f32
    %add3A_617 = vector.broadcast %add3A_616 : f32 to vector<16xf32>
    %add3A_618 = arith.addf %add3A_617, %mul3A_615 : vector<16xf32>
    %mul3A_619 = arith.mulf %mul3A_604, %add3A_618 : vector<16xf32>
    %add3A_620 = arith.constant 1.000000e+00 : f32
    %add3A_621 = vector.broadcast %add3A_620 : f32 to vector<16xf32>
    %add3A_622 = arith.addf %add3A_621, %mul3A_619 : vector<16xf32>
    %mul3A_623 = arith.constant 0.693147182 : f32
    %mul3A_624 = vector.broadcast %mul3A_623 : f32 to vector<16xf32>
    %mul3A_625 = arith.mulf %convert_element_type3A_596, %mul3A_624 : vector<16xf32>
    %mul3A_626 = arith.constant 2.000000e+00 : f32
    %mul3A_627 = vector.broadcast %mul3A_626 : f32 to vector<16xf32>
    %mul3A_628 = arith.mulf %mul3A_627, %div3A_603 : vector<16xf32>
    %mul3A_629 = arith.mulf %mul3A_628, %add3A_622 : vector<16xf32>
    %add3A_630 = arith.addf %mul3A_625, %mul3A_629 : vector<16xf32>
    %mul3A_631 = arith.mulf %get3A_564, %add3A_630 : vector<16xf32>
    %jit3A_632 = arith.constant 0.000000e+00 : f32
    %broadcast_in_dim3A_633 = vector.broadcast %jit3A_632 : f32 to vector<16xf32>
    %select_n3A_634 = arith.select %and3A_568, %mul3A_631, %broadcast_in_dim3A_633 : vector<16xi1>, vector<16xf32>
    %add3A_635 = arith.addf %add3A_545, %select_n3A_634 : vector<16xf32>
    %add3A_636 = arith.constant 0 : i32
    %add3A_637 = arith.addi %min3A_1, %add3A_636 : i32
    %add3A_638 = arith.constant 48 : i32
    %add3A_639 = arith.addi %add3A_637, %add3A_638 : i32
    %add3A_640 = vector.broadcast %add3A_639 : i32 to vector<16xi32>
    %add3A_641 = arith.addi %add3A_640, %iota3A : vector<16xi32>
    %ge3A_642 = vector.broadcast %mul3A_0 : i32 to vector<16xi32>
    %ge3A_643 = arith.cmpi sge, %add3A_641, %ge3A_642 : vector<16xi32>
    %get3A_644 = arith.constant 0 : i32
    %get3A_645 = arith.index_cast %get3A_644 : i32 to index
    %get3A_646 = arith.constant 48 : index
    %get3A_647 = tpu.vector_load %arg7[%get3A_645, %get3A_646] {strides = array<i32>} : memref<4x80xf32, #tpu.memory_space<vmem>>, vector<1x16xf32>,
    %get3A_648 = vector.shape_cast %get3A_647 : vector<1x16xf32> to vector<16xf32>
    %get3A_649 = arith.constant 48 : index
    %get3A_650 = tpu.vector_load %arg8[%get3A_649] {strides = array<i32>} : memref<320xi32, #tpu.memory_space<vmem>>, vector<16xi32>,
    %get3A_651 = vector.shape_cast %get3A_650 : vector<16xi32> to vector<16xi32>
    %get3A_652 = arith.constant 48 : index
    %get3A_653 = tpu.vector_load %arg9[%get3A_652] {strides = array<i32>} : memref<320xf32, #tpu.memory_space<vmem>>, vector<16xf32>,
    %get3A_654 = vector.shape_cast %get3A_653 : vector<16xf32> to vector<16xf32>
    %eq3A_655 = arith.constant 0 : i32
    %eq3A_656 = vector.broadcast %eq3A_655 : i32 to vector<16xi32>
    %eq3A_657 = arith.cmpi eq, %get3A_651, %eq3A_656 : vector<16xi32>
    %and3A_658 = arith.andi %ge3A_643, %eq3A_657 : vector<16xi1>
    %bitcast_convert_type3A_659 = tpu.bitcast %get3A_648 : vector<16xf32> -> vector<16xi32>
    %shift_right_logical3A_660 = arith.constant 23 : i32
    %shift_right_logical3A_661 = vector.broadcast %shift_right_logical3A_660 : i32 to vector<16xi32>
    %shift_right_logical3A_662 = arith.shrui %bitcast_convert_type3A_659, %shift_right_logical3A_661 : vector<16xi32>
    %sub3A_663 = arith.constant 127 : i32
    %sub3A_664 = vector.broadcast %sub3A_663 : i32 to vector<16xi32>
    %sub3A_665 = arith.subi %shift_right_logical3A_662, %sub3A_664 : vector<16xi32>
    %and3A_666 = arith.constant 8388607 : i32
    %and3A_667 = vector.broadcast %and3A_666 : i32 to vector<16xi32>
    %and3A_668 = arith.andi %bitcast_convert_type3A_659, %and3A_667 : vector<16xi32>
    %or3A_669 = arith.constant 1065353216 : i32
    %or3A_670 = vector.broadcast %or3A_669 : i32 to vector<16xi32>
    %or3A_671 = arith.ori %and3A_668, %or3A_670 : vector<16xi32>
    %bitcast_convert_type3A_672 = tpu.bitcast %or3A_671 : vector<16xi32> -> vector<16xf32>
    %gt3A_673 = arith.constant 1.41421354 : f32
    %gt3A_674 = vector.broadcast %gt3A_673 : f32 to vector<16xf32>
    %gt3A_675 = arith.cmpf ogt, %bitcast_convert_type3A_672, %gt3A_674 : vector<16xf32>
    %mul3A_676 = arith.constant 5.000000e-01 : f32
    %mul3A_677 = vector.broadcast %mul3A_676 : f32 to vector<16xf32>
    %mul3A_678 = arith.mulf %bitcast_convert_type3A_672, %mul3A_677 : vector<16xf32>
    %select_n3A_679 = arith.select %gt3A_675, %mul3A_678, %bitcast_convert_type3A_672 : vector<16xi1>, vector<16xf32>
    %jit3A_680 = arith.constant 1 : i32
    %jit3A_681 = arith.constant 0 : i32
    %broadcast_in_dim3A_682 = vector.broadcast %jit3A_680 : i32 to vector<16xi32>
    %broadcast_in_dim3A_683 = vector.broadcast %jit3A_681 : i32 to vector<16xi32>
    %select_n3A_684 = arith.select %gt3A_675, %broadcast_in_dim3A_682, %broadcast_in_dim3A_683 : vector<16xi1>, vector<16xi32>
    %add3A_685 = arith.addi %sub3A_665, %select_n3A_684 : vector<16xi32>
    %convert_element_type3A_686 = arith.sitofp %add3A_685 : vector<16xi32> to vector<16xf32>
    %sub3A_687 = arith.constant 1.000000e+00 : f32
    %sub3A_688 = vector.broadcast %sub3A_687 : f32 to vector<16xf32>
    %sub3A_689 = arith.subf %select_n3A_679, %sub3A_688 : vector<16xf32>
    %add3A_690 = arith.constant 1.000000e+00 : f32
    %add3A_691 = vector.broadcast %add3A_690 : f32 to vector<16xf32>
    %add3A_692 = arith.addf %select_n3A_679, %add3A_691 : vector<16xf32>
    %div3A_693 = arith.divf %sub3A_689, %add3A_692 : vector<16xf32>
    %mul3A_694 = arith.mulf %div3A_693, %div3A_693 : vector<16xf32>
    %mul3A_695 = arith.constant 0.111111112 : f32
    %mul3A_696 = vector.broadcast %mul3A_695 : f32 to vector<16xf32>
    %mul3A_697 = arith.mulf %mul3A_694, %mul3A_696 : vector<16xf32>
    %add3A_698 = arith.constant 0.142857149 : f32
    %add3A_699 = vector.broadcast %add3A_698 : f32 to vector<16xf32>
    %add3A_700 = arith.addf %add3A_699, %mul3A_697 : vector<16xf32>
    %mul3A_701 = arith.mulf %mul3A_694, %add3A_700 : vector<16xf32>
    %add3A_702 = arith.constant 2.000000e-01 : f32
    %add3A_703 = vector.broadcast %add3A_702 : f32 to vector<16xf32>
    %add3A_704 = arith.addf %add3A_703, %mul3A_701 : vector<16xf32>
    %mul3A_705 = arith.mulf %mul3A_694, %add3A_704 : vector<16xf32>
    %add3A_706 = arith.constant 0.333333343 : f32
    %add3A_707 = vector.broadcast %add3A_706 : f32 to vector<16xf32>
    %add3A_708 = arith.addf %add3A_707, %mul3A_705 : vector<16xf32>
    %mul3A_709 = arith.mulf %mul3A_694, %add3A_708 : vector<16xf32>
    %add3A_710 = arith.constant 1.000000e+00 : f32
    %add3A_711 = vector.broadcast %add3A_710 : f32 to vector<16xf32>
    %add3A_712 = arith.addf %add3A_711, %mul3A_709 : vector<16xf32>
    %mul3A_713 = arith.constant 0.693147182 : f32
    %mul3A_714 = vector.broadcast %mul3A_713 : f32 to vector<16xf32>
    %mul3A_715 = arith.mulf %convert_element_type3A_686, %mul3A_714 : vector<16xf32>
    %mul3A_716 = arith.constant 2.000000e+00 : f32
    %mul3A_717 = vector.broadcast %mul3A_716 : f32 to vector<16xf32>
    %mul3A_718 = arith.mulf %mul3A_717, %div3A_693 : vector<16xf32>
    %mul3A_719 = arith.mulf %mul3A_718, %add3A_712 : vector<16xf32>
    %add3A_720 = arith.addf %mul3A_715, %mul3A_719 : vector<16xf32>
    %mul3A_721 = arith.mulf %get3A_654, %add3A_720 : vector<16xf32>
    %jit3A_722 = arith.constant 0.000000e+00 : f32
    %broadcast_in_dim3A_723 = vector.broadcast %jit3A_722 : f32 to vector<16xf32>
    %select_n3A_724 = arith.select %and3A_658, %mul3A_721, %broadcast_in_dim3A_723 : vector<16xi1>, vector<16xf32>
    %add3A_725 = arith.addf %add3A_635, %select_n3A_724 : vector<16xf32>
    %add3A_726 = arith.constant 0 : i32
    %add3A_727 = arith.addi %min3A_1, %add3A_726 : i32
    %add3A_728 = arith.constant 64 : i32
    %add3A_729 = arith.addi %add3A_727, %add3A_728 : i32
    %add3A_730 = vector.broadcast %add3A_729 : i32 to vector<16xi32>
    %add3A_731 = arith.addi %add3A_730, %iota3A : vector<16xi32>
    %ge3A_732 = vector.broadcast %mul3A_0 : i32 to vector<16xi32>
    %ge3A_733 = arith.cmpi sge, %add3A_731, %ge3A_732 : vector<16xi32>
    %get3A_734 = arith.constant 0 : i32
    %get3A_735 = arith.index_cast %get3A_734 : i32 to index
    %get3A_736 = arith.constant 64 : index
    %get3A_737 = tpu.vector_load %arg7[%get3A_735, %get3A_736] {strides = array<i32>} : memref<4x80xf32, #tpu.memory_space<vmem>>, vector<1x16xf32>,
    %get3A_738 = vector.shape_cast %get3A_737 : vector<1x16xf32> to vector<16xf32>
    %get3A_739 = arith.constant 64 : index
    %get3A_740 = tpu.vector_load %arg8[%get3A_739] {strides = array<i32>} : memref<320xi32, #tpu.memory_space<vmem>>, vector<16xi32>,
    %get3A_741 = vector.shape_cast %get3A_740 : vector<16xi32> to vector<16xi32>
    %get3A_742 = arith.constant 64 : index
    %get3A_743 = tpu.vector_load %arg9[%get3A_742] {strides = array<i32>} : memref<320xf32, #tpu.memory_space<vmem>>, vector<16xf32>,
    %get3A_744 = vector.shape_cast %get3A_743 : vector<16xf32> to vector<16xf32>
    %eq3A_745 = arith.constant 0 : i32
    %eq3A_746 = vector.broadcast %eq3A_745 : i32 to vector<16xi32>
    %eq3A_747 = arith.cmpi eq, %get3A_741, %eq3A_746 : vector<16xi32>
    %and3A_748 = arith.andi %ge3A_733, %eq3A_747 : vector<16xi1>
    %bitcast_convert_type3A_749 = tpu.bitcast %get3A_738 : vector<16xf32> -> vector<16xi32>
    %shift_right_logical3A_750 = arith.constant 23 : i32
    %shift_right_logical3A_751 = vector.broadcast %shift_right_logical3A_750 : i32 to vector<16xi32>
    %shift_right_logical3A_752 = arith.shrui %bitcast_convert_type3A_749, %shift_right_logical3A_751 : vector<16xi32>
    %sub3A_753 = arith.constant 127 : i32
    %sub3A_754 = vector.broadcast %sub3A_753 : i32 to vector<16xi32>
    %sub3A_755 = arith.subi %shift_right_logical3A_752, %sub3A_754 : vector<16xi32>
    %and3A_756 = arith.constant 8388607 : i32
    %and3A_757 = vector.broadcast %and3A_756 : i32 to vector<16xi32>
    %and3A_758 = arith.andi %bitcast_convert_type3A_749, %and3A_757 : vector<16xi32>
    %or3A_759 = arith.constant 1065353216 : i32
    %or3A_760 = vector.broadcast %or3A_759 : i32 to vector<16xi32>
    %or3A_761 = arith.ori %and3A_758, %or3A_760 : vector<16xi32>
    %bitcast_convert_type3A_762 = tpu.bitcast %or3A_761 : vector<16xi32> -> vector<16xf32>
    %gt3A_763 = arith.constant 1.41421354 : f32
    %gt3A_764 = vector.broadcast %gt3A_763 : f32 to vector<16xf32>
    %gt3A_765 = arith.cmpf ogt, %bitcast_convert_type3A_762, %gt3A_764 : vector<16xf32>
    %mul3A_766 = arith.constant 5.000000e-01 : f32
    %mul3A_767 = vector.broadcast %mul3A_766 : f32 to vector<16xf32>
    %mul3A_768 = arith.mulf %bitcast_convert_type3A_762, %mul3A_767 : vector<16xf32>
    %select_n3A_769 = arith.select %gt3A_765, %mul3A_768, %bitcast_convert_type3A_762 : vector<16xi1>, vector<16xf32>
    %jit3A_770 = arith.constant 1 : i32
    %jit3A_771 = arith.constant 0 : i32
    %broadcast_in_dim3A_772 = vector.broadcast %jit3A_770 : i32 to vector<16xi32>
    %broadcast_in_dim3A_773 = vector.broadcast %jit3A_771 : i32 to vector<16xi32>
    %select_n3A_774 = arith.select %gt3A_765, %broadcast_in_dim3A_772, %broadcast_in_dim3A_773 : vector<16xi1>, vector<16xi32>
    %add3A_775 = arith.addi %sub3A_755, %select_n3A_774 : vector<16xi32>
    %convert_element_type3A_776 = arith.sitofp %add3A_775 : vector<16xi32> to vector<16xf32>
    %sub3A_777 = arith.constant 1.000000e+00 : f32
    %sub3A_778 = vector.broadcast %sub3A_777 : f32 to vector<16xf32>
    %sub3A_779 = arith.subf %select_n3A_769, %sub3A_778 : vector<16xf32>
    %add3A_780 = arith.constant 1.000000e+00 : f32
    %add3A_781 = vector.broadcast %add3A_780 : f32 to vector<16xf32>
    %add3A_782 = arith.addf %select_n3A_769, %add3A_781 : vector<16xf32>
    %div3A_783 = arith.divf %sub3A_779, %add3A_782 : vector<16xf32>
    %mul3A_784 = arith.mulf %div3A_783, %div3A_783 : vector<16xf32>
    %mul3A_785 = arith.constant 0.111111112 : f32
    %mul3A_786 = vector.broadcast %mul3A_785 : f32 to vector<16xf32>
    %mul3A_787 = arith.mulf %mul3A_784, %mul3A_786 : vector<16xf32>
    %add3A_788 = arith.constant 0.142857149 : f32
    %add3A_789 = vector.broadcast %add3A_788 : f32 to vector<16xf32>
    %add3A_790 = arith.addf %add3A_789, %mul3A_787 : vector<16xf32>
    %mul3A_791 = arith.mulf %mul3A_784, %add3A_790 : vector<16xf32>
    %add3A_792 = arith.constant 2.000000e-01 : f32
    %add3A_793 = vector.broadcast %add3A_792 : f32 to vector<16xf32>
    %add3A_794 = arith.addf %add3A_793, %mul3A_791 : vector<16xf32>
    %mul3A_795 = arith.mulf %mul3A_784, %add3A_794 : vector<16xf32>
    %add3A_796 = arith.constant 0.333333343 : f32
    %add3A_797 = vector.broadcast %add3A_796 : f32 to vector<16xf32>
    %add3A_798 = arith.addf %add3A_797, %mul3A_795 : vector<16xf32>
    %mul3A_799 = arith.mulf %mul3A_784, %add3A_798 : vector<16xf32>
    %add3A_800 = arith.constant 1.000000e+00 : f32
    %add3A_801 = vector.broadcast %add3A_800 : f32 to vector<16xf32>
    %add3A_802 = arith.addf %add3A_801, %mul3A_799 : vector<16xf32>
    %mul3A_803 = arith.constant 0.693147182 : f32
    %mul3A_804 = vector.broadcast %mul3A_803 : f32 to vector<16xf32>
    %mul3A_805 = arith.mulf %convert_element_type3A_776, %mul3A_804 : vector<16xf32>
    %mul3A_806 = arith.constant 2.000000e+00 : f32
    %mul3A_807 = vector.broadcast %mul3A_806 : f32 to vector<16xf32>
    %mul3A_808 = arith.mulf %mul3A_807, %div3A_783 : vector<16xf32>
    %mul3A_809 = arith.mulf %mul3A_808, %add3A_802 : vector<16xf32>
    %add3A_810 = arith.addf %mul3A_805, %mul3A_809 : vector<16xf32>
    %mul3A_811 = arith.mulf %get3A_744, %add3A_810 : vector<16xf32>
    %jit3A_812 = arith.constant 0.000000e+00 : f32
    %broadcast_in_dim3A_813 = vector.broadcast %jit3A_812 : f32 to vector<16xf32>
    %select_n3A_814 = arith.select %and3A_748, %mul3A_811, %broadcast_in_dim3A_813 : vector<16xi1>, vector<16xf32>
    %add3A_815 = arith.addf %add3A_725, %select_n3A_814 : vector<16xf32>
    %add3A_816 = arith.constant 80 : i32
    %add3A_817 = arith.addi %min3A_1, %add3A_816 : i32
    %add3A_818 = arith.constant 0 : i32
    %add3A_819 = arith.addi %add3A_817, %add3A_818 : i32
    %add3A_820 = vector.broadcast %add3A_819 : i32 to vector<16xi32>
    %add3A_821 = arith.addi %add3A_820, %iota3A : vector<16xi32>
    %ge3A_822 = vector.broadcast %mul3A_0 : i32 to vector<16xi32>
    %ge3A_823 = arith.cmpi sge, %add3A_821, %ge3A_822 : vector<16xi32>
    %get3A_824 = arith.constant 1 : i32
    %get3A_825 = arith.index_cast %get3A_824 : i32 to index
    %get3A_826 = arith.constant 0 : index
    %get3A_827 = tpu.vector_load %arg7[%get3A_825, %get3A_826] {strides = array<i32>} : memref<4x80xf32, #tpu.memory_space<vmem>>, vector<1x16xf32>,
    %get3A_828 = vector.shape_cast %get3A_827 : vector<1x16xf32> to vector<16xf32>
    %get3A_829 = arith.constant 80 : index
    %get3A_830 = tpu.vector_load %arg8[%get3A_829] {strides = array<i32>} : memref<320xi32, #tpu.memory_space<vmem>>, vector<16xi32>,
    %get3A_831 = vector.shape_cast %get3A_830 : vector<16xi32> to vector<16xi32>
    %get3A_832 = arith.constant 80 : index
    %get3A_833 = tpu.vector_load %arg9[%get3A_832] {strides = array<i32>} : memref<320xf32, #tpu.memory_space<vmem>>, vector<16xf32>,
    %get3A_834 = vector.shape_cast %get3A_833 : vector<16xf32> to vector<16xf32>
    %eq3A_835 = arith.constant 0 : i32
    %eq3A_836 = vector.broadcast %eq3A_835 : i32 to vector<16xi32>
    %eq3A_837 = arith.cmpi eq, %get3A_831, %eq3A_836 : vector<16xi32>
    %and3A_838 = arith.andi %ge3A_823, %eq3A_837 : vector<16xi1>
    %bitcast_convert_type3A_839 = tpu.bitcast %get3A_828 : vector<16xf32> -> vector<16xi32>
    %shift_right_logical3A_840 = arith.constant 23 : i32
    %shift_right_logical3A_841 = vector.broadcast %shift_right_logical3A_840 : i32 to vector<16xi32>
    %shift_right_logical3A_842 = arith.shrui %bitcast_convert_type3A_839, %shift_right_logical3A_841 : vector<16xi32>
    %sub3A_843 = arith.constant 127 : i32
    %sub3A_844 = vector.broadcast %sub3A_843 : i32 to vector<16xi32>
    %sub3A_845 = arith.subi %shift_right_logical3A_842, %sub3A_844 : vector<16xi32>
    %and3A_846 = arith.constant 8388607 : i32
    %and3A_847 = vector.broadcast %and3A_846 : i32 to vector<16xi32>
    %and3A_848 = arith.andi %bitcast_convert_type3A_839, %and3A_847 : vector<16xi32>
    %or3A_849 = arith.constant 1065353216 : i32
    %or3A_850 = vector.broadcast %or3A_849 : i32 to vector<16xi32>
    %or3A_851 = arith.ori %and3A_848, %or3A_850 : vector<16xi32>
    %bitcast_convert_type3A_852 = tpu.bitcast %or3A_851 : vector<16xi32> -> vector<16xf32>
    %gt3A_853 = arith.constant 1.41421354 : f32
    %gt3A_854 = vector.broadcast %gt3A_853 : f32 to vector<16xf32>
    %gt3A_855 = arith.cmpf ogt, %bitcast_convert_type3A_852, %gt3A_854 : vector<16xf32>
    %mul3A_856 = arith.constant 5.000000e-01 : f32
    %mul3A_857 = vector.broadcast %mul3A_856 : f32 to vector<16xf32>
    %mul3A_858 = arith.mulf %bitcast_convert_type3A_852, %mul3A_857 : vector<16xf32>
    %select_n3A_859 = arith.select %gt3A_855, %mul3A_858, %bitcast_convert_type3A_852 : vector<16xi1>, vector<16xf32>
    %jit3A_860 = arith.constant 1 : i32
    %jit3A_861 = arith.constant 0 : i32
    %broadcast_in_dim3A_862 = vector.broadcast %jit3A_860 : i32 to vector<16xi32>
    %broadcast_in_dim3A_863 = vector.broadcast %jit3A_861 : i32 to vector<16xi32>
    %select_n3A_864 = arith.select %gt3A_855, %broadcast_in_dim3A_862, %broadcast_in_dim3A_863 : vector<16xi1>, vector<16xi32>
    %add3A_865 = arith.addi %sub3A_845, %select_n3A_864 : vector<16xi32>
    %convert_element_type3A_866 = arith.sitofp %add3A_865 : vector<16xi32> to vector<16xf32>
    %sub3A_867 = arith.constant 1.000000e+00 : f32
    %sub3A_868 = vector.broadcast %sub3A_867 : f32 to vector<16xf32>
    %sub3A_869 = arith.subf %select_n3A_859, %sub3A_868 : vector<16xf32>
    %add3A_870 = arith.constant 1.000000e+00 : f32
    %add3A_871 = vector.broadcast %add3A_870 : f32 to vector<16xf32>
    %add3A_872 = arith.addf %select_n3A_859, %add3A_871 : vector<16xf32>
    %div3A_873 = arith.divf %sub3A_869, %add3A_872 : vector<16xf32>
    %mul3A_874 = arith.mulf %div3A_873, %div3A_873 : vector<16xf32>
    %mul3A_875 = arith.constant 0.111111112 : f32
    %mul3A_876 = vector.broadcast %mul3A_875 : f32 to vector<16xf32>
    %mul3A_877 = arith.mulf %mul3A_874, %mul3A_876 : vector<16xf32>
    %add3A_878 = arith.constant 0.142857149 : f32
    %add3A_879 = vector.broadcast %add3A_878 : f32 to vector<16xf32>
    %add3A_880 = arith.addf %add3A_879, %mul3A_877 : vector<16xf32>
    %mul3A_881 = arith.mulf %mul3A_874, %add3A_880 : vector<16xf32>
    %add3A_882 = arith.constant 2.000000e-01 : f32
    %add3A_883 = vector.broadcast %add3A_882 : f32 to vector<16xf32>
    %add3A_884 = arith.addf %add3A_883, %mul3A_881 : vector<16xf32>
    %mul3A_885 = arith.mulf %mul3A_874, %add3A_884 : vector<16xf32>
    %add3A_886 = arith.constant 0.333333343 : f32
    %add3A_887 = vector.broadcast %add3A_886 : f32 to vector<16xf32>
    %add3A_888 = arith.addf %add3A_887, %mul3A_885 : vector<16xf32>
    %mul3A_889 = arith.mulf %mul3A_874, %add3A_888 : vector<16xf32>
    %add3A_890 = arith.constant 1.000000e+00 : f32
    %add3A_891 = vector.broadcast %add3A_890 : f32 to vector<16xf32>
    %add3A_892 = arith.addf %add3A_891, %mul3A_889 : vector<16xf32>
    %mul3A_893 = arith.constant 0.693147182 : f32
    %mul3A_894 = vector.broadcast %mul3A_893 : f32 to vector<16xf32>
    %mul3A_895 = arith.mulf %convert_element_type3A_866, %mul3A_894 : vector<16xf32>
    %mul3A_896 = arith.constant 2.000000e+00 : f32
    %mul3A_897 = vector.broadcast %mul3A_896 : f32 to vector<16xf32>
    %mul3A_898 = arith.mulf %mul3A_897, %div3A_873 : vector<16xf32>
    %mul3A_899 = arith.mulf %mul3A_898, %add3A_892 : vector<16xf32>
    %add3A_900 = arith.addf %mul3A_895, %mul3A_899 : vector<16xf32>
    %mul3A_901 = arith.mulf %get3A_834, %add3A_900 : vector<16xf32>
    %jit3A_902 = arith.constant 0.000000e+00 : f32
    %broadcast_in_dim3A_903 = vector.broadcast %jit3A_902 : f32 to vector<16xf32>
    %select_n3A_904 = arith.select %and3A_838, %mul3A_901, %broadcast_in_dim3A_903 : vector<16xi1>, vector<16xf32>
    %add3A_905 = arith.addf %add3A_815, %select_n3A_904 : vector<16xf32>
    %add3A_906 = arith.constant 80 : i32
    %add3A_907 = arith.addi %min3A_1, %add3A_906 : i32
    %add3A_908 = arith.constant 16 : i32
    %add3A_909 = arith.addi %add3A_907, %add3A_908 : i32
    %add3A_910 = vector.broadcast %add3A_909 : i32 to vector<16xi32>
    %add3A_911 = arith.addi %add3A_910, %iota3A : vector<16xi32>
    %ge3A_912 = vector.broadcast %mul3A_0 : i32 to vector<16xi32>
    %ge3A_913 = arith.cmpi sge, %add3A_911, %ge3A_912 : vector<16xi32>
    %get3A_914 = arith.constant 1 : i32
    %get3A_915 = arith.index_cast %get3A_914 : i32 to index
    %get3A_916 = arith.constant 16 : index
    %get3A_917 = tpu.vector_load %arg7[%get3A_915, %get3A_916] {strides = array<i32>} : memref<4x80xf32, #tpu.memory_space<vmem>>, vector<1x16xf32>,
    %get3A_918 = vector.shape_cast %get3A_917 : vector<1x16xf32> to vector<16xf32>
    %get3A_919 = arith.constant 96 : index
    %get3A_920 = tpu.vector_load %arg8[%get3A_919] {strides = array<i32>} : memref<320xi32, #tpu.memory_space<vmem>>, vector<16xi32>,
    %get3A_921 = vector.shape_cast %get3A_920 : vector<16xi32> to vector<16xi32>
    %get3A_922 = arith.constant 96 : index
    %get3A_923 = tpu.vector_load %arg9[%get3A_922] {strides = array<i32>} : memref<320xf32, #tpu.memory_space<vmem>>, vector<16xf32>,
    %get3A_924 = vector.shape_cast %get3A_923 : vector<16xf32> to vector<16xf32>
    %eq3A_925 = arith.constant 0 : i32
    %eq3A_926 = vector.broadcast %eq3A_925 : i32 to vector<16xi32>
    %eq3A_927 = arith.cmpi eq, %get3A_921, %eq3A_926 : vector<16xi32>
    %and3A_928 = arith.andi %ge3A_913, %eq3A_927 : vector<16xi1>
    %bitcast_convert_type3A_929 = tpu.bitcast %get3A_918 : vector<16xf32> -> vector<16xi32>
    %shift_right_logical3A_930 = arith.constant 23 : i32
    %shift_right_logical3A_931 = vector.broadcast %shift_right_logical3A_930 : i32 to vector<16xi32>
    %shift_right_logical3A_932 = arith.shrui %bitcast_convert_type3A_929, %shift_right_logical3A_931 : vector<16xi32>
    %sub3A_933 = arith.constant 127 : i32
    %sub3A_934 = vector.broadcast %sub3A_933 : i32 to vector<16xi32>
    %sub3A_935 = arith.subi %shift_right_logical3A_932, %sub3A_934 : vector<16xi32>
    %and3A_936 = arith.constant 8388607 : i32
    %and3A_937 = vector.broadcast %and3A_936 : i32 to vector<16xi32>
    %and3A_938 = arith.andi %bitcast_convert_type3A_929, %and3A_937 : vector<16xi32>
    %or3A_939 = arith.constant 1065353216 : i32
    %or3A_940 = vector.broadcast %or3A_939 : i32 to vector<16xi32>
    %or3A_941 = arith.ori %and3A_938, %or3A_940 : vector<16xi32>
    %bitcast_convert_type3A_942 = tpu.bitcast %or3A_941 : vector<16xi32> -> vector<16xf32>
    %gt3A_943 = arith.constant 1.41421354 : f32
    %gt3A_944 = vector.broadcast %gt3A_943 : f32 to vector<16xf32>
    %gt3A_945 = arith.cmpf ogt, %bitcast_convert_type3A_942, %gt3A_944 : vector<16xf32>
    %mul3A_946 = arith.constant 5.000000e-01 : f32
    %mul3A_947 = vector.broadcast %mul3A_946 : f32 to vector<16xf32>
    %mul3A_948 = arith.mulf %bitcast_convert_type3A_942, %mul3A_947 : vector<16xf32>
    %select_n3A_949 = arith.select %gt3A_945, %mul3A_948, %bitcast_convert_type3A_942 : vector<16xi1>, vector<16xf32>
    %jit3A_950 = arith.constant 1 : i32
    %jit3A_951 = arith.constant 0 : i32
    %broadcast_in_dim3A_952 = vector.broadcast %jit3A_950 : i32 to vector<16xi32>
    %broadcast_in_dim3A_953 = vector.broadcast %jit3A_951 : i32 to vector<16xi32>
    %select_n3A_954 = arith.select %gt3A_945, %broadcast_in_dim3A_952, %broadcast_in_dim3A_953 : vector<16xi1>, vector<16xi32>
    %add3A_955 = arith.addi %sub3A_935, %select_n3A_954 : vector<16xi32>
    %convert_element_type3A_956 = arith.sitofp %add3A_955 : vector<16xi32> to vector<16xf32>
    %sub3A_957 = arith.constant 1.000000e+00 : f32
    %sub3A_958 = vector.broadcast %sub3A_957 : f32 to vector<16xf32>
    %sub3A_959 = arith.subf %select_n3A_949, %sub3A_958 : vector<16xf32>
    %add3A_960 = arith.constant 1.000000e+00 : f32
    %add3A_961 = vector.broadcast %add3A_960 : f32 to vector<16xf32>
    %add3A_962 = arith.addf %select_n3A_949, %add3A_961 : vector<16xf32>
    %div3A_963 = arith.divf %sub3A_959, %add3A_962 : vector<16xf32>
    %mul3A_964 = arith.mulf %div3A_963, %div3A_963 : vector<16xf32>
    %mul3A_965 = arith.constant 0.111111112 : f32
    %mul3A_966 = vector.broadcast %mul3A_965 : f32 to vector<16xf32>
    %mul3A_967 = arith.mulf %mul3A_964, %mul3A_966 : vector<16xf32>
    %add3A_968 = arith.constant 0.142857149 : f32
    %add3A_969 = vector.broadcast %add3A_968 : f32 to vector<16xf32>
    %add3A_970 = arith.addf %add3A_969, %mul3A_967 : vector<16xf32>
    %mul3A_971 = arith.mulf %mul3A_964, %add3A_970 : vector<16xf32>
    %add3A_972 = arith.constant 2.000000e-01 : f32
    %add3A_973 = vector.broadcast %add3A_972 : f32 to vector<16xf32>
    %add3A_974 = arith.addf %add3A_973, %mul3A_971 : vector<16xf32>
    %mul3A_975 = arith.mulf %mul3A_964, %add3A_974 : vector<16xf32>
    %add3A_976 = arith.constant 0.333333343 : f32
    %add3A_977 = vector.broadcast %add3A_976 : f32 to vector<16xf32>
    %add3A_978 = arith.addf %add3A_977, %mul3A_975 : vector<16xf32>
    %mul3A_979 = arith.mulf %mul3A_964, %add3A_978 : vector<16xf32>
    %add3A_980 = arith.constant 1.000000e+00 : f32
    %add3A_981 = vector.broadcast %add3A_980 : f32 to vector<16xf32>
    %add3A_982 = arith.addf %add3A_981, %mul3A_979 : vector<16xf32>
    %mul3A_983 = arith.constant 0.693147182 : f32
    %mul3A_984 = vector.broadcast %mul3A_983 : f32 to vector<16xf32>
    %mul3A_985 = arith.mulf %convert_element_type3A_956, %mul3A_984 : vector<16xf32>
    %mul3A_986 = arith.constant 2.000000e+00 : f32
    %mul3A_987 = vector.broadcast %mul3A_986 : f32 to vector<16xf32>
    %mul3A_988 = arith.mulf %mul3A_987, %div3A_963 : vector<16xf32>
    %mul3A_989 = arith.mulf %mul3A_988, %add3A_982 : vector<16xf32>
    %add3A_990 = arith.addf %mul3A_985, %mul3A_989 : vector<16xf32>
    %mul3A_991 = arith.mulf %get3A_924, %add3A_990 : vector<16xf32>
    %jit3A_992 = arith.constant 0.000000e+00 : f32
    %broadcast_in_dim3A_993 = vector.broadcast %jit3A_992 : f32 to vector<16xf32>
    %select_n3A_994 = arith.select %and3A_928, %mul3A_991, %broadcast_in_dim3A_993 : vector<16xi1>, vector<16xf32>
    %add3A_995 = arith.addf %add3A_905, %select_n3A_994 : vector<16xf32>
    %add3A_996 = arith.constant 80 : i32
    %add3A_997 = arith.addi %min3A_1, %add3A_996 : i32
    %add3A_998 = arith.constant 32 : i32
    %add3A_999 = arith.addi %add3A_997, %add3A_998 : i32
    %add3A_1000 = vector.broadcast %add3A_999 : i32 to vector<16xi32>
    %add3A_1001 = arith.addi %add3A_1000, %iota3A : vector<16xi32>
    %ge3A_1002 = vector.broadcast %mul3A_0 : i32 to vector<16xi32>
    %ge3A_1003 = arith.cmpi sge, %add3A_1001, %ge3A_1002 : vector<16xi32>
    %get3A_1004 = arith.constant 1 : i32
    %get3A_1005 = arith.index_cast %get3A_1004 : i32 to index
    %get3A_1006 = arith.constant 32 : index
    %get3A_1007 = tpu.vector_load %arg7[%get3A_1005, %get3A_1006] {strides = array<i32>} : memref<4x80xf32, #tpu.memory_space<vmem>>, vector<1x16xf32>,
    %get3A_1008 = vector.shape_cast %get3A_1007 : vector<1x16xf32> to vector<16xf32>
    %get3A_1009 = arith.constant 112 : index
    %get3A_1010 = tpu.vector_load %arg8[%get3A_1009] {strides = array<i32>} : memref<320xi32, #tpu.memory_space<vmem>>, vector<16xi32>,
    %get3A_1011 = vector.shape_cast %get3A_1010 : vector<16xi32> to vector<16xi32>
    %get3A_1012 = arith.constant 112 : index
    %get3A_1013 = tpu.vector_load %arg9[%get3A_1012] {strides = array<i32>} : memref<320xf32, #tpu.memory_space<vmem>>, vector<16xf32>,
    %get3A_1014 = vector.shape_cast %get3A_1013 : vector<16xf32> to vector<16xf32>
    %eq3A_1015 = arith.constant 0 : i32
    %eq3A_1016 = vector.broadcast %eq3A_1015 : i32 to vector<16xi32>
    %eq3A_1017 = arith.cmpi eq, %get3A_1011, %eq3A_1016 : vector<16xi32>
    %and3A_1018 = arith.andi %ge3A_1003, %eq3A_1017 : vector<16xi1>
    %bitcast_convert_type3A_1019 = tpu.bitcast %get3A_1008 : vector<16xf32> -> vector<16xi32>
    %shift_right_logical3A_1020 = arith.constant 23 : i32
    %shift_right_logical3A_1021 = vector.broadcast %shift_right_logical3A_1020 : i32 to vector<16xi32>
    %shift_right_logical3A_1022 = arith.shrui %bitcast_convert_type3A_1019, %shift_right_logical3A_1021 : vector<16xi32>
    %sub3A_1023 = arith.constant 127 : i32
    %sub3A_1024 = vector.broadcast %sub3A_1023 : i32 to vector<16xi32>
    %sub3A_1025 = arith.subi %shift_right_logical3A_1022, %sub3A_1024 : vector<16xi32>
    %and3A_1026 = arith.constant 8388607 : i32
    %and3A_1027 = vector.broadcast %and3A_1026 : i32 to vector<16xi32>
    %and3A_1028 = arith.andi %bitcast_convert_type3A_1019, %and3A_1027 : vector<16xi32>
    %or3A_1029 = arith.constant 1065353216 : i32
    %or3A_1030 = vector.broadcast %or3A_1029 : i32 to vector<16xi32>
    %or3A_1031 = arith.ori %and3A_1028, %or3A_1030 : vector<16xi32>
    %bitcast_convert_type3A_1032 = tpu.bitcast %or3A_1031 : vector<16xi32> -> vector<16xf32>
    %gt3A_1033 = arith.constant 1.41421354 : f32
    %gt3A_1034 = vector.broadcast %gt3A_1033 : f32 to vector<16xf32>
    %gt3A_1035 = arith.cmpf ogt, %bitcast_convert_type3A_1032, %gt3A_1034 : vector<16xf32>
    %mul3A_1036 = arith.constant 5.000000e-01 : f32
    %mul3A_1037 = vector.broadcast %mul3A_1036 : f32 to vector<16xf32>
    %mul3A_1038 = arith.mulf %bitcast_convert_type3A_1032, %mul3A_1037 : vector<16xf32>
    %select_n3A_1039 = arith.select %gt3A_1035, %mul3A_1038, %bitcast_convert_type3A_1032 : vector<16xi1>, vector<16xf32>
    %jit3A_1040 = arith.constant 1 : i32
    %jit3A_1041 = arith.constant 0 : i32
    %broadcast_in_dim3A_1042 = vector.broadcast %jit3A_1040 : i32 to vector<16xi32>
    %broadcast_in_dim3A_1043 = vector.broadcast %jit3A_1041 : i32 to vector<16xi32>
    %select_n3A_1044 = arith.select %gt3A_1035, %broadcast_in_dim3A_1042, %broadcast_in_dim3A_1043 : vector<16xi1>, vector<16xi32>
    %add3A_1045 = arith.addi %sub3A_1025, %select_n3A_1044 : vector<16xi32>
    %convert_element_type3A_1046 = arith.sitofp %add3A_1045 : vector<16xi32> to vector<16xf32>
    %sub3A_1047 = arith.constant 1.000000e+00 : f32
    %sub3A_1048 = vector.broadcast %sub3A_1047 : f32 to vector<16xf32>
    %sub3A_1049 = arith.subf %select_n3A_1039, %sub3A_1048 : vector<16xf32>
    %add3A_1050 = arith.constant 1.000000e+00 : f32
    %add3A_1051 = vector.broadcast %add3A_1050 : f32 to vector<16xf32>
    %add3A_1052 = arith.addf %select_n3A_1039, %add3A_1051 : vector<16xf32>
    %div3A_1053 = arith.divf %sub3A_1049, %add3A_1052 : vector<16xf32>
    %mul3A_1054 = arith.mulf %div3A_1053, %div3A_1053 : vector<16xf32>
    %mul3A_1055 = arith.constant 0.111111112 : f32
    %mul3A_1056 = vector.broadcast %mul3A_1055 : f32 to vector<16xf32>
    %mul3A_1057 = arith.mulf %mul3A_1054, %mul3A_1056 : vector<16xf32>
    %add3A_1058 = arith.constant 0.142857149 : f32
    %add3A_1059 = vector.broadcast %add3A_1058 : f32 to vector<16xf32>
    %add3A_1060 = arith.addf %add3A_1059, %mul3A_1057 : vector<16xf32>
    %mul3A_1061 = arith.mulf %mul3A_1054, %add3A_1060 : vector<16xf32>
    %add3A_1062 = arith.constant 2.000000e-01 : f32
    %add3A_1063 = vector.broadcast %add3A_1062 : f32 to vector<16xf32>
    %add3A_1064 = arith.addf %add3A_1063, %mul3A_1061 : vector<16xf32>
    %mul3A_1065 = arith.mulf %mul3A_1054, %add3A_1064 : vector<16xf32>
    %add3A_1066 = arith.constant 0.333333343 : f32
    %add3A_1067 = vector.broadcast %add3A_1066 : f32 to vector<16xf32>
    %add3A_1068 = arith.addf %add3A_1067, %mul3A_1065 : vector<16xf32>
    %mul3A_1069 = arith.mulf %mul3A_1054, %add3A_1068 : vector<16xf32>
    %add3A_1070 = arith.constant 1.000000e+00 : f32
    %add3A_1071 = vector.broadcast %add3A_1070 : f32 to vector<16xf32>
    %add3A_1072 = arith.addf %add3A_1071, %mul3A_1069 : vector<16xf32>
    %mul3A_1073 = arith.constant 0.693147182 : f32
    %mul3A_1074 = vector.broadcast %mul3A_1073 : f32 to vector<16xf32>
    %mul3A_1075 = arith.mulf %convert_element_type3A_1046, %mul3A_1074 : vector<16xf32>
    %mul3A_1076 = arith.constant 2.000000e+00 : f32
    %mul3A_1077 = vector.broadcast %mul3A_1076 : f32 to vector<16xf32>
    %mul3A_1078 = arith.mulf %mul3A_1077, %div3A_1053 : vector<16xf32>
    %mul3A_1079 = arith.mulf %mul3A_1078, %add3A_1072 : vector<16xf32>
    %add3A_1080 = arith.addf %mul3A_1075, %mul3A_1079 : vector<16xf32>
    %mul3A_1081 = arith.mulf %get3A_1014, %add3A_1080 : vector<16xf32>
    %jit3A_1082 = arith.constant 0.000000e+00 : f32
    %broadcast_in_dim3A_1083 = vector.broadcast %jit3A_1082 : f32 to vector<16xf32>
    %select_n3A_1084 = arith.select %and3A_1018, %mul3A_1081, %broadcast_in_dim3A_1083 : vector<16xi1>, vector<16xf32>
    %add3A_1085 = arith.addf %add3A_995, %select_n3A_1084 : vector<16xf32>
    %add3A_1086 = arith.constant 80 : i32
    %add3A_1087 = arith.addi %min3A_1, %add3A_1086 : i32
    %add3A_1088 = arith.constant 48 : i32
    %add3A_1089 = arith.addi %add3A_1087, %add3A_1088 : i32
    %add3A_1090 = vector.broadcast %add3A_1089 : i32 to vector<16xi32>
    %add3A_1091 = arith.addi %add3A_1090, %iota3A : vector<16xi32>
    %ge3A_1092 = vector.broadcast %mul3A_0 : i32 to vector<16xi32>
    %ge3A_1093 = arith.cmpi sge, %add3A_1091, %ge3A_1092 : vector<16xi32>
    %get3A_1094 = arith.constant 1 : i32
    %get3A_1095 = arith.index_cast %get3A_1094 : i32 to index
    %get3A_1096 = arith.constant 48 : index
    %get3A_1097 = tpu.vector_load %arg7[%get3A_1095, %get3A_1096] {strides = array<i32>} : memref<4x80xf32, #tpu.memory_space<vmem>>, vector<1x16xf32>,
    %get3A_1098 = vector.shape_cast %get3A_1097 : vector<1x16xf32> to vector<16xf32>
    %get3A_1099 = arith.constant 128 : index
    %get3A_1100 = tpu.vector_load %arg8[%get3A_1099] {strides = array<i32>} : memref<320xi32, #tpu.memory_space<vmem>>, vector<16xi32>,
    %get3A_1101 = vector.shape_cast %get3A_1100 : vector<16xi32> to vector<16xi32>
    %get3A_1102 = arith.constant 128 : index
    %get3A_1103 = tpu.vector_load %arg9[%get3A_1102] {strides = array<i32>} : memref<320xf32, #tpu.memory_space<vmem>>, vector<16xf32>,
    %get3A_1104 = vector.shape_cast %get3A_1103 : vector<16xf32> to vector<16xf32>
    %eq3A_1105 = arith.constant 0 : i32
    %eq3A_1106 = vector.broadcast %eq3A_1105 : i32 to vector<16xi32>
    %eq3A_1107 = arith.cmpi eq, %get3A_1101, %eq3A_1106 : vector<16xi32>
    %and3A_1108 = arith.andi %ge3A_1093, %eq3A_1107 : vector<16xi1>
    %bitcast_convert_type3A_1109 = tpu.bitcast %get3A_1098 : vector<16xf32> -> vector<16xi32>
    %shift_right_logical3A_1110 = arith.constant 23 : i32
    %shift_right_logical3A_1111 = vector.broadcast %shift_right_logical3A_1110 : i32 to vector<16xi32>
    %shift_right_logical3A_1112 = arith.shrui %bitcast_convert_type3A_1109, %shift_right_logical3A_1111 : vector<16xi32>
    %sub3A_1113 = arith.constant 127 : i32
    %sub3A_1114 = vector.broadcast %sub3A_1113 : i32 to vector<16xi32>
    %sub3A_1115 = arith.subi %shift_right_logical3A_1112, %sub3A_1114 : vector<16xi32>
    %and3A_1116 = arith.constant 8388607 : i32
    %and3A_1117 = vector.broadcast %and3A_1116 : i32 to vector<16xi32>
    %and3A_1118 = arith.andi %bitcast_convert_type3A_1109, %and3A_1117 : vector<16xi32>
    %or3A_1119 = arith.constant 1065353216 : i32
    %or3A_1120 = vector.broadcast %or3A_1119 : i32 to vector<16xi32>
    %or3A_1121 = arith.ori %and3A_1118, %or3A_1120 : vector<16xi32>
    %bitcast_convert_type3A_1122 = tpu.bitcast %or3A_1121 : vector<16xi32> -> vector<16xf32>
    %gt3A_1123 = arith.constant 1.41421354 : f32
    %gt3A_1124 = vector.broadcast %gt3A_1123 : f32 to vector<16xf32>
    %gt3A_1125 = arith.cmpf ogt, %bitcast_convert_type3A_1122, %gt3A_1124 : vector<16xf32>
    %mul3A_1126 = arith.constant 5.000000e-01 : f32
    %mul3A_1127 = vector.broadcast %mul3A_1126 : f32 to vector<16xf32>
    %mul3A_1128 = arith.mulf %bitcast_convert_type3A_1122, %mul3A_1127 : vector<16xf32>
    %select_n3A_1129 = arith.select %gt3A_1125, %mul3A_1128, %bitcast_convert_type3A_1122 : vector<16xi1>, vector<16xf32>
    %jit3A_1130 = arith.constant 1 : i32
    %jit3A_1131 = arith.constant 0 : i32
    %broadcast_in_dim3A_1132 = vector.broadcast %jit3A_1130 : i32 to vector<16xi32>
    %broadcast_in_dim3A_1133 = vector.broadcast %jit3A_1131 : i32 to vector<16xi32>
    %select_n3A_1134 = arith.select %gt3A_1125, %broadcast_in_dim3A_1132, %broadcast_in_dim3A_1133 : vector<16xi1>, vector<16xi32>
    %add3A_1135 = arith.addi %sub3A_1115, %select_n3A_1134 : vector<16xi32>
    %convert_element_type3A_1136 = arith.sitofp %add3A_1135 : vector<16xi32> to vector<16xf32>
    %sub3A_1137 = arith.constant 1.000000e+00 : f32
    %sub3A_1138 = vector.broadcast %sub3A_1137 : f32 to vector<16xf32>
    %sub3A_1139 = arith.subf %select_n3A_1129, %sub3A_1138 : vector<16xf32>
    %add3A_1140 = arith.constant 1.000000e+00 : f32
    %add3A_1141 = vector.broadcast %add3A_1140 : f32 to vector<16xf32>
    %add3A_1142 = arith.addf %select_n3A_1129, %add3A_1141 : vector<16xf32>
    %div3A_1143 = arith.divf %sub3A_1139, %add3A_1142 : vector<16xf32>
    %mul3A_1144 = arith.mulf %div3A_1143, %div3A_1143 : vector<16xf32>
    %mul3A_1145 = arith.constant 0.111111112 : f32
    %mul3A_1146 = vector.broadcast %mul3A_1145 : f32 to vector<16xf32>
    %mul3A_1147 = arith.mulf %mul3A_1144, %mul3A_1146 : vector<16xf32>
    %add3A_1148 = arith.constant 0.142857149 : f32
    %add3A_1149 = vector.broadcast %add3A_1148 : f32 to vector<16xf32>
    %add3A_1150 = arith.addf %add3A_1149, %mul3A_1147 : vector<16xf32>
    %mul3A_1151 = arith.mulf %mul3A_1144, %add3A_1150 : vector<16xf32>
    %add3A_1152 = arith.constant 2.000000e-01 : f32
    %add3A_1153 = vector.broadcast %add3A_1152 : f32 to vector<16xf32>
    %add3A_1154 = arith.addf %add3A_1153, %mul3A_1151 : vector<16xf32>
    %mul3A_1155 = arith.mulf %mul3A_1144, %add3A_1154 : vector<16xf32>
    %add3A_1156 = arith.constant 0.333333343 : f32
    %add3A_1157 = vector.broadcast %add3A_1156 : f32 to vector<16xf32>
    %add3A_1158 = arith.addf %add3A_1157, %mul3A_1155 : vector<16xf32>
    %mul3A_1159 = arith.mulf %mul3A_1144, %add3A_1158 : vector<16xf32>
    %add3A_1160 = arith.constant 1.000000e+00 : f32
    %add3A_1161 = vector.broadcast %add3A_1160 : f32 to vector<16xf32>
    %add3A_1162 = arith.addf %add3A_1161, %mul3A_1159 : vector<16xf32>
    %mul3A_1163 = arith.constant 0.693147182 : f32
    %mul3A_1164 = vector.broadcast %mul3A_1163 : f32 to vector<16xf32>
    %mul3A_1165 = arith.mulf %convert_element_type3A_1136, %mul3A_1164 : vector<16xf32>
    %mul3A_1166 = arith.constant 2.000000e+00 : f32
    %mul3A_1167 = vector.broadcast %mul3A_1166 : f32 to vector<16xf32>
    %mul3A_1168 = arith.mulf %mul3A_1167, %div3A_1143 : vector<16xf32>
    %mul3A_1169 = arith.mulf %mul3A_1168, %add3A_1162 : vector<16xf32>
    %add3A_1170 = arith.addf %mul3A_1165, %mul3A_1169 : vector<16xf32>
    %mul3A_1171 = arith.mulf %get3A_1104, %add3A_1170 : vector<16xf32>
    %jit3A_1172 = arith.constant 0.000000e+00 : f32
    %broadcast_in_dim3A_1173 = vector.broadcast %jit3A_1172 : f32 to vector<16xf32>
    %select_n3A_1174 = arith.select %and3A_1108, %mul3A_1171, %broadcast_in_dim3A_1173 : vector<16xi1>, vector<16xf32>
    %add3A_1175 = arith.addf %add3A_1085, %select_n3A_1174 : vector<16xf32>
    %add3A_1176 = arith.constant 80 : i32
    %add3A_1177 = arith.addi %min3A_1, %add3A_1176 : i32
    %add3A_1178 = arith.constant 64 : i32
    %add3A_1179 = arith.addi %add3A_1177, %add3A_1178 : i32
    %add3A_1180 = vector.broadcast %add3A_1179 : i32 to vector<16xi32>
    %add3A_1181 = arith.addi %add3A_1180, %iota3A : vector<16xi32>
    %ge3A_1182 = vector.broadcast %mul3A_0 : i32 to vector<16xi32>
    %ge3A_1183 = arith.cmpi sge, %add3A_1181, %ge3A_1182 : vector<16xi32>
    %get3A_1184 = arith.constant 1 : i32
    %get3A_1185 = arith.index_cast %get3A_1184 : i32 to index
    %get3A_1186 = arith.constant 64 : index
    %get3A_1187 = tpu.vector_load %arg7[%get3A_1185, %get3A_1186] {strides = array<i32>} : memref<4x80xf32, #tpu.memory_space<vmem>>, vector<1x16xf32>,
    %get3A_1188 = vector.shape_cast %get3A_1187 : vector<1x16xf32> to vector<16xf32>
    %get3A_1189 = arith.constant 144 : index
    %get3A_1190 = tpu.vector_load %arg8[%get3A_1189] {strides = array<i32>} : memref<320xi32, #tpu.memory_space<vmem>>, vector<16xi32>,
    %get3A_1191 = vector.shape_cast %get3A_1190 : vector<16xi32> to vector<16xi32>
    %get3A_1192 = arith.constant 144 : index
    %get3A_1193 = tpu.vector_load %arg9[%get3A_1192] {strides = array<i32>} : memref<320xf32, #tpu.memory_space<vmem>>, vector<16xf32>,
    %get3A_1194 = vector.shape_cast %get3A_1193 : vector<16xf32> to vector<16xf32>
    %eq3A_1195 = arith.constant 0 : i32
    %eq3A_1196 = vector.broadcast %eq3A_1195 : i32 to vector<16xi32>
    %eq3A_1197 = arith.cmpi eq, %get3A_1191, %eq3A_1196 : vector<16xi32>
    %and3A_1198 = arith.andi %ge3A_1183, %eq3A_1197 : vector<16xi1>
    %bitcast_convert_type3A_1199 = tpu.bitcast %get3A_1188 : vector<16xf32> -> vector<16xi32>
    %shift_right_logical3A_1200 = arith.constant 23 : i32
    %shift_right_logical3A_1201 = vector.broadcast %shift_right_logical3A_1200 : i32 to vector<16xi32>
    %shift_right_logical3A_1202 = arith.shrui %bitcast_convert_type3A_1199, %shift_right_logical3A_1201 : vector<16xi32>
    %sub3A_1203 = arith.constant 127 : i32
    %sub3A_1204 = vector.broadcast %sub3A_1203 : i32 to vector<16xi32>
    %sub3A_1205 = arith.subi %shift_right_logical3A_1202, %sub3A_1204 : vector<16xi32>
    %and3A_1206 = arith.constant 8388607 : i32
    %and3A_1207 = vector.broadcast %and3A_1206 : i32 to vector<16xi32>
    %and3A_1208 = arith.andi %bitcast_convert_type3A_1199, %and3A_1207 : vector<16xi32>
    %or3A_1209 = arith.constant 1065353216 : i32
    %or3A_1210 = vector.broadcast %or3A_1209 : i32 to vector<16xi32>
    %or3A_1211 = arith.ori %and3A_1208, %or3A_1210 : vector<16xi32>
    %bitcast_convert_type3A_1212 = tpu.bitcast %or3A_1211 : vector<16xi32> -> vector<16xf32>
    %gt3A_1213 = arith.constant 1.41421354 : f32
    %gt3A_1214 = vector.broadcast %gt3A_1213 : f32 to vector<16xf32>
    %gt3A_1215 = arith.cmpf ogt, %bitcast_convert_type3A_1212, %gt3A_1214 : vector<16xf32>
    %mul3A_1216 = arith.constant 5.000000e-01 : f32
    %mul3A_1217 = vector.broadcast %mul3A_1216 : f32 to vector<16xf32>
    %mul3A_1218 = arith.mulf %bitcast_convert_type3A_1212, %mul3A_1217 : vector<16xf32>
    %select_n3A_1219 = arith.select %gt3A_1215, %mul3A_1218, %bitcast_convert_type3A_1212 : vector<16xi1>, vector<16xf32>
    %jit3A_1220 = arith.constant 1 : i32
    %jit3A_1221 = arith.constant 0 : i32
    %broadcast_in_dim3A_1222 = vector.broadcast %jit3A_1220 : i32 to vector<16xi32>
    %broadcast_in_dim3A_1223 = vector.broadcast %jit3A_1221 : i32 to vector<16xi32>
    %select_n3A_1224 = arith.select %gt3A_1215, %broadcast_in_dim3A_1222, %broadcast_in_dim3A_1223 : vector<16xi1>, vector<16xi32>
    %add3A_1225 = arith.addi %sub3A_1205, %select_n3A_1224 : vector<16xi32>
    %convert_element_type3A_1226 = arith.sitofp %add3A_1225 : vector<16xi32> to vector<16xf32>
    %sub3A_1227 = arith.constant 1.000000e+00 : f32
    %sub3A_1228 = vector.broadcast %sub3A_1227 : f32 to vector<16xf32>
    %sub3A_1229 = arith.subf %select_n3A_1219, %sub3A_1228 : vector<16xf32>
    %add3A_1230 = arith.constant 1.000000e+00 : f32
    %add3A_1231 = vector.broadcast %add3A_1230 : f32 to vector<16xf32>
    %add3A_1232 = arith.addf %select_n3A_1219, %add3A_1231 : vector<16xf32>
    %div3A_1233 = arith.divf %sub3A_1229, %add3A_1232 : vector<16xf32>
    %mul3A_1234 = arith.mulf %div3A_1233, %div3A_1233 : vector<16xf32>
    %mul3A_1235 = arith.constant 0.111111112 : f32
    %mul3A_1236 = vector.broadcast %mul3A_1235 : f32 to vector<16xf32>
    %mul3A_1237 = arith.mulf %mul3A_1234, %mul3A_1236 : vector<16xf32>
    %add3A_1238 = arith.constant 0.142857149 : f32
    %add3A_1239 = vector.broadcast %add3A_1238 : f32 to vector<16xf32>
    %add3A_1240 = arith.addf %add3A_1239, %mul3A_1237 : vector<16xf32>
    %mul3A_1241 = arith.mulf %mul3A_1234, %add3A_1240 : vector<16xf32>
    %add3A_1242 = arith.constant 2.000000e-01 : f32
    %add3A_1243 = vector.broadcast %add3A_1242 : f32 to vector<16xf32>
    %add3A_1244 = arith.addf %add3A_1243, %mul3A_1241 : vector<16xf32>
    %mul3A_1245 = arith.mulf %mul3A_1234, %add3A_1244 : vector<16xf32>
    %add3A_1246 = arith.constant 0.333333343 : f32
    %add3A_1247 = vector.broadcast %add3A_1246 : f32 to vector<16xf32>
    %add3A_1248 = arith.addf %add3A_1247, %mul3A_1245 : vector<16xf32>
    %mul3A_1249 = arith.mulf %mul3A_1234, %add3A_1248 : vector<16xf32>
    %add3A_1250 = arith.constant 1.000000e+00 : f32
    %add3A_1251 = vector.broadcast %add3A_1250 : f32 to vector<16xf32>
    %add3A_1252 = arith.addf %add3A_1251, %mul3A_1249 : vector<16xf32>
    %mul3A_1253 = arith.constant 0.693147182 : f32
    %mul3A_1254 = vector.broadcast %mul3A_1253 : f32 to vector<16xf32>
    %mul3A_1255 = arith.mulf %convert_element_type3A_1226, %mul3A_1254 : vector<16xf32>
    %mul3A_1256 = arith.constant 2.000000e+00 : f32
    %mul3A_1257 = vector.broadcast %mul3A_1256 : f32 to vector<16xf32>
    %mul3A_1258 = arith.mulf %mul3A_1257, %div3A_1233 : vector<16xf32>
    %mul3A_1259 = arith.mulf %mul3A_1258, %add3A_1252 : vector<16xf32>
    %add3A_1260 = arith.addf %mul3A_1255, %mul3A_1259 : vector<16xf32>
    %mul3A_1261 = arith.mulf %get3A_1194, %add3A_1260 : vector<16xf32>
    %jit3A_1262 = arith.constant 0.000000e+00 : f32
    %broadcast_in_dim3A_1263 = vector.broadcast %jit3A_1262 : f32 to vector<16xf32>
    %select_n3A_1264 = arith.select %and3A_1198, %mul3A_1261, %broadcast_in_dim3A_1263 : vector<16xi1>, vector<16xf32>
    %add3A_1265 = arith.addf %add3A_1175, %select_n3A_1264 : vector<16xf32>
    %add3A_1266 = arith.constant 160 : i32
    %add3A_1267 = arith.addi %min3A_1, %add3A_1266 : i32
    %add3A_1268 = arith.constant 0 : i32
    %add3A_1269 = arith.addi %add3A_1267, %add3A_1268 : i32
    %add3A_1270 = vector.broadcast %add3A_1269 : i32 to vector<16xi32>
    %add3A_1271 = arith.addi %add3A_1270, %iota3A : vector<16xi32>
    %ge3A_1272 = vector.broadcast %mul3A_0 : i32 to vector<16xi32>
    %ge3A_1273 = arith.cmpi sge, %add3A_1271, %ge3A_1272 : vector<16xi32>
    %get3A_1274 = arith.constant 2 : i32
    %get3A_1275 = arith.index_cast %get3A_1274 : i32 to index
    %get3A_1276 = arith.constant 0 : index
    %get3A_1277 = tpu.vector_load %arg7[%get3A_1275, %get3A_1276] {strides = array<i32>} : memref<4x80xf32, #tpu.memory_space<vmem>>, vector<1x16xf32>,
    %get3A_1278 = vector.shape_cast %get3A_1277 : vector<1x16xf32> to vector<16xf32>
    %get3A_1279 = arith.constant 160 : index
    %get3A_1280 = tpu.vector_load %arg8[%get3A_1279] {strides = array<i32>} : memref<320xi32, #tpu.memory_space<vmem>>, vector<16xi32>,
    %get3A_1281 = vector.shape_cast %get3A_1280 : vector<16xi32> to vector<16xi32>
    %get3A_1282 = arith.constant 160 : index
    %get3A_1283 = tpu.vector_load %arg9[%get3A_1282] {strides = array<i32>} : memref<320xf32, #tpu.memory_space<vmem>>, vector<16xf32>,
    %get3A_1284 = vector.shape_cast %get3A_1283 : vector<16xf32> to vector<16xf32>
    %eq3A_1285 = arith.constant 0 : i32
    %eq3A_1286 = vector.broadcast %eq3A_1285 : i32 to vector<16xi32>
    %eq3A_1287 = arith.cmpi eq, %get3A_1281, %eq3A_1286 : vector<16xi32>
    %and3A_1288 = arith.andi %ge3A_1273, %eq3A_1287 : vector<16xi1>
    %bitcast_convert_type3A_1289 = tpu.bitcast %get3A_1278 : vector<16xf32> -> vector<16xi32>
    %shift_right_logical3A_1290 = arith.constant 23 : i32
    %shift_right_logical3A_1291 = vector.broadcast %shift_right_logical3A_1290 : i32 to vector<16xi32>
    %shift_right_logical3A_1292 = arith.shrui %bitcast_convert_type3A_1289, %shift_right_logical3A_1291 : vector<16xi32>
    %sub3A_1293 = arith.constant 127 : i32
    %sub3A_1294 = vector.broadcast %sub3A_1293 : i32 to vector<16xi32>
    %sub3A_1295 = arith.subi %shift_right_logical3A_1292, %sub3A_1294 : vector<16xi32>
    %and3A_1296 = arith.constant 8388607 : i32
    %and3A_1297 = vector.broadcast %and3A_1296 : i32 to vector<16xi32>
    %and3A_1298 = arith.andi %bitcast_convert_type3A_1289, %and3A_1297 : vector<16xi32>
    %or3A_1299 = arith.constant 1065353216 : i32
    %or3A_1300 = vector.broadcast %or3A_1299 : i32 to vector<16xi32>
    %or3A_1301 = arith.ori %and3A_1298, %or3A_1300 : vector<16xi32>
    %bitcast_convert_type3A_1302 = tpu.bitcast %or3A_1301 : vector<16xi32> -> vector<16xf32>
    %gt3A_1303 = arith.constant 1.41421354 : f32
    %gt3A_1304 = vector.broadcast %gt3A_1303 : f32 to vector<16xf32>
    %gt3A_1305 = arith.cmpf ogt, %bitcast_convert_type3A_1302, %gt3A_1304 : vector<16xf32>
    %mul3A_1306 = arith.constant 5.000000e-01 : f32
    %mul3A_1307 = vector.broadcast %mul3A_1306 : f32 to vector<16xf32>
    %mul3A_1308 = arith.mulf %bitcast_convert_type3A_1302, %mul3A_1307 : vector<16xf32>
    %select_n3A_1309 = arith.select %gt3A_1305, %mul3A_1308, %bitcast_convert_type3A_1302 : vector<16xi1>, vector<16xf32>
    %jit3A_1310 = arith.constant 1 : i32
    %jit3A_1311 = arith.constant 0 : i32
    %broadcast_in_dim3A_1312 = vector.broadcast %jit3A_1310 : i32 to vector<16xi32>
    %broadcast_in_dim3A_1313 = vector.broadcast %jit3A_1311 : i32 to vector<16xi32>
    %select_n3A_1314 = arith.select %gt3A_1305, %broadcast_in_dim3A_1312, %broadcast_in_dim3A_1313 : vector<16xi1>, vector<16xi32>
    %add3A_1315 = arith.addi %sub3A_1295, %select_n3A_1314 : vector<16xi32>
    %convert_element_type3A_1316 = arith.sitofp %add3A_1315 : vector<16xi32> to vector<16xf32>
    %sub3A_1317 = arith.constant 1.000000e+00 : f32
    %sub3A_1318 = vector.broadcast %sub3A_1317 : f32 to vector<16xf32>
    %sub3A_1319 = arith.subf %select_n3A_1309, %sub3A_1318 : vector<16xf32>
    %add3A_1320 = arith.constant 1.000000e+00 : f32
    %add3A_1321 = vector.broadcast %add3A_1320 : f32 to vector<16xf32>
    %add3A_1322 = arith.addf %select_n3A_1309, %add3A_1321 : vector<16xf32>
    %div3A_1323 = arith.divf %sub3A_1319, %add3A_1322 : vector<16xf32>
    %mul3A_1324 = arith.mulf %div3A_1323, %div3A_1323 : vector<16xf32>
    %mul3A_1325 = arith.constant 0.111111112 : f32
    %mul3A_1326 = vector.broadcast %mul3A_1325 : f32 to vector<16xf32>
    %mul3A_1327 = arith.mulf %mul3A_1324, %mul3A_1326 : vector<16xf32>
    %add3A_1328 = arith.constant 0.142857149 : f32
    %add3A_1329 = vector.broadcast %add3A_1328 : f32 to vector<16xf32>
    %add3A_1330 = arith.addf %add3A_1329, %mul3A_1327 : vector<16xf32>
    %mul3A_1331 = arith.mulf %mul3A_1324, %add3A_1330 : vector<16xf32>
    %add3A_1332 = arith.constant 2.000000e-01 : f32
    %add3A_1333 = vector.broadcast %add3A_1332 : f32 to vector<16xf32>
    %add3A_1334 = arith.addf %add3A_1333, %mul3A_1331 : vector<16xf32>
    %mul3A_1335 = arith.mulf %mul3A_1324, %add3A_1334 : vector<16xf32>
    %add3A_1336 = arith.constant 0.333333343 : f32
    %add3A_1337 = vector.broadcast %add3A_1336 : f32 to vector<16xf32>
    %add3A_1338 = arith.addf %add3A_1337, %mul3A_1335 : vector<16xf32>
    %mul3A_1339 = arith.mulf %mul3A_1324, %add3A_1338 : vector<16xf32>
    %add3A_1340 = arith.constant 1.000000e+00 : f32
    %add3A_1341 = vector.broadcast %add3A_1340 : f32 to vector<16xf32>
    %add3A_1342 = arith.addf %add3A_1341, %mul3A_1339 : vector<16xf32>
    %mul3A_1343 = arith.constant 0.693147182 : f32
    %mul3A_1344 = vector.broadcast %mul3A_1343 : f32 to vector<16xf32>
    %mul3A_1345 = arith.mulf %convert_element_type3A_1316, %mul3A_1344 : vector<16xf32>
    %mul3A_1346 = arith.constant 2.000000e+00 : f32
    %mul3A_1347 = vector.broadcast %mul3A_1346 : f32 to vector<16xf32>
    %mul3A_1348 = arith.mulf %mul3A_1347, %div3A_1323 : vector<16xf32>
    %mul3A_1349 = arith.mulf %mul3A_1348, %add3A_1342 : vector<16xf32>
    %add3A_1350 = arith.addf %mul3A_1345, %mul3A_1349 : vector<16xf32>
    %mul3A_1351 = arith.mulf %get3A_1284, %add3A_1350 : vector<16xf32>
    %jit3A_1352 = arith.constant 0.000000e+00 : f32
    %broadcast_in_dim3A_1353 = vector.broadcast %jit3A_1352 : f32 to vector<16xf32>
    %select_n3A_1354 = arith.select %and3A_1288, %mul3A_1351, %broadcast_in_dim3A_1353 : vector<16xi1>, vector<16xf32>
    %add3A_1355 = arith.addf %add3A_1265, %select_n3A_1354 : vector<16xf32>
    %add3A_1356 = arith.constant 160 : i32
    %add3A_1357 = arith.addi %min3A_1, %add3A_1356 : i32
    %add3A_1358 = arith.constant 16 : i32
    %add3A_1359 = arith.addi %add3A_1357, %add3A_1358 : i32
    %add3A_1360 = vector.broadcast %add3A_1359 : i32 to vector<16xi32>
    %add3A_1361 = arith.addi %add3A_1360, %iota3A : vector<16xi32>
    %ge3A_1362 = vector.broadcast %mul3A_0 : i32 to vector<16xi32>
    %ge3A_1363 = arith.cmpi sge, %add3A_1361, %ge3A_1362 : vector<16xi32>
    %get3A_1364 = arith.constant 2 : i32
    %get3A_1365 = arith.index_cast %get3A_1364 : i32 to index
    %get3A_1366 = arith.constant 16 : index
    %get3A_1367 = tpu.vector_load %arg7[%get3A_1365, %get3A_1366] {strides = array<i32>} : memref<4x80xf32, #tpu.memory_space<vmem>>, vector<1x16xf32>,
    %get3A_1368 = vector.shape_cast %get3A_1367 : vector<1x16xf32> to vector<16xf32>
    %get3A_1369 = arith.constant 176 : index
    %get3A_1370 = tpu.vector_load %arg8[%get3A_1369] {strides = array<i32>} : memref<320xi32, #tpu.memory_space<vmem>>, vector<16xi32>,
    %get3A_1371 = vector.shape_cast %get3A_1370 : vector<16xi32> to vector<16xi32>
    %get3A_1372 = arith.constant 176 : index
    %get3A_1373 = tpu.vector_load %arg9[%get3A_1372] {strides = array<i32>} : memref<320xf32, #tpu.memory_space<vmem>>, vector<16xf32>,
    %get3A_1374 = vector.shape_cast %get3A_1373 : vector<16xf32> to vector<16xf32>
    %eq3A_1375 = arith.constant 0 : i32
    %eq3A_1376 = vector.broadcast %eq3A_1375 : i32 to vector<16xi32>
    %eq3A_1377 = arith.cmpi eq, %get3A_1371, %eq3A_1376 : vector<16xi32>
    %and3A_1378 = arith.andi %ge3A_1363, %eq3A_1377 : vector<16xi1>
    %bitcast_convert_type3A_1379 = tpu.bitcast %get3A_1368 : vector<16xf32> -> vector<16xi32>
    %shift_right_logical3A_1380 = arith.constant 23 : i32
    %shift_right_logical3A_1381 = vector.broadcast %shift_right_logical3A_1380 : i32 to vector<16xi32>
    %shift_right_logical3A_1382 = arith.shrui %bitcast_convert_type3A_1379, %shift_right_logical3A_1381 : vector<16xi32>
    %sub3A_1383 = arith.constant 127 : i32
    %sub3A_1384 = vector.broadcast %sub3A_1383 : i32 to vector<16xi32>
    %sub3A_1385 = arith.subi %shift_right_logical3A_1382, %sub3A_1384 : vector<16xi32>
    %and3A_1386 = arith.constant 8388607 : i32
    %and3A_1387 = vector.broadcast %and3A_1386 : i32 to vector<16xi32>
    %and3A_1388 = arith.andi %bitcast_convert_type3A_1379, %and3A_1387 : vector<16xi32>
    %or3A_1389 = arith.constant 1065353216 : i32
    %or3A_1390 = vector.broadcast %or3A_1389 : i32 to vector<16xi32>
    %or3A_1391 = arith.ori %and3A_1388, %or3A_1390 : vector<16xi32>
    %bitcast_convert_type3A_1392 = tpu.bitcast %or3A_1391 : vector<16xi32> -> vector<16xf32>
    %gt3A_1393 = arith.constant 1.41421354 : f32
    %gt3A_1394 = vector.broadcast %gt3A_1393 : f32 to vector<16xf32>
    %gt3A_1395 = arith.cmpf ogt, %bitcast_convert_type3A_1392, %gt3A_1394 : vector<16xf32>
    %mul3A_1396 = arith.constant 5.000000e-01 : f32
    %mul3A_1397 = vector.broadcast %mul3A_1396 : f32 to vector<16xf32>
    %mul3A_1398 = arith.mulf %bitcast_convert_type3A_1392, %mul3A_1397 : vector<16xf32>
    %select_n3A_1399 = arith.select %gt3A_1395, %mul3A_1398, %bitcast_convert_type3A_1392 : vector<16xi1>, vector<16xf32>
    %jit3A_1400 = arith.constant 1 : i32
    %jit3A_1401 = arith.constant 0 : i32
    %broadcast_in_dim3A_1402 = vector.broadcast %jit3A_1400 : i32 to vector<16xi32>
    %broadcast_in_dim3A_1403 = vector.broadcast %jit3A_1401 : i32 to vector<16xi32>
    %select_n3A_1404 = arith.select %gt3A_1395, %broadcast_in_dim3A_1402, %broadcast_in_dim3A_1403 : vector<16xi1>, vector<16xi32>
    %add3A_1405 = arith.addi %sub3A_1385, %select_n3A_1404 : vector<16xi32>
    %convert_element_type3A_1406 = arith.sitofp %add3A_1405 : vector<16xi32> to vector<16xf32>
    %sub3A_1407 = arith.constant 1.000000e+00 : f32
    %sub3A_1408 = vector.broadcast %sub3A_1407 : f32 to vector<16xf32>
    %sub3A_1409 = arith.subf %select_n3A_1399, %sub3A_1408 : vector<16xf32>
    %add3A_1410 = arith.constant 1.000000e+00 : f32
    %add3A_1411 = vector.broadcast %add3A_1410 : f32 to vector<16xf32>
    %add3A_1412 = arith.addf %select_n3A_1399, %add3A_1411 : vector<16xf32>
    %div3A_1413 = arith.divf %sub3A_1409, %add3A_1412 : vector<16xf32>
    %mul3A_1414 = arith.mulf %div3A_1413, %div3A_1413 : vector<16xf32>
    %mul3A_1415 = arith.constant 0.111111112 : f32
    %mul3A_1416 = vector.broadcast %mul3A_1415 : f32 to vector<16xf32>
    %mul3A_1417 = arith.mulf %mul3A_1414, %mul3A_1416 : vector<16xf32>
    %add3A_1418 = arith.constant 0.142857149 : f32
    %add3A_1419 = vector.broadcast %add3A_1418 : f32 to vector<16xf32>
    %add3A_1420 = arith.addf %add3A_1419, %mul3A_1417 : vector<16xf32>
    %mul3A_1421 = arith.mulf %mul3A_1414, %add3A_1420 : vector<16xf32>
    %add3A_1422 = arith.constant 2.000000e-01 : f32
    %add3A_1423 = vector.broadcast %add3A_1422 : f32 to vector<16xf32>
    %add3A_1424 = arith.addf %add3A_1423, %mul3A_1421 : vector<16xf32>
    %mul3A_1425 = arith.mulf %mul3A_1414, %add3A_1424 : vector<16xf32>
    %add3A_1426 = arith.constant 0.333333343 : f32
    %add3A_1427 = vector.broadcast %add3A_1426 : f32 to vector<16xf32>
    %add3A_1428 = arith.addf %add3A_1427, %mul3A_1425 : vector<16xf32>
    %mul3A_1429 = arith.mulf %mul3A_1414, %add3A_1428 : vector<16xf32>
    %add3A_1430 = arith.constant 1.000000e+00 : f32
    %add3A_1431 = vector.broadcast %add3A_1430 : f32 to vector<16xf32>
    %add3A_1432 = arith.addf %add3A_1431, %mul3A_1429 : vector<16xf32>
    %mul3A_1433 = arith.constant 0.693147182 : f32
    %mul3A_1434 = vector.broadcast %mul3A_1433 : f32 to vector<16xf32>
    %mul3A_1435 = arith.mulf %convert_element_type3A_1406, %mul3A_1434 : vector<16xf32>
    %mul3A_1436 = arith.constant 2.000000e+00 : f32
    %mul3A_1437 = vector.broadcast %mul3A_1436 : f32 to vector<16xf32>
    %mul3A_1438 = arith.mulf %mul3A_1437, %div3A_1413 : vector<16xf32>
    %mul3A_1439 = arith.mulf %mul3A_1438, %add3A_1432 : vector<16xf32>
    %add3A_1440 = arith.addf %mul3A_1435, %mul3A_1439 : vector<16xf32>
    %mul3A_1441 = arith.mulf %get3A_1374, %add3A_1440 : vector<16xf32>
    %jit3A_1442 = arith.constant 0.000000e+00 : f32
    %broadcast_in_dim3A_1443 = vector.broadcast %jit3A_1442 : f32 to vector<16xf32>
    %select_n3A_1444 = arith.select %and3A_1378, %mul3A_1441, %broadcast_in_dim3A_1443 : vector<16xi1>, vector<16xf32>
    %add3A_1445 = arith.addf %add3A_1355, %select_n3A_1444 : vector<16xf32>
    %add3A_1446 = arith.constant 160 : i32
    %add3A_1447 = arith.addi %min3A_1, %add3A_1446 : i32
    %add3A_1448 = arith.constant 32 : i32
    %add3A_1449 = arith.addi %add3A_1447, %add3A_1448 : i32
    %add3A_1450 = vector.broadcast %add3A_1449 : i32 to vector<16xi32>
    %add3A_1451 = arith.addi %add3A_1450, %iota3A : vector<16xi32>
    %ge3A_1452 = vector.broadcast %mul3A_0 : i32 to vector<16xi32>
    %ge3A_1453 = arith.cmpi sge, %add3A_1451, %ge3A_1452 : vector<16xi32>
    %get3A_1454 = arith.constant 2 : i32
    %get3A_1455 = arith.index_cast %get3A_1454 : i32 to index
    %get3A_1456 = arith.constant 32 : index
    %get3A_1457 = tpu.vector_load %arg7[%get3A_1455, %get3A_1456] {strides = array<i32>} : memref<4x80xf32, #tpu.memory_space<vmem>>, vector<1x16xf32>,
    %get3A_1458 = vector.shape_cast %get3A_1457 : vector<1x16xf32> to vector<16xf32>
    %get3A_1459 = arith.constant 192 : index
    %get3A_1460 = tpu.vector_load %arg8[%get3A_1459] {strides = array<i32>} : memref<320xi32, #tpu.memory_space<vmem>>, vector<16xi32>,
    %get3A_1461 = vector.shape_cast %get3A_1460 : vector<16xi32> to vector<16xi32>
    %get3A_1462 = arith.constant 192 : index
    %get3A_1463 = tpu.vector_load %arg9[%get3A_1462] {strides = array<i32>} : memref<320xf32, #tpu.memory_space<vmem>>, vector<16xf32>,
    %get3A_1464 = vector.shape_cast %get3A_1463 : vector<16xf32> to vector<16xf32>
    %eq3A_1465 = arith.constant 0 : i32
    %eq3A_1466 = vector.broadcast %eq3A_1465 : i32 to vector<16xi32>
    %eq3A_1467 = arith.cmpi eq, %get3A_1461, %eq3A_1466 : vector<16xi32>
    %and3A_1468 = arith.andi %ge3A_1453, %eq3A_1467 : vector<16xi1>
    %bitcast_convert_type3A_1469 = tpu.bitcast %get3A_1458 : vector<16xf32> -> vector<16xi32>
    %shift_right_logical3A_1470 = arith.constant 23 : i32
    %shift_right_logical3A_1471 = vector.broadcast %shift_right_logical3A_1470 : i32 to vector<16xi32>
    %shift_right_logical3A_1472 = arith.shrui %bitcast_convert_type3A_1469, %shift_right_logical3A_1471 : vector<16xi32>
    %sub3A_1473 = arith.constant 127 : i32
    %sub3A_1474 = vector.broadcast %sub3A_1473 : i32 to vector<16xi32>
    %sub3A_1475 = arith.subi %shift_right_logical3A_1472, %sub3A_1474 : vector<16xi32>
    %and3A_1476 = arith.constant 8388607 : i32
    %and3A_1477 = vector.broadcast %and3A_1476 : i32 to vector<16xi32>
    %and3A_1478 = arith.andi %bitcast_convert_type3A_1469, %and3A_1477 : vector<16xi32>
    %or3A_1479 = arith.constant 1065353216 : i32
    %or3A_1480 = vector.broadcast %or3A_1479 : i32 to vector<16xi32>
    %or3A_1481 = arith.ori %and3A_1478, %or3A_1480 : vector<16xi32>
    %bitcast_convert_type3A_1482 = tpu.bitcast %or3A_1481 : vector<16xi32> -> vector<16xf32>
    %gt3A_1483 = arith.constant 1.41421354 : f32
    %gt3A_1484 = vector.broadcast %gt3A_1483 : f32 to vector<16xf32>
    %gt3A_1485 = arith.cmpf ogt, %bitcast_convert_type3A_1482, %gt3A_1484 : vector<16xf32>
    %mul3A_1486 = arith.constant 5.000000e-01 : f32
    %mul3A_1487 = vector.broadcast %mul3A_1486 : f32 to vector<16xf32>
    %mul3A_1488 = arith.mulf %bitcast_convert_type3A_1482, %mul3A_1487 : vector<16xf32>
    %select_n3A_1489 = arith.select %gt3A_1485, %mul3A_1488, %bitcast_convert_type3A_1482 : vector<16xi1>, vector<16xf32>
    %jit3A_1490 = arith.constant 1 : i32
    %jit3A_1491 = arith.constant 0 : i32
    %broadcast_in_dim3A_1492 = vector.broadcast %jit3A_1490 : i32 to vector<16xi32>
    %broadcast_in_dim3A_1493 = vector.broadcast %jit3A_1491 : i32 to vector<16xi32>
    %select_n3A_1494 = arith.select %gt3A_1485, %broadcast_in_dim3A_1492, %broadcast_in_dim3A_1493 : vector<16xi1>, vector<16xi32>
    %add3A_1495 = arith.addi %sub3A_1475, %select_n3A_1494 : vector<16xi32>
    %convert_element_type3A_1496 = arith.sitofp %add3A_1495 : vector<16xi32> to vector<16xf32>
    %sub3A_1497 = arith.constant 1.000000e+00 : f32
    %sub3A_1498 = vector.broadcast %sub3A_1497 : f32 to vector<16xf32>
    %sub3A_1499 = arith.subf %select_n3A_1489, %sub3A_1498 : vector<16xf32>
    %add3A_1500 = arith.constant 1.000000e+00 : f32
    %add3A_1501 = vector.broadcast %add3A_1500 : f32 to vector<16xf32>
    %add3A_1502 = arith.addf %select_n3A_1489, %add3A_1501 : vector<16xf32>
    %div3A_1503 = arith.divf %sub3A_1499, %add3A_1502 : vector<16xf32>
    %mul3A_1504 = arith.mulf %div3A_1503, %div3A_1503 : vector<16xf32>
    %mul3A_1505 = arith.constant 0.111111112 : f32
    %mul3A_1506 = vector.broadcast %mul3A_1505 : f32 to vector<16xf32>
    %mul3A_1507 = arith.mulf %mul3A_1504, %mul3A_1506 : vector<16xf32>
    %add3A_1508 = arith.constant 0.142857149 : f32
    %add3A_1509 = vector.broadcast %add3A_1508 : f32 to vector<16xf32>
    %add3A_1510 = arith.addf %add3A_1509, %mul3A_1507 : vector<16xf32>
    %mul3A_1511 = arith.mulf %mul3A_1504, %add3A_1510 : vector<16xf32>
    %add3A_1512 = arith.constant 2.000000e-01 : f32
    %add3A_1513 = vector.broadcast %add3A_1512 : f32 to vector<16xf32>
    %add3A_1514 = arith.addf %add3A_1513, %mul3A_1511 : vector<16xf32>
    %mul3A_1515 = arith.mulf %mul3A_1504, %add3A_1514 : vector<16xf32>
    %add3A_1516 = arith.constant 0.333333343 : f32
    %add3A_1517 = vector.broadcast %add3A_1516 : f32 to vector<16xf32>
    %add3A_1518 = arith.addf %add3A_1517, %mul3A_1515 : vector<16xf32>
    %mul3A_1519 = arith.mulf %mul3A_1504, %add3A_1518 : vector<16xf32>
    %add3A_1520 = arith.constant 1.000000e+00 : f32
    %add3A_1521 = vector.broadcast %add3A_1520 : f32 to vector<16xf32>
    %add3A_1522 = arith.addf %add3A_1521, %mul3A_1519 : vector<16xf32>
    %mul3A_1523 = arith.constant 0.693147182 : f32
    %mul3A_1524 = vector.broadcast %mul3A_1523 : f32 to vector<16xf32>
    %mul3A_1525 = arith.mulf %convert_element_type3A_1496, %mul3A_1524 : vector<16xf32>
    %mul3A_1526 = arith.constant 2.000000e+00 : f32
    %mul3A_1527 = vector.broadcast %mul3A_1526 : f32 to vector<16xf32>
    %mul3A_1528 = arith.mulf %mul3A_1527, %div3A_1503 : vector<16xf32>
    %mul3A_1529 = arith.mulf %mul3A_1528, %add3A_1522 : vector<16xf32>
    %add3A_1530 = arith.addf %mul3A_1525, %mul3A_1529 : vector<16xf32>
    %mul3A_1531 = arith.mulf %get3A_1464, %add3A_1530 : vector<16xf32>
    %jit3A_1532 = arith.constant 0.000000e+00 : f32
    %broadcast_in_dim3A_1533 = vector.broadcast %jit3A_1532 : f32 to vector<16xf32>
    %select_n3A_1534 = arith.select %and3A_1468, %mul3A_1531, %broadcast_in_dim3A_1533 : vector<16xi1>, vector<16xf32>
    %add3A_1535 = arith.addf %add3A_1445, %select_n3A_1534 : vector<16xf32>
    %add3A_1536 = arith.constant 160 : i32
    %add3A_1537 = arith.addi %min3A_1, %add3A_1536 : i32
    %add3A_1538 = arith.constant 48 : i32
    %add3A_1539 = arith.addi %add3A_1537, %add3A_1538 : i32
    %add3A_1540 = vector.broadcast %add3A_1539 : i32 to vector<16xi32>
    %add3A_1541 = arith.addi %add3A_1540, %iota3A : vector<16xi32>
    %ge3A_1542 = vector.broadcast %mul3A_0 : i32 to vector<16xi32>
    %ge3A_1543 = arith.cmpi sge, %add3A_1541, %ge3A_1542 : vector<16xi32>
    %get3A_1544 = arith.constant 2 : i32
    %get3A_1545 = arith.index_cast %get3A_1544 : i32 to index
    %get3A_1546 = arith.constant 48 : index
    %get3A_1547 = tpu.vector_load %arg7[%get3A_1545, %get3A_1546] {strides = array<i32>} : memref<4x80xf32, #tpu.memory_space<vmem>>, vector<1x16xf32>,
    %get3A_1548 = vector.shape_cast %get3A_1547 : vector<1x16xf32> to vector<16xf32>
    %get3A_1549 = arith.constant 208 : index
    %get3A_1550 = tpu.vector_load %arg8[%get3A_1549] {strides = array<i32>} : memref<320xi32, #tpu.memory_space<vmem>>, vector<16xi32>,
    %get3A_1551 = vector.shape_cast %get3A_1550 : vector<16xi32> to vector<16xi32>
    %get3A_1552 = arith.constant 208 : index
    %get3A_1553 = tpu.vector_load %arg9[%get3A_1552] {strides = array<i32>} : memref<320xf32, #tpu.memory_space<vmem>>, vector<16xf32>,
    %get3A_1554 = vector.shape_cast %get3A_1553 : vector<16xf32> to vector<16xf32>
    %eq3A_1555 = arith.constant 0 : i32
    %eq3A_1556 = vector.broadcast %eq3A_1555 : i32 to vector<16xi32>
    %eq3A_1557 = arith.cmpi eq, %get3A_1551, %eq3A_1556 : vector<16xi32>
    %and3A_1558 = arith.andi %ge3A_1543, %eq3A_1557 : vector<16xi1>
    %bitcast_convert_type3A_1559 = tpu.bitcast %get3A_1548 : vector<16xf32> -> vector<16xi32>
    %shift_right_logical3A_1560 = arith.constant 23 : i32
    %shift_right_logical3A_1561 = vector.broadcast %shift_right_logical3A_1560 : i32 to vector<16xi32>
    %shift_right_logical3A_1562 = arith.shrui %bitcast_convert_type3A_1559, %shift_right_logical3A_1561 : vector<16xi32>
    %sub3A_1563 = arith.constant 127 : i32
    %sub3A_1564 = vector.broadcast %sub3A_1563 : i32 to vector<16xi32>
    %sub3A_1565 = arith.subi %shift_right_logical3A_1562, %sub3A_1564 : vector<16xi32>
    %and3A_1566 = arith.constant 8388607 : i32
    %and3A_1567 = vector.broadcast %and3A_1566 : i32 to vector<16xi32>
    %and3A_1568 = arith.andi %bitcast_convert_type3A_1559, %and3A_1567 : vector<16xi32>
    %or3A_1569 = arith.constant 1065353216 : i32
    %or3A_1570 = vector.broadcast %or3A_1569 : i32 to vector<16xi32>
    %or3A_1571 = arith.ori %and3A_1568, %or3A_1570 : vector<16xi32>
    %bitcast_convert_type3A_1572 = tpu.bitcast %or3A_1571 : vector<16xi32> -> vector<16xf32>
    %gt3A_1573 = arith.constant 1.41421354 : f32
    %gt3A_1574 = vector.broadcast %gt3A_1573 : f32 to vector<16xf32>
    %gt3A_1575 = arith.cmpf ogt, %bitcast_convert_type3A_1572, %gt3A_1574 : vector<16xf32>
    %mul3A_1576 = arith.constant 5.000000e-01 : f32
    %mul3A_1577 = vector.broadcast %mul3A_1576 : f32 to vector<16xf32>
    %mul3A_1578 = arith.mulf %bitcast_convert_type3A_1572, %mul3A_1577 : vector<16xf32>
    %select_n3A_1579 = arith.select %gt3A_1575, %mul3A_1578, %bitcast_convert_type3A_1572 : vector<16xi1>, vector<16xf32>
    %jit3A_1580 = arith.constant 1 : i32
    %jit3A_1581 = arith.constant 0 : i32
    %broadcast_in_dim3A_1582 = vector.broadcast %jit3A_1580 : i32 to vector<16xi32>
    %broadcast_in_dim3A_1583 = vector.broadcast %jit3A_1581 : i32 to vector<16xi32>
    %select_n3A_1584 = arith.select %gt3A_1575, %broadcast_in_dim3A_1582, %broadcast_in_dim3A_1583 : vector<16xi1>, vector<16xi32>
    %add3A_1585 = arith.addi %sub3A_1565, %select_n3A_1584 : vector<16xi32>
    %convert_element_type3A_1586 = arith.sitofp %add3A_1585 : vector<16xi32> to vector<16xf32>
    %sub3A_1587 = arith.constant 1.000000e+00 : f32
    %sub3A_1588 = vector.broadcast %sub3A_1587 : f32 to vector<16xf32>
    %sub3A_1589 = arith.subf %select_n3A_1579, %sub3A_1588 : vector<16xf32>
    %add3A_1590 = arith.constant 1.000000e+00 : f32
    %add3A_1591 = vector.broadcast %add3A_1590 : f32 to vector<16xf32>
    %add3A_1592 = arith.addf %select_n3A_1579, %add3A_1591 : vector<16xf32>
    %div3A_1593 = arith.divf %sub3A_1589, %add3A_1592 : vector<16xf32>
    %mul3A_1594 = arith.mulf %div3A_1593, %div3A_1593 : vector<16xf32>
    %mul3A_1595 = arith.constant 0.111111112 : f32
    %mul3A_1596 = vector.broadcast %mul3A_1595 : f32 to vector<16xf32>
    %mul3A_1597 = arith.mulf %mul3A_1594, %mul3A_1596 : vector<16xf32>
    %add3A_1598 = arith.constant 0.142857149 : f32
    %add3A_1599 = vector.broadcast %add3A_1598 : f32 to vector<16xf32>
    %add3A_1600 = arith.addf %add3A_1599, %mul3A_1597 : vector<16xf32>
    %mul3A_1601 = arith.mulf %mul3A_1594, %add3A_1600 : vector<16xf32>
    %add3A_1602 = arith.constant 2.000000e-01 : f32
    %add3A_1603 = vector.broadcast %add3A_1602 : f32 to vector<16xf32>
    %add3A_1604 = arith.addf %add3A_1603, %mul3A_1601 : vector<16xf32>
    %mul3A_1605 = arith.mulf %mul3A_1594, %add3A_1604 : vector<16xf32>
    %add3A_1606 = arith.constant 0.333333343 : f32
    %add3A_1607 = vector.broadcast %add3A_1606 : f32 to vector<16xf32>
    %add3A_1608 = arith.addf %add3A_1607, %mul3A_1605 : vector<16xf32>
    %mul3A_1609 = arith.mulf %mul3A_1594, %add3A_1608 : vector<16xf32>
    %add3A_1610 = arith.constant 1.000000e+00 : f32
    %add3A_1611 = vector.broadcast %add3A_1610 : f32 to vector<16xf32>
    %add3A_1612 = arith.addf %add3A_1611, %mul3A_1609 : vector<16xf32>
    %mul3A_1613 = arith.constant 0.693147182 : f32
    %mul3A_1614 = vector.broadcast %mul3A_1613 : f32 to vector<16xf32>
    %mul3A_1615 = arith.mulf %convert_element_type3A_1586, %mul3A_1614 : vector<16xf32>
    %mul3A_1616 = arith.constant 2.000000e+00 : f32
    %mul3A_1617 = vector.broadcast %mul3A_1616 : f32 to vector<16xf32>
    %mul3A_1618 = arith.mulf %mul3A_1617, %div3A_1593 : vector<16xf32>
    %mul3A_1619 = arith.mulf %mul3A_1618, %add3A_1612 : vector<16xf32>
    %add3A_1620 = arith.addf %mul3A_1615, %mul3A_1619 : vector<16xf32>
    %mul3A_1621 = arith.mulf %get3A_1554, %add3A_1620 : vector<16xf32>
    %jit3A_1622 = arith.constant 0.000000e+00 : f32
    %broadcast_in_dim3A_1623 = vector.broadcast %jit3A_1622 : f32 to vector<16xf32>
    %select_n3A_1624 = arith.select %and3A_1558, %mul3A_1621, %broadcast_in_dim3A_1623 : vector<16xi1>, vector<16xf32>
    %add3A_1625 = arith.addf %add3A_1535, %select_n3A_1624 : vector<16xf32>
    %add3A_1626 = arith.constant 160 : i32
    %add3A_1627 = arith.addi %min3A_1, %add3A_1626 : i32
    %add3A_1628 = arith.constant 64 : i32
    %add3A_1629 = arith.addi %add3A_1627, %add3A_1628 : i32
    %add3A_1630 = vector.broadcast %add3A_1629 : i32 to vector<16xi32>
    %add3A_1631 = arith.addi %add3A_1630, %iota3A : vector<16xi32>
    %ge3A_1632 = vector.broadcast %mul3A_0 : i32 to vector<16xi32>
    %ge3A_1633 = arith.cmpi sge, %add3A_1631, %ge3A_1632 : vector<16xi32>
    %get3A_1634 = arith.constant 2 : i32
    %get3A_1635 = arith.index_cast %get3A_1634 : i32 to index
    %get3A_1636 = arith.constant 64 : index
    %get3A_1637 = tpu.vector_load %arg7[%get3A_1635, %get3A_1636] {strides = array<i32>} : memref<4x80xf32, #tpu.memory_space<vmem>>, vector<1x16xf32>,
    %get3A_1638 = vector.shape_cast %get3A_1637 : vector<1x16xf32> to vector<16xf32>
    %get3A_1639 = arith.constant 224 : index
    %get3A_1640 = tpu.vector_load %arg8[%get3A_1639] {strides = array<i32>} : memref<320xi32, #tpu.memory_space<vmem>>, vector<16xi32>,
    %get3A_1641 = vector.shape_cast %get3A_1640 : vector<16xi32> to vector<16xi32>
    %get3A_1642 = arith.constant 224 : index
    %get3A_1643 = tpu.vector_load %arg9[%get3A_1642] {strides = array<i32>} : memref<320xf32, #tpu.memory_space<vmem>>, vector<16xf32>,
    %get3A_1644 = vector.shape_cast %get3A_1643 : vector<16xf32> to vector<16xf32>
    %eq3A_1645 = arith.constant 0 : i32
    %eq3A_1646 = vector.broadcast %eq3A_1645 : i32 to vector<16xi32>
    %eq3A_1647 = arith.cmpi eq, %get3A_1641, %eq3A_1646 : vector<16xi32>
    %and3A_1648 = arith.andi %ge3A_1633, %eq3A_1647 : vector<16xi1>
    %bitcast_convert_type3A_1649 = tpu.bitcast %get3A_1638 : vector<16xf32> -> vector<16xi32>
    %shift_right_logical3A_1650 = arith.constant 23 : i32
    %shift_right_logical3A_1651 = vector.broadcast %shift_right_logical3A_1650 : i32 to vector<16xi32>
    %shift_right_logical3A_1652 = arith.shrui %bitcast_convert_type3A_1649, %shift_right_logical3A_1651 : vector<16xi32>
    %sub3A_1653 = arith.constant 127 : i32
    %sub3A_1654 = vector.broadcast %sub3A_1653 : i32 to vector<16xi32>
    %sub3A_1655 = arith.subi %shift_right_logical3A_1652, %sub3A_1654 : vector<16xi32>
    %and3A_1656 = arith.constant 8388607 : i32
    %and3A_1657 = vector.broadcast %and3A_1656 : i32 to vector<16xi32>
    %and3A_1658 = arith.andi %bitcast_convert_type3A_1649, %and3A_1657 : vector<16xi32>
    %or3A_1659 = arith.constant 1065353216 : i32
    %or3A_1660 = vector.broadcast %or3A_1659 : i32 to vector<16xi32>
    %or3A_1661 = arith.ori %and3A_1658, %or3A_1660 : vector<16xi32>
    %bitcast_convert_type3A_1662 = tpu.bitcast %or3A_1661 : vector<16xi32> -> vector<16xf32>
    %gt3A_1663 = arith.constant 1.41421354 : f32
    %gt3A_1664 = vector.broadcast %gt3A_1663 : f32 to vector<16xf32>
    %gt3A_1665 = arith.cmpf ogt, %bitcast_convert_type3A_1662, %gt3A_1664 : vector<16xf32>
    %mul3A_1666 = arith.constant 5.000000e-01 : f32
    %mul3A_1667 = vector.broadcast %mul3A_1666 : f32 to vector<16xf32>
    %mul3A_1668 = arith.mulf %bitcast_convert_type3A_1662, %mul3A_1667 : vector<16xf32>
    %select_n3A_1669 = arith.select %gt3A_1665, %mul3A_1668, %bitcast_convert_type3A_1662 : vector<16xi1>, vector<16xf32>
    %jit3A_1670 = arith.constant 1 : i32
    %jit3A_1671 = arith.constant 0 : i32
    %broadcast_in_dim3A_1672 = vector.broadcast %jit3A_1670 : i32 to vector<16xi32>
    %broadcast_in_dim3A_1673 = vector.broadcast %jit3A_1671 : i32 to vector<16xi32>
    %select_n3A_1674 = arith.select %gt3A_1665, %broadcast_in_dim3A_1672, %broadcast_in_dim3A_1673 : vector<16xi1>, vector<16xi32>
    %add3A_1675 = arith.addi %sub3A_1655, %select_n3A_1674 : vector<16xi32>
    %convert_element_type3A_1676 = arith.sitofp %add3A_1675 : vector<16xi32> to vector<16xf32>
    %sub3A_1677 = arith.constant 1.000000e+00 : f32
    %sub3A_1678 = vector.broadcast %sub3A_1677 : f32 to vector<16xf32>
    %sub3A_1679 = arith.subf %select_n3A_1669, %sub3A_1678 : vector<16xf32>
    %add3A_1680 = arith.constant 1.000000e+00 : f32
    %add3A_1681 = vector.broadcast %add3A_1680 : f32 to vector<16xf32>
    %add3A_1682 = arith.addf %select_n3A_1669, %add3A_1681 : vector<16xf32>
    %div3A_1683 = arith.divf %sub3A_1679, %add3A_1682 : vector<16xf32>
    %mul3A_1684 = arith.mulf %div3A_1683, %div3A_1683 : vector<16xf32>
    %mul3A_1685 = arith.constant 0.111111112 : f32
    %mul3A_1686 = vector.broadcast %mul3A_1685 : f32 to vector<16xf32>
    %mul3A_1687 = arith.mulf %mul3A_1684, %mul3A_1686 : vector<16xf32>
    %add3A_1688 = arith.constant 0.142857149 : f32
    %add3A_1689 = vector.broadcast %add3A_1688 : f32 to vector<16xf32>
    %add3A_1690 = arith.addf %add3A_1689, %mul3A_1687 : vector<16xf32>
    %mul3A_1691 = arith.mulf %mul3A_1684, %add3A_1690 : vector<16xf32>
    %add3A_1692 = arith.constant 2.000000e-01 : f32
    %add3A_1693 = vector.broadcast %add3A_1692 : f32 to vector<16xf32>
    %add3A_1694 = arith.addf %add3A_1693, %mul3A_1691 : vector<16xf32>
    %mul3A_1695 = arith.mulf %mul3A_1684, %add3A_1694 : vector<16xf32>
    %add3A_1696 = arith.constant 0.333333343 : f32
    %add3A_1697 = vector.broadcast %add3A_1696 : f32 to vector<16xf32>
    %add3A_1698 = arith.addf %add3A_1697, %mul3A_1695 : vector<16xf32>
    %mul3A_1699 = arith.mulf %mul3A_1684, %add3A_1698 : vector<16xf32>
    %add3A_1700 = arith.constant 1.000000e+00 : f32
    %add3A_1701 = vector.broadcast %add3A_1700 : f32 to vector<16xf32>
    %add3A_1702 = arith.addf %add3A_1701, %mul3A_1699 : vector<16xf32>
    %mul3A_1703 = arith.constant 0.693147182 : f32
    %mul3A_1704 = vector.broadcast %mul3A_1703 : f32 to vector<16xf32>
    %mul3A_1705 = arith.mulf %convert_element_type3A_1676, %mul3A_1704 : vector<16xf32>
    %mul3A_1706 = arith.constant 2.000000e+00 : f32
    %mul3A_1707 = vector.broadcast %mul3A_1706 : f32 to vector<16xf32>
    %mul3A_1708 = arith.mulf %mul3A_1707, %div3A_1683 : vector<16xf32>
    %mul3A_1709 = arith.mulf %mul3A_1708, %add3A_1702 : vector<16xf32>
    %add3A_1710 = arith.addf %mul3A_1705, %mul3A_1709 : vector<16xf32>
    %mul3A_1711 = arith.mulf %get3A_1644, %add3A_1710 : vector<16xf32>
    %jit3A_1712 = arith.constant 0.000000e+00 : f32
    %broadcast_in_dim3A_1713 = vector.broadcast %jit3A_1712 : f32 to vector<16xf32>
    %select_n3A_1714 = arith.select %and3A_1648, %mul3A_1711, %broadcast_in_dim3A_1713 : vector<16xi1>, vector<16xf32>
    %add3A_1715 = arith.addf %add3A_1625, %select_n3A_1714 : vector<16xf32>
    %add3A_1716 = arith.constant 240 : i32
    %add3A_1717 = arith.addi %min3A_1, %add3A_1716 : i32
    %add3A_1718 = arith.constant 0 : i32
    %add3A_1719 = arith.addi %add3A_1717, %add3A_1718 : i32
    %add3A_1720 = vector.broadcast %add3A_1719 : i32 to vector<16xi32>
    %add3A_1721 = arith.addi %add3A_1720, %iota3A : vector<16xi32>
    %ge3A_1722 = vector.broadcast %mul3A_0 : i32 to vector<16xi32>
    %ge3A_1723 = arith.cmpi sge, %add3A_1721, %ge3A_1722 : vector<16xi32>
    %get3A_1724 = arith.constant 3 : i32
    %get3A_1725 = arith.index_cast %get3A_1724 : i32 to index
    %get3A_1726 = arith.constant 0 : index
    %get3A_1727 = tpu.vector_load %arg7[%get3A_1725, %get3A_1726] {strides = array<i32>} : memref<4x80xf32, #tpu.memory_space<vmem>>, vector<1x16xf32>,
    %get3A_1728 = vector.shape_cast %get3A_1727 : vector<1x16xf32> to vector<16xf32>
    %get3A_1729 = arith.constant 240 : index
    %get3A_1730 = tpu.vector_load %arg8[%get3A_1729] {strides = array<i32>} : memref<320xi32, #tpu.memory_space<vmem>>, vector<16xi32>,
    %get3A_1731 = vector.shape_cast %get3A_1730 : vector<16xi32> to vector<16xi32>
    %get3A_1732 = arith.constant 240 : index
    %get3A_1733 = tpu.vector_load %arg9[%get3A_1732] {strides = array<i32>} : memref<320xf32, #tpu.memory_space<vmem>>, vector<16xf32>,
    %get3A_1734 = vector.shape_cast %get3A_1733 : vector<16xf32> to vector<16xf32>
    %eq3A_1735 = arith.constant 0 : i32
    %eq3A_1736 = vector.broadcast %eq3A_1735 : i32 to vector<16xi32>
    %eq3A_1737 = arith.cmpi eq, %get3A_1731, %eq3A_1736 : vector<16xi32>
    %and3A_1738 = arith.andi %ge3A_1723, %eq3A_1737 : vector<16xi1>
    %bitcast_convert_type3A_1739 = tpu.bitcast %get3A_1728 : vector<16xf32> -> vector<16xi32>
    %shift_right_logical3A_1740 = arith.constant 23 : i32
    %shift_right_logical3A_1741 = vector.broadcast %shift_right_logical3A_1740 : i32 to vector<16xi32>
    %shift_right_logical3A_1742 = arith.shrui %bitcast_convert_type3A_1739, %shift_right_logical3A_1741 : vector<16xi32>
    %sub3A_1743 = arith.constant 127 : i32
    %sub3A_1744 = vector.broadcast %sub3A_1743 : i32 to vector<16xi32>
    %sub3A_1745 = arith.subi %shift_right_logical3A_1742, %sub3A_1744 : vector<16xi32>
    %and3A_1746 = arith.constant 8388607 : i32
    %and3A_1747 = vector.broadcast %and3A_1746 : i32 to vector<16xi32>
    %and3A_1748 = arith.andi %bitcast_convert_type3A_1739, %and3A_1747 : vector<16xi32>
    %or3A_1749 = arith.constant 1065353216 : i32
    %or3A_1750 = vector.broadcast %or3A_1749 : i32 to vector<16xi32>
    %or3A_1751 = arith.ori %and3A_1748, %or3A_1750 : vector<16xi32>
    %bitcast_convert_type3A_1752 = tpu.bitcast %or3A_1751 : vector<16xi32> -> vector<16xf32>
    %gt3A_1753 = arith.constant 1.41421354 : f32
    %gt3A_1754 = vector.broadcast %gt3A_1753 : f32 to vector<16xf32>
    %gt3A_1755 = arith.cmpf ogt, %bitcast_convert_type3A_1752, %gt3A_1754 : vector<16xf32>
    %mul3A_1756 = arith.constant 5.000000e-01 : f32
    %mul3A_1757 = vector.broadcast %mul3A_1756 : f32 to vector<16xf32>
    %mul3A_1758 = arith.mulf %bitcast_convert_type3A_1752, %mul3A_1757 : vector<16xf32>
    %select_n3A_1759 = arith.select %gt3A_1755, %mul3A_1758, %bitcast_convert_type3A_1752 : vector<16xi1>, vector<16xf32>
    %jit3A_1760 = arith.constant 1 : i32
    %jit3A_1761 = arith.constant 0 : i32
    %broadcast_in_dim3A_1762 = vector.broadcast %jit3A_1760 : i32 to vector<16xi32>
    %broadcast_in_dim3A_1763 = vector.broadcast %jit3A_1761 : i32 to vector<16xi32>
    %select_n3A_1764 = arith.select %gt3A_1755, %broadcast_in_dim3A_1762, %broadcast_in_dim3A_1763 : vector<16xi1>, vector<16xi32>
    %add3A_1765 = arith.addi %sub3A_1745, %select_n3A_1764 : vector<16xi32>
    %convert_element_type3A_1766 = arith.sitofp %add3A_1765 : vector<16xi32> to vector<16xf32>
    %sub3A_1767 = arith.constant 1.000000e+00 : f32
    %sub3A_1768 = vector.broadcast %sub3A_1767 : f32 to vector<16xf32>
    %sub3A_1769 = arith.subf %select_n3A_1759, %sub3A_1768 : vector<16xf32>
    %add3A_1770 = arith.constant 1.000000e+00 : f32
    %add3A_1771 = vector.broadcast %add3A_1770 : f32 to vector<16xf32>
    %add3A_1772 = arith.addf %select_n3A_1759, %add3A_1771 : vector<16xf32>
    %div3A_1773 = arith.divf %sub3A_1769, %add3A_1772 : vector<16xf32>
    %mul3A_1774 = arith.mulf %div3A_1773, %div3A_1773 : vector<16xf32>
    %mul3A_1775 = arith.constant 0.111111112 : f32
    %mul3A_1776 = vector.broadcast %mul3A_1775 : f32 to vector<16xf32>
    %mul3A_1777 = arith.mulf %mul3A_1774, %mul3A_1776 : vector<16xf32>
    %add3A_1778 = arith.constant 0.142857149 : f32
    %add3A_1779 = vector.broadcast %add3A_1778 : f32 to vector<16xf32>
    %add3A_1780 = arith.addf %add3A_1779, %mul3A_1777 : vector<16xf32>
    %mul3A_1781 = arith.mulf %mul3A_1774, %add3A_1780 : vector<16xf32>
    %add3A_1782 = arith.constant 2.000000e-01 : f32
    %add3A_1783 = vector.broadcast %add3A_1782 : f32 to vector<16xf32>
    %add3A_1784 = arith.addf %add3A_1783, %mul3A_1781 : vector<16xf32>
    %mul3A_1785 = arith.mulf %mul3A_1774, %add3A_1784 : vector<16xf32>
    %add3A_1786 = arith.constant 0.333333343 : f32
    %add3A_1787 = vector.broadcast %add3A_1786 : f32 to vector<16xf32>
    %add3A_1788 = arith.addf %add3A_1787, %mul3A_1785 : vector<16xf32>
    %mul3A_1789 = arith.mulf %mul3A_1774, %add3A_1788 : vector<16xf32>
    %add3A_1790 = arith.constant 1.000000e+00 : f32
    %add3A_1791 = vector.broadcast %add3A_1790 : f32 to vector<16xf32>
    %add3A_1792 = arith.addf %add3A_1791, %mul3A_1789 : vector<16xf32>
    %mul3A_1793 = arith.constant 0.693147182 : f32
    %mul3A_1794 = vector.broadcast %mul3A_1793 : f32 to vector<16xf32>
    %mul3A_1795 = arith.mulf %convert_element_type3A_1766, %mul3A_1794 : vector<16xf32>
    %mul3A_1796 = arith.constant 2.000000e+00 : f32
    %mul3A_1797 = vector.broadcast %mul3A_1796 : f32 to vector<16xf32>
    %mul3A_1798 = arith.mulf %mul3A_1797, %div3A_1773 : vector<16xf32>
    %mul3A_1799 = arith.mulf %mul3A_1798, %add3A_1792 : vector<16xf32>
    %add3A_1800 = arith.addf %mul3A_1795, %mul3A_1799 : vector<16xf32>
    %mul3A_1801 = arith.mulf %get3A_1734, %add3A_1800 : vector<16xf32>
    %jit3A_1802 = arith.constant 0.000000e+00 : f32
    %broadcast_in_dim3A_1803 = vector.broadcast %jit3A_1802 : f32 to vector<16xf32>
    %select_n3A_1804 = arith.select %and3A_1738, %mul3A_1801, %broadcast_in_dim3A_1803 : vector<16xi1>, vector<16xf32>
    %add3A_1805 = arith.addf %add3A_1715, %select_n3A_1804 : vector<16xf32>
    %add3A_1806 = arith.constant 240 : i32
    %add3A_1807 = arith.addi %min3A_1, %add3A_1806 : i32
    %add3A_1808 = arith.constant 16 : i32
    %add3A_1809 = arith.addi %add3A_1807, %add3A_1808 : i32
    %add3A_1810 = vector.broadcast %add3A_1809 : i32 to vector<16xi32>
    %add3A_1811 = arith.addi %add3A_1810, %iota3A : vector<16xi32>
    %ge3A_1812 = vector.broadcast %mul3A_0 : i32 to vector<16xi32>
    %ge3A_1813 = arith.cmpi sge, %add3A_1811, %ge3A_1812 : vector<16xi32>
    %get3A_1814 = arith.constant 3 : i32
    %get3A_1815 = arith.index_cast %get3A_1814 : i32 to index
    %get3A_1816 = arith.constant 16 : index
    %get3A_1817 = tpu.vector_load %arg7[%get3A_1815, %get3A_1816] {strides = array<i32>} : memref<4x80xf32, #tpu.memory_space<vmem>>, vector<1x16xf32>,
    %get3A_1818 = vector.shape_cast %get3A_1817 : vector<1x16xf32> to vector<16xf32>
    %get3A_1819 = arith.constant 256 : index
    %get3A_1820 = tpu.vector_load %arg8[%get3A_1819] {strides = array<i32>} : memref<320xi32, #tpu.memory_space<vmem>>, vector<16xi32>,
    %get3A_1821 = vector.shape_cast %get3A_1820 : vector<16xi32> to vector<16xi32>
    %get3A_1822 = arith.constant 256 : index
    %get3A_1823 = tpu.vector_load %arg9[%get3A_1822] {strides = array<i32>} : memref<320xf32, #tpu.memory_space<vmem>>, vector<16xf32>,
    %get3A_1824 = vector.shape_cast %get3A_1823 : vector<16xf32> to vector<16xf32>
    %eq3A_1825 = arith.constant 0 : i32
    %eq3A_1826 = vector.broadcast %eq3A_1825 : i32 to vector<16xi32>
    %eq3A_1827 = arith.cmpi eq, %get3A_1821, %eq3A_1826 : vector<16xi32>
    %and3A_1828 = arith.andi %ge3A_1813, %eq3A_1827 : vector<16xi1>
    %bitcast_convert_type3A_1829 = tpu.bitcast %get3A_1818 : vector<16xf32> -> vector<16xi32>
    %shift_right_logical3A_1830 = arith.constant 23 : i32
    %shift_right_logical3A_1831 = vector.broadcast %shift_right_logical3A_1830 : i32 to vector<16xi32>
    %shift_right_logical3A_1832 = arith.shrui %bitcast_convert_type3A_1829, %shift_right_logical3A_1831 : vector<16xi32>
    %sub3A_1833 = arith.constant 127 : i32
    %sub3A_1834 = vector.broadcast %sub3A_1833 : i32 to vector<16xi32>
    %sub3A_1835 = arith.subi %shift_right_logical3A_1832, %sub3A_1834 : vector<16xi32>
    %and3A_1836 = arith.constant 8388607 : i32
    %and3A_1837 = vector.broadcast %and3A_1836 : i32 to vector<16xi32>
    %and3A_1838 = arith.andi %bitcast_convert_type3A_1829, %and3A_1837 : vector<16xi32>
    %or3A_1839 = arith.constant 1065353216 : i32
    %or3A_1840 = vector.broadcast %or3A_1839 : i32 to vector<16xi32>
    %or3A_1841 = arith.ori %and3A_1838, %or3A_1840 : vector<16xi32>
    %bitcast_convert_type3A_1842 = tpu.bitcast %or3A_1841 : vector<16xi32> -> vector<16xf32>
    %gt3A_1843 = arith.constant 1.41421354 : f32
    %gt3A_1844 = vector.broadcast %gt3A_1843 : f32 to vector<16xf32>
    %gt3A_1845 = arith.cmpf ogt, %bitcast_convert_type3A_1842, %gt3A_1844 : vector<16xf32>
    %mul3A_1846 = arith.constant 5.000000e-01 : f32
    %mul3A_1847 = vector.broadcast %mul3A_1846 : f32 to vector<16xf32>
    %mul3A_1848 = arith.mulf %bitcast_convert_type3A_1842, %mul3A_1847 : vector<16xf32>
    %select_n3A_1849 = arith.select %gt3A_1845, %mul3A_1848, %bitcast_convert_type3A_1842 : vector<16xi1>, vector<16xf32>
    %jit3A_1850 = arith.constant 1 : i32
    %jit3A_1851 = arith.constant 0 : i32
    %broadcast_in_dim3A_1852 = vector.broadcast %jit3A_1850 : i32 to vector<16xi32>
    %broadcast_in_dim3A_1853 = vector.broadcast %jit3A_1851 : i32 to vector<16xi32>
    %select_n3A_1854 = arith.select %gt3A_1845, %broadcast_in_dim3A_1852, %broadcast_in_dim3A_1853 : vector<16xi1>, vector<16xi32>
    %add3A_1855 = arith.addi %sub3A_1835, %select_n3A_1854 : vector<16xi32>
    %convert_element_type3A_1856 = arith.sitofp %add3A_1855 : vector<16xi32> to vector<16xf32>
    %sub3A_1857 = arith.constant 1.000000e+00 : f32
    %sub3A_1858 = vector.broadcast %sub3A_1857 : f32 to vector<16xf32>
    %sub3A_1859 = arith.subf %select_n3A_1849, %sub3A_1858 : vector<16xf32>
    %add3A_1860 = arith.constant 1.000000e+00 : f32
    %add3A_1861 = vector.broadcast %add3A_1860 : f32 to vector<16xf32>
    %add3A_1862 = arith.addf %select_n3A_1849, %add3A_1861 : vector<16xf32>
    %div3A_1863 = arith.divf %sub3A_1859, %add3A_1862 : vector<16xf32>
    %mul3A_1864 = arith.mulf %div3A_1863, %div3A_1863 : vector<16xf32>
    %mul3A_1865 = arith.constant 0.111111112 : f32
    %mul3A_1866 = vector.broadcast %mul3A_1865 : f32 to vector<16xf32>
    %mul3A_1867 = arith.mulf %mul3A_1864, %mul3A_1866 : vector<16xf32>
    %add3A_1868 = arith.constant 0.142857149 : f32
    %add3A_1869 = vector.broadcast %add3A_1868 : f32 to vector<16xf32>
    %add3A_1870 = arith.addf %add3A_1869, %mul3A_1867 : vector<16xf32>
    %mul3A_1871 = arith.mulf %mul3A_1864, %add3A_1870 : vector<16xf32>
    %add3A_1872 = arith.constant 2.000000e-01 : f32
    %add3A_1873 = vector.broadcast %add3A_1872 : f32 to vector<16xf32>
    %add3A_1874 = arith.addf %add3A_1873, %mul3A_1871 : vector<16xf32>
    %mul3A_1875 = arith.mulf %mul3A_1864, %add3A_1874 : vector<16xf32>
    %add3A_1876 = arith.constant 0.333333343 : f32
    %add3A_1877 = vector.broadcast %add3A_1876 : f32 to vector<16xf32>
    %add3A_1878 = arith.addf %add3A_1877, %mul3A_1875 : vector<16xf32>
    %mul3A_1879 = arith.mulf %mul3A_1864, %add3A_1878 : vector<16xf32>
    %add3A_1880 = arith.constant 1.000000e+00 : f32
    %add3A_1881 = vector.broadcast %add3A_1880 : f32 to vector<16xf32>
    %add3A_1882 = arith.addf %add3A_1881, %mul3A_1879 : vector<16xf32>
    %mul3A_1883 = arith.constant 0.693147182 : f32
    %mul3A_1884 = vector.broadcast %mul3A_1883 : f32 to vector<16xf32>
    %mul3A_1885 = arith.mulf %convert_element_type3A_1856, %mul3A_1884 : vector<16xf32>
    %mul3A_1886 = arith.constant 2.000000e+00 : f32
    %mul3A_1887 = vector.broadcast %mul3A_1886 : f32 to vector<16xf32>
    %mul3A_1888 = arith.mulf %mul3A_1887, %div3A_1863 : vector<16xf32>
    %mul3A_1889 = arith.mulf %mul3A_1888, %add3A_1882 : vector<16xf32>
    %add3A_1890 = arith.addf %mul3A_1885, %mul3A_1889 : vector<16xf32>
    %mul3A_1891 = arith.mulf %get3A_1824, %add3A_1890 : vector<16xf32>
    %jit3A_1892 = arith.constant 0.000000e+00 : f32
    %broadcast_in_dim3A_1893 = vector.broadcast %jit3A_1892 : f32 to vector<16xf32>
    %select_n3A_1894 = arith.select %and3A_1828, %mul3A_1891, %broadcast_in_dim3A_1893 : vector<16xi1>, vector<16xf32>
    %add3A_1895 = arith.addf %add3A_1805, %select_n3A_1894 : vector<16xf32>
    %add3A_1896 = arith.constant 240 : i32
    %add3A_1897 = arith.addi %min3A_1, %add3A_1896 : i32
    %add3A_1898 = arith.constant 32 : i32
    %add3A_1899 = arith.addi %add3A_1897, %add3A_1898 : i32
    %add3A_1900 = vector.broadcast %add3A_1899 : i32 to vector<16xi32>
    %add3A_1901 = arith.addi %add3A_1900, %iota3A : vector<16xi32>
    %ge3A_1902 = vector.broadcast %mul3A_0 : i32 to vector<16xi32>
    %ge3A_1903 = arith.cmpi sge, %add3A_1901, %ge3A_1902 : vector<16xi32>
    %get3A_1904 = arith.constant 3 : i32
    %get3A_1905 = arith.index_cast %get3A_1904 : i32 to index
    %get3A_1906 = arith.constant 32 : index
    %get3A_1907 = tpu.vector_load %arg7[%get3A_1905, %get3A_1906] {strides = array<i32>} : memref<4x80xf32, #tpu.memory_space<vmem>>, vector<1x16xf32>,
    %get3A_1908 = vector.shape_cast %get3A_1907 : vector<1x16xf32> to vector<16xf32>
    %get3A_1909 = arith.constant 272 : index
    %get3A_1910 = tpu.vector_load %arg8[%get3A_1909] {strides = array<i32>} : memref<320xi32, #tpu.memory_space<vmem>>, vector<16xi32>,
    %get3A_1911 = vector.shape_cast %get3A_1910 : vector<16xi32> to vector<16xi32>
    %get3A_1912 = arith.constant 272 : index
    %get3A_1913 = tpu.vector_load %arg9[%get3A_1912] {strides = array<i32>} : memref<320xf32, #tpu.memory_space<vmem>>, vector<16xf32>,
    %get3A_1914 = vector.shape_cast %get3A_1913 : vector<16xf32> to vector<16xf32>
    %eq3A_1915 = arith.constant 0 : i32
    %eq3A_1916 = vector.broadcast %eq3A_1915 : i32 to vector<16xi32>
    %eq3A_1917 = arith.cmpi eq, %get3A_1911, %eq3A_1916 : vector<16xi32>
    %and3A_1918 = arith.andi %ge3A_1903, %eq3A_1917 : vector<16xi1>
    %bitcast_convert_type3A_1919 = tpu.bitcast %get3A_1908 : vector<16xf32> -> vector<16xi32>
    %shift_right_logical3A_1920 = arith.constant 23 : i32
    %shift_right_logical3A_1921 = vector.broadcast %shift_right_logical3A_1920 : i32 to vector<16xi32>
    %shift_right_logical3A_1922 = arith.shrui %bitcast_convert_type3A_1919, %shift_right_logical3A_1921 : vector<16xi32>
    %sub3A_1923 = arith.constant 127 : i32
    %sub3A_1924 = vector.broadcast %sub3A_1923 : i32 to vector<16xi32>
    %sub3A_1925 = arith.subi %shift_right_logical3A_1922, %sub3A_1924 : vector<16xi32>
    %and3A_1926 = arith.constant 8388607 : i32
    %and3A_1927 = vector.broadcast %and3A_1926 : i32 to vector<16xi32>
    %and3A_1928 = arith.andi %bitcast_convert_type3A_1919, %and3A_1927 : vector<16xi32>
    %or3A_1929 = arith.constant 1065353216 : i32
    %or3A_1930 = vector.broadcast %or3A_1929 : i32 to vector<16xi32>
    %or3A_1931 = arith.ori %and3A_1928, %or3A_1930 : vector<16xi32>
    %bitcast_convert_type3A_1932 = tpu.bitcast %or3A_1931 : vector<16xi32> -> vector<16xf32>
    %gt3A_1933 = arith.constant 1.41421354 : f32
    %gt3A_1934 = vector.broadcast %gt3A_1933 : f32 to vector<16xf32>
    %gt3A_1935 = arith.cmpf ogt, %bitcast_convert_type3A_1932, %gt3A_1934 : vector<16xf32>
    %mul3A_1936 = arith.constant 5.000000e-01 : f32
    %mul3A_1937 = vector.broadcast %mul3A_1936 : f32 to vector<16xf32>
    %mul3A_1938 = arith.mulf %bitcast_convert_type3A_1932, %mul3A_1937 : vector<16xf32>
    %select_n3A_1939 = arith.select %gt3A_1935, %mul3A_1938, %bitcast_convert_type3A_1932 : vector<16xi1>, vector<16xf32>
    %jit3A_1940 = arith.constant 1 : i32
    %jit3A_1941 = arith.constant 0 : i32
    %broadcast_in_dim3A_1942 = vector.broadcast %jit3A_1940 : i32 to vector<16xi32>
    %broadcast_in_dim3A_1943 = vector.broadcast %jit3A_1941 : i32 to vector<16xi32>
    %select_n3A_1944 = arith.select %gt3A_1935, %broadcast_in_dim3A_1942, %broadcast_in_dim3A_1943 : vector<16xi1>, vector<16xi32>
    %add3A_1945 = arith.addi %sub3A_1925, %select_n3A_1944 : vector<16xi32>
    %convert_element_type3A_1946 = arith.sitofp %add3A_1945 : vector<16xi32> to vector<16xf32>
    %sub3A_1947 = arith.constant 1.000000e+00 : f32
    %sub3A_1948 = vector.broadcast %sub3A_1947 : f32 to vector<16xf32>
    %sub3A_1949 = arith.subf %select_n3A_1939, %sub3A_1948 : vector<16xf32>
    %add3A_1950 = arith.constant 1.000000e+00 : f32
    %add3A_1951 = vector.broadcast %add3A_1950 : f32 to vector<16xf32>
    %add3A_1952 = arith.addf %select_n3A_1939, %add3A_1951 : vector<16xf32>
    %div3A_1953 = arith.divf %sub3A_1949, %add3A_1952 : vector<16xf32>
    %mul3A_1954 = arith.mulf %div3A_1953, %div3A_1953 : vector<16xf32>
    %mul3A_1955 = arith.constant 0.111111112 : f32
    %mul3A_1956 = vector.broadcast %mul3A_1955 : f32 to vector<16xf32>
    %mul3A_1957 = arith.mulf %mul3A_1954, %mul3A_1956 : vector<16xf32>
    %add3A_1958 = arith.constant 0.142857149 : f32
    %add3A_1959 = vector.broadcast %add3A_1958 : f32 to vector<16xf32>
    %add3A_1960 = arith.addf %add3A_1959, %mul3A_1957 : vector<16xf32>
    %mul3A_1961 = arith.mulf %mul3A_1954, %add3A_1960 : vector<16xf32>
    %add3A_1962 = arith.constant 2.000000e-01 : f32
    %add3A_1963 = vector.broadcast %add3A_1962 : f32 to vector<16xf32>
    %add3A_1964 = arith.addf %add3A_1963, %mul3A_1961 : vector<16xf32>
    %mul3A_1965 = arith.mulf %mul3A_1954, %add3A_1964 : vector<16xf32>
    %add3A_1966 = arith.constant 0.333333343 : f32
    %add3A_1967 = vector.broadcast %add3A_1966 : f32 to vector<16xf32>
    %add3A_1968 = arith.addf %add3A_1967, %mul3A_1965 : vector<16xf32>
    %mul3A_1969 = arith.mulf %mul3A_1954, %add3A_1968 : vector<16xf32>
    %add3A_1970 = arith.constant 1.000000e+00 : f32
    %add3A_1971 = vector.broadcast %add3A_1970 : f32 to vector<16xf32>
    %add3A_1972 = arith.addf %add3A_1971, %mul3A_1969 : vector<16xf32>
    %mul3A_1973 = arith.constant 0.693147182 : f32
    %mul3A_1974 = vector.broadcast %mul3A_1973 : f32 to vector<16xf32>
    %mul3A_1975 = arith.mulf %convert_element_type3A_1946, %mul3A_1974 : vector<16xf32>
    %mul3A_1976 = arith.constant 2.000000e+00 : f32
    %mul3A_1977 = vector.broadcast %mul3A_1976 : f32 to vector<16xf32>
    %mul3A_1978 = arith.mulf %mul3A_1977, %div3A_1953 : vector<16xf32>
    %mul3A_1979 = arith.mulf %mul3A_1978, %add3A_1972 : vector<16xf32>
    %add3A_1980 = arith.addf %mul3A_1975, %mul3A_1979 : vector<16xf32>
    %mul3A_1981 = arith.mulf %get3A_1914, %add3A_1980 : vector<16xf32>
    %jit3A_1982 = arith.constant 0.000000e+00 : f32
    %broadcast_in_dim3A_1983 = vector.broadcast %jit3A_1982 : f32 to vector<16xf32>
    %select_n3A_1984 = arith.select %and3A_1918, %mul3A_1981, %broadcast_in_dim3A_1983 : vector<16xi1>, vector<16xf32>
    %add3A_1985 = arith.addf %add3A_1895, %select_n3A_1984 : vector<16xf32>
    %add3A_1986 = arith.constant 240 : i32
    %add3A_1987 = arith.addi %min3A_1, %add3A_1986 : i32
    %add3A_1988 = arith.constant 48 : i32
    %add3A_1989 = arith.addi %add3A_1987, %add3A_1988 : i32
    %add3A_1990 = vector.broadcast %add3A_1989 : i32 to vector<16xi32>
    %add3A_1991 = arith.addi %add3A_1990, %iota3A : vector<16xi32>
    %ge3A_1992 = vector.broadcast %mul3A_0 : i32 to vector<16xi32>
    %ge3A_1993 = arith.cmpi sge, %add3A_1991, %ge3A_1992 : vector<16xi32>
    %get3A_1994 = arith.constant 3 : i32
    %get3A_1995 = arith.index_cast %get3A_1994 : i32 to index
    %get3A_1996 = arith.constant 48 : index
    %get3A_1997 = tpu.vector_load %arg7[%get3A_1995, %get3A_1996] {strides = array<i32>} : memref<4x80xf32, #tpu.memory_space<vmem>>, vector<1x16xf32>,
    %get3A_1998 = vector.shape_cast %get3A_1997 : vector<1x16xf32> to vector<16xf32>
    %get3A_1999 = arith.constant 288 : index
    %get3A_2000 = tpu.vector_load %arg8[%get3A_1999] {strides = array<i32>} : memref<320xi32, #tpu.memory_space<vmem>>, vector<16xi32>,
    %get3A_2001 = vector.shape_cast %get3A_2000 : vector<16xi32> to vector<16xi32>
    %get3A_2002 = arith.constant 288 : index
    %get3A_2003 = tpu.vector_load %arg9[%get3A_2002] {strides = array<i32>} : memref<320xf32, #tpu.memory_space<vmem>>, vector<16xf32>,
    %get3A_2004 = vector.shape_cast %get3A_2003 : vector<16xf32> to vector<16xf32>
    %eq3A_2005 = arith.constant 0 : i32
    %eq3A_2006 = vector.broadcast %eq3A_2005 : i32 to vector<16xi32>
    %eq3A_2007 = arith.cmpi eq, %get3A_2001, %eq3A_2006 : vector<16xi32>
    %and3A_2008 = arith.andi %ge3A_1993, %eq3A_2007 : vector<16xi1>
    %bitcast_convert_type3A_2009 = tpu.bitcast %get3A_1998 : vector<16xf32> -> vector<16xi32>
    %shift_right_logical3A_2010 = arith.constant 23 : i32
    %shift_right_logical3A_2011 = vector.broadcast %shift_right_logical3A_2010 : i32 to vector<16xi32>
    %shift_right_logical3A_2012 = arith.shrui %bitcast_convert_type3A_2009, %shift_right_logical3A_2011 : vector<16xi32>
    %sub3A_2013 = arith.constant 127 : i32
    %sub3A_2014 = vector.broadcast %sub3A_2013 : i32 to vector<16xi32>
    %sub3A_2015 = arith.subi %shift_right_logical3A_2012, %sub3A_2014 : vector<16xi32>
    %and3A_2016 = arith.constant 8388607 : i32
    %and3A_2017 = vector.broadcast %and3A_2016 : i32 to vector<16xi32>
    %and3A_2018 = arith.andi %bitcast_convert_type3A_2009, %and3A_2017 : vector<16xi32>
    %or3A_2019 = arith.constant 1065353216 : i32
    %or3A_2020 = vector.broadcast %or3A_2019 : i32 to vector<16xi32>
    %or3A_2021 = arith.ori %and3A_2018, %or3A_2020 : vector<16xi32>
    %bitcast_convert_type3A_2022 = tpu.bitcast %or3A_2021 : vector<16xi32> -> vector<16xf32>
    %gt3A_2023 = arith.constant 1.41421354 : f32
    %gt3A_2024 = vector.broadcast %gt3A_2023 : f32 to vector<16xf32>
    %gt3A_2025 = arith.cmpf ogt, %bitcast_convert_type3A_2022, %gt3A_2024 : vector<16xf32>
    %mul3A_2026 = arith.constant 5.000000e-01 : f32
    %mul3A_2027 = vector.broadcast %mul3A_2026 : f32 to vector<16xf32>
    %mul3A_2028 = arith.mulf %bitcast_convert_type3A_2022, %mul3A_2027 : vector<16xf32>
    %select_n3A_2029 = arith.select %gt3A_2025, %mul3A_2028, %bitcast_convert_type3A_2022 : vector<16xi1>, vector<16xf32>
    %jit3A_2030 = arith.constant 1 : i32
    %jit3A_2031 = arith.constant 0 : i32
    %broadcast_in_dim3A_2032 = vector.broadcast %jit3A_2030 : i32 to vector<16xi32>
    %broadcast_in_dim3A_2033 = vector.broadcast %jit3A_2031 : i32 to vector<16xi32>
    %select_n3A_2034 = arith.select %gt3A_2025, %broadcast_in_dim3A_2032, %broadcast_in_dim3A_2033 : vector<16xi1>, vector<16xi32>
    %add3A_2035 = arith.addi %sub3A_2015, %select_n3A_2034 : vector<16xi32>
    %convert_element_type3A_2036 = arith.sitofp %add3A_2035 : vector<16xi32> to vector<16xf32>
    %sub3A_2037 = arith.constant 1.000000e+00 : f32
    %sub3A_2038 = vector.broadcast %sub3A_2037 : f32 to vector<16xf32>
    %sub3A_2039 = arith.subf %select_n3A_2029, %sub3A_2038 : vector<16xf32>
    %add3A_2040 = arith.constant 1.000000e+00 : f32
    %add3A_2041 = vector.broadcast %add3A_2040 : f32 to vector<16xf32>
    %add3A_2042 = arith.addf %select_n3A_2029, %add3A_2041 : vector<16xf32>
    %div3A_2043 = arith.divf %sub3A_2039, %add3A_2042 : vector<16xf32>
    %mul3A_2044 = arith.mulf %div3A_2043, %div3A_2043 : vector<16xf32>
    %mul3A_2045 = arith.constant 0.111111112 : f32
    %mul3A_2046 = vector.broadcast %mul3A_2045 : f32 to vector<16xf32>
    %mul3A_2047 = arith.mulf %mul3A_2044, %mul3A_2046 : vector<16xf32>
    %add3A_2048 = arith.constant 0.142857149 : f32
    %add3A_2049 = vector.broadcast %add3A_2048 : f32 to vector<16xf32>
    %add3A_2050 = arith.addf %add3A_2049, %mul3A_2047 : vector<16xf32>
    %mul3A_2051 = arith.mulf %mul3A_2044, %add3A_2050 : vector<16xf32>
    %add3A_2052 = arith.constant 2.000000e-01 : f32
    %add3A_2053 = vector.broadcast %add3A_2052 : f32 to vector<16xf32>
    %add3A_2054 = arith.addf %add3A_2053, %mul3A_2051 : vector<16xf32>
    %mul3A_2055 = arith.mulf %mul3A_2044, %add3A_2054 : vector<16xf32>
    %add3A_2056 = arith.constant 0.333333343 : f32
    %add3A_2057 = vector.broadcast %add3A_2056 : f32 to vector<16xf32>
    %add3A_2058 = arith.addf %add3A_2057, %mul3A_2055 : vector<16xf32>
    %mul3A_2059 = arith.mulf %mul3A_2044, %add3A_2058 : vector<16xf32>
    %add3A_2060 = arith.constant 1.000000e+00 : f32
    %add3A_2061 = vector.broadcast %add3A_2060 : f32 to vector<16xf32>
    %add3A_2062 = arith.addf %add3A_2061, %mul3A_2059 : vector<16xf32>
    %mul3A_2063 = arith.constant 0.693147182 : f32
    %mul3A_2064 = vector.broadcast %mul3A_2063 : f32 to vector<16xf32>
    %mul3A_2065 = arith.mulf %convert_element_type3A_2036, %mul3A_2064 : vector<16xf32>
    %mul3A_2066 = arith.constant 2.000000e+00 : f32
    %mul3A_2067 = vector.broadcast %mul3A_2066 : f32 to vector<16xf32>
    %mul3A_2068 = arith.mulf %mul3A_2067, %div3A_2043 : vector<16xf32>
    %mul3A_2069 = arith.mulf %mul3A_2068, %add3A_2062 : vector<16xf32>
    %add3A_2070 = arith.addf %mul3A_2065, %mul3A_2069 : vector<16xf32>
    %mul3A_2071 = arith.mulf %get3A_2004, %add3A_2070 : vector<16xf32>
    %jit3A_2072 = arith.constant 0.000000e+00 : f32
    %broadcast_in_dim3A_2073 = vector.broadcast %jit3A_2072 : f32 to vector<16xf32>
    %select_n3A_2074 = arith.select %and3A_2008, %mul3A_2071, %broadcast_in_dim3A_2073 : vector<16xi1>, vector<16xf32>
    %add3A_2075 = arith.addf %add3A_1985, %select_n3A_2074 : vector<16xf32>
    %add3A_2076 = arith.constant 240 : i32
    %add3A_2077 = arith.addi %min3A_1, %add3A_2076 : i32
    %add3A_2078 = arith.constant 64 : i32
    %add3A_2079 = arith.addi %add3A_2077, %add3A_2078 : i32
    %add3A_2080 = vector.broadcast %add3A_2079 : i32 to vector<16xi32>
    %add3A_2081 = arith.addi %add3A_2080, %iota3A : vector<16xi32>
    %ge3A_2082 = vector.broadcast %mul3A_0 : i32 to vector<16xi32>
    %ge3A_2083 = arith.cmpi sge, %add3A_2081, %ge3A_2082 : vector<16xi32>
    %get3A_2084 = arith.constant 3 : i32
    %get3A_2085 = arith.index_cast %get3A_2084 : i32 to index
    %get3A_2086 = arith.constant 64 : index
    %get3A_2087 = tpu.vector_load %arg7[%get3A_2085, %get3A_2086] {strides = array<i32>} : memref<4x80xf32, #tpu.memory_space<vmem>>, vector<1x16xf32>,
    %get3A_2088 = vector.shape_cast %get3A_2087 : vector<1x16xf32> to vector<16xf32>
    %get3A_2089 = arith.constant 304 : index
    %get3A_2090 = tpu.vector_load %arg8[%get3A_2089] {strides = array<i32>} : memref<320xi32, #tpu.memory_space<vmem>>, vector<16xi32>,
    %get3A_2091 = vector.shape_cast %get3A_2090 : vector<16xi32> to vector<16xi32>
    %get3A_2092 = arith.constant 304 : index
    %get3A_2093 = tpu.vector_load %arg9[%get3A_2092] {strides = array<i32>} : memref<320xf32, #tpu.memory_space<vmem>>, vector<16xf32>,
    %get3A_2094 = vector.shape_cast %get3A_2093 : vector<16xf32> to vector<16xf32>
    %eq3A_2095 = arith.constant 0 : i32
    %eq3A_2096 = vector.broadcast %eq3A_2095 : i32 to vector<16xi32>
    %eq3A_2097 = arith.cmpi eq, %get3A_2091, %eq3A_2096 : vector<16xi32>
    %and3A_2098 = arith.andi %ge3A_2083, %eq3A_2097 : vector<16xi1>
    %bitcast_convert_type3A_2099 = tpu.bitcast %get3A_2088 : vector<16xf32> -> vector<16xi32>
    %shift_right_logical3A_2100 = arith.constant 23 : i32
    %shift_right_logical3A_2101 = vector.broadcast %shift_right_logical3A_2100 : i32 to vector<16xi32>
    %shift_right_logical3A_2102 = arith.shrui %bitcast_convert_type3A_2099, %shift_right_logical3A_2101 : vector<16xi32>
    %sub3A_2103 = arith.constant 127 : i32
    %sub3A_2104 = vector.broadcast %sub3A_2103 : i32 to vector<16xi32>
    %sub3A_2105 = arith.subi %shift_right_logical3A_2102, %sub3A_2104 : vector<16xi32>
    %and3A_2106 = arith.constant 8388607 : i32
    %and3A_2107 = vector.broadcast %and3A_2106 : i32 to vector<16xi32>
    %and3A_2108 = arith.andi %bitcast_convert_type3A_2099, %and3A_2107 : vector<16xi32>
    %or3A_2109 = arith.constant 1065353216 : i32
    %or3A_2110 = vector.broadcast %or3A_2109 : i32 to vector<16xi32>
    %or3A_2111 = arith.ori %and3A_2108, %or3A_2110 : vector<16xi32>
    %bitcast_convert_type3A_2112 = tpu.bitcast %or3A_2111 : vector<16xi32> -> vector<16xf32>
    %gt3A_2113 = arith.constant 1.41421354 : f32
    %gt3A_2114 = vector.broadcast %gt3A_2113 : f32 to vector<16xf32>
    %gt3A_2115 = arith.cmpf ogt, %bitcast_convert_type3A_2112, %gt3A_2114 : vector<16xf32>
    %mul3A_2116 = arith.constant 5.000000e-01 : f32
    %mul3A_2117 = vector.broadcast %mul3A_2116 : f32 to vector<16xf32>
    %mul3A_2118 = arith.mulf %bitcast_convert_type3A_2112, %mul3A_2117 : vector<16xf32>
    %select_n3A_2119 = arith.select %gt3A_2115, %mul3A_2118, %bitcast_convert_type3A_2112 : vector<16xi1>, vector<16xf32>
    %jit3A_2120 = arith.constant 1 : i32
    %jit3A_2121 = arith.constant 0 : i32
    %broadcast_in_dim3A_2122 = vector.broadcast %jit3A_2120 : i32 to vector<16xi32>
    %broadcast_in_dim3A_2123 = vector.broadcast %jit3A_2121 : i32 to vector<16xi32>
    %select_n3A_2124 = arith.select %gt3A_2115, %broadcast_in_dim3A_2122, %broadcast_in_dim3A_2123 : vector<16xi1>, vector<16xi32>
    %add3A_2125 = arith.addi %sub3A_2105, %select_n3A_2124 : vector<16xi32>
    %convert_element_type3A_2126 = arith.sitofp %add3A_2125 : vector<16xi32> to vector<16xf32>
    %sub3A_2127 = arith.constant 1.000000e+00 : f32
    %sub3A_2128 = vector.broadcast %sub3A_2127 : f32 to vector<16xf32>
    %sub3A_2129 = arith.subf %select_n3A_2119, %sub3A_2128 : vector<16xf32>
    %add3A_2130 = arith.constant 1.000000e+00 : f32
    %add3A_2131 = vector.broadcast %add3A_2130 : f32 to vector<16xf32>
    %add3A_2132 = arith.addf %select_n3A_2119, %add3A_2131 : vector<16xf32>
    %div3A_2133 = arith.divf %sub3A_2129, %add3A_2132 : vector<16xf32>
    %mul3A_2134 = arith.mulf %div3A_2133, %div3A_2133 : vector<16xf32>
    %mul3A_2135 = arith.constant 0.111111112 : f32
    %mul3A_2136 = vector.broadcast %mul3A_2135 : f32 to vector<16xf32>
    %mul3A_2137 = arith.mulf %mul3A_2134, %mul3A_2136 : vector<16xf32>
    %add3A_2138 = arith.constant 0.142857149 : f32
    %add3A_2139 = vector.broadcast %add3A_2138 : f32 to vector<16xf32>
    %add3A_2140 = arith.addf %add3A_2139, %mul3A_2137 : vector<16xf32>
    %mul3A_2141 = arith.mulf %mul3A_2134, %add3A_2140 : vector<16xf32>
    %add3A_2142 = arith.constant 2.000000e-01 : f32
    %add3A_2143 = vector.broadcast %add3A_2142 : f32 to vector<16xf32>
    %add3A_2144 = arith.addf %add3A_2143, %mul3A_2141 : vector<16xf32>
    %mul3A_2145 = arith.mulf %mul3A_2134, %add3A_2144 : vector<16xf32>
    %add3A_2146 = arith.constant 0.333333343 : f32
    %add3A_2147 = vector.broadcast %add3A_2146 : f32 to vector<16xf32>
    %add3A_2148 = arith.addf %add3A_2147, %mul3A_2145 : vector<16xf32>
    %mul3A_2149 = arith.mulf %mul3A_2134, %add3A_2148 : vector<16xf32>
    %add3A_2150 = arith.constant 1.000000e+00 : f32
    %add3A_2151 = vector.broadcast %add3A_2150 : f32 to vector<16xf32>
    %add3A_2152 = arith.addf %add3A_2151, %mul3A_2149 : vector<16xf32>
    %mul3A_2153 = arith.constant 0.693147182 : f32
    %mul3A_2154 = vector.broadcast %mul3A_2153 : f32 to vector<16xf32>
    %mul3A_2155 = arith.mulf %convert_element_type3A_2126, %mul3A_2154 : vector<16xf32>
    %mul3A_2156 = arith.constant 2.000000e+00 : f32
    %mul3A_2157 = vector.broadcast %mul3A_2156 : f32 to vector<16xf32>
    %mul3A_2158 = arith.mulf %mul3A_2157, %div3A_2133 : vector<16xf32>
    %mul3A_2159 = arith.mulf %mul3A_2158, %add3A_2152 : vector<16xf32>
    %add3A_2160 = arith.addf %mul3A_2155, %mul3A_2159 : vector<16xf32>
    %mul3A_2161 = arith.mulf %get3A_2094, %add3A_2160 : vector<16xf32>
    %jit3A_2162 = arith.constant 0.000000e+00 : f32
    %broadcast_in_dim3A_2163 = vector.broadcast %jit3A_2162 : f32 to vector<16xf32>
    %select_n3A_2164 = arith.select %and3A_2098, %mul3A_2161, %broadcast_in_dim3A_2163 : vector<16xi1>, vector<16xf32>
    %add3A_2165 = arith.addf %add3A_2075, %select_n3A_2164 : vector<16xf32>
    %swap3A_2166 = arith.constant 0 : index
    %swap3A_2167 = tpu.vector_load %arg10[%swap3A_2166] {strides = array<i32>} : memref<16xf32, #tpu.memory_space<vmem>>, vector<16xf32>,
    %swap3A_2168 = vector.shape_cast %swap3A_2167 : vector<16xf32> to vector<16xf32>
    %swap3A_2169 = vector.shape_cast %add3A_2165 : vector<16xf32> to vector<16xf32>
    tpu.vector_store %arg10[%swap3A_2166], %swap3A_2169 {strides = array<i32>} : memref<16xf32, #tpu.memory_space<vmem>>, vector<16xf32>,
    "tpu.region"() ({
      %run_scoped3A = tpu.sem_alloc : memref<!tpu.dma_semaphore, #tpu.memory_space<semaphore_mem>>
      %dma_start3A_2170 = arith.constant 0 : i32
      %dma_start3A_2171 = tpu.memref_slice %arg5[%arg1, %dma_start3A_2170] : memref<16x16xf32, #tpu.memory_space<hbm>> -> memref<1x16xf32, #tpu.memory_space<hbm>>
      %dma_start3A_2172 = tpu.memref_squeeze %dma_start3A_2171 : memref<1x16xf32, #tpu.memory_space<hbm>> -> memref<16xf32, #tpu.memory_space<hbm>>
      %dma_start3A_2173 = arith.constant 0 : i32
      %dma_start3A_2174 = tpu.memref_slice %arg5[%arg1, %dma_start3A_2173] : memref<16x16xf32, #tpu.memory_space<hbm>> -> memref<1x16xf32, #tpu.memory_space<hbm>>
      %dma_start3A_2175 = tpu.memref_squeeze %dma_start3A_2174 : memref<1x16xf32, #tpu.memory_space<hbm>> -> memref<16xf32, #tpu.memory_space<hbm>>
      tpu.enqueue_dma source(%arg10 : memref<16xf32, #tpu.memory_space<vmem>>) target(%dma_start3A_2175 : memref<16xf32, #tpu.memory_space<hbm>>) target_semaphore(%run_scoped3A : memref<!tpu.dma_semaphore, #tpu.memory_space<semaphore_mem>>)
      %dma_wait3A_2176 = arith.constant 0 : i32
      %dma_wait3A_2177 = tpu.memref_slice %arg5[%arg1, %dma_wait3A_2176] : memref<16x16xf32, #tpu.memory_space<hbm>> -> memref<1x16xf32, #tpu.memory_space<hbm>>
      %dma_wait3A_2178 = tpu.memref_squeeze %dma_wait3A_2177 : memref<1x16xf32, #tpu.memory_space<hbm>> -> memref<16xf32, #tpu.memory_space<hbm>>
      %dma_wait3A_2179 = arith.constant 0 : i32
      %dma_wait3A_2180 = tpu.memref_slice %arg5[%arg1, %dma_wait3A_2179] : memref<16x16xf32, #tpu.memory_space<hbm>> -> memref<1x16xf32, #tpu.memory_space<hbm>>
      %dma_wait3A_2181 = tpu.memref_squeeze %dma_wait3A_2180 : memref<1x16xf32, #tpu.memory_space<hbm>> -> memref<16xf32, #tpu.memory_space<hbm>>
      tpu.wait_dma2 semaphore(%run_scoped3A : memref<!tpu.dma_semaphore, #tpu.memory_space<semaphore_mem>>) src(%arg10 : memref<16xf32, #tpu.memory_space<vmem>>) dst(%dma_wait3A_2181 : memref<16xf32, #tpu.memory_space<hbm>>)
      tpu.yield
    }) : () -> ()
    return
  }
}

module attributes {stable_mosaic.version = 14 : i64} {
  func.func @_tc_finale(%arg0: memref<16x16xf32, #tpu.memory_space<vmem>>, %arg1: memref<1x64xf32, #tpu.memory_space<vmem>>, %arg2: memref<1x64xf32, #tpu.memory_space<vmem>>, %arg3: memref<1x81xi32, #tpu.memory_space<vmem>>, %arg4: memref<1x1xf32, #tpu.memory_space<vmem>>) attributes {dimension_semantics = [], scalar_prefetch = 0 : i64, scratch_operands = 0 : i64, tpu.core_type = #tpu.core_type<tc>} {
    %get3A = arith.constant 0 : index
    %get3A_0 = arith.constant 0 : index
    %get3A_1 = vector.load %arg0[%get3A, %get3A_0] : memref<16x16xf32, #tpu.memory_space<vmem>>, vector<16x16xf32>
    %reduce_sum3A = vector.shape_cast %get3A_1 : vector<16x16xf32> to vector<1x16x16xf32>
    %reduce_sum3A_2 = arith.constant dense<0.000000e+00> : vector<1xf32>
    %reduce_sum3A_3 = vector.multi_reduction <add>, %reduce_sum3A, %reduce_sum3A_2 [1, 2] : vector<1x16x16xf32> to vector<1xf32>
    %reduce_sum3A_4 = vector.shape_cast %reduce_sum3A_3 : vector<1xf32> to vector<1x1x1xf32>
    %reduce_sum3A_5 = vector.extract %reduce_sum3A_4[0, 0, 0] : f32 from vector<1x1x1xf32>
    %get3A_6 = arith.constant 0 : index
    %get3A_7 = arith.constant 0 : index
    %get3A_8 = vector.load %arg3[%get3A_6, %get3A_7] : memref<1x81xi32, #tpu.memory_space<vmem>>, vector<1x1xi32>
    %get3A_9 = vector.extract %get3A_8[0, 0] : i32 from vector<1x1xi32>
    %ne3A = arith.constant 0 : i32
    %ne3A_10 = arith.cmpi ne, %get3A_9, %ne3A : i32
    %neg3A = arith.constant 0.000000e+00 : f32
    %neg3A_11 = arith.subf %neg3A, %reduce_sum3A_5 : f32
    %jit3A = arith.constant 0.000000e+00 : f32
    %select_n3A = arith.select %ne3A_10, %neg3A_11, %jit3A : f32
    %get3A_12 = arith.constant 0 : index
    %get3A_13 = arith.constant 0 : index
    %get3A_14 = vector.load %arg1[%get3A_12, %get3A_13] : memref<1x64xf32, #tpu.memory_space<vmem>>, vector<1x1xf32>
    %get3A_15 = vector.extract %get3A_14[0, 0] : f32 from vector<1x1xf32>
    %iota3A = tpu.iota {dimensions = array<i32: 1>} : vector<1x81xi32>
    %ge3A = arith.constant 1 : i32
    %ge3A_16 = vector.broadcast %ge3A : i32 to vector<1x81xi32>
    %ge3A_17 = arith.cmpi sge, %iota3A, %ge3A_16 : vector<1x81xi32>
    %get3A_18 = arith.constant 0 : index
    %get3A_19 = arith.constant 0 : index
    %get3A_20 = vector.load %arg3[%get3A_18, %get3A_19] : memref<1x81xi32, #tpu.memory_space<vmem>>, vector<1x81xi32>
    %ne3A_21 = arith.constant 0 : i32
    %ne3A_22 = vector.broadcast %ne3A_21 : i32 to vector<1x81xi32>
    %ne3A_23 = arith.cmpi ne, %get3A_20, %ne3A_22 : vector<1x81xi32>
    %and3A = arith.andi %ge3A_17, %ne3A_23 : vector<1x81xi1>
    %convert_element_type3A = arith.sitofp %iota3A : vector<1x81xi32> to vector<1x81xf32>
    %eq3A = vector.broadcast %get3A_15 : f32 to vector<1x81xf32>
    %eq3A_24 = arith.cmpf oeq, %eq3A, %convert_element_type3A : vector<1x81xf32>
    %and3A_25 = arith.andi %and3A, %eq3A_24 : vector<1x81xi1>
    %get3A_26 = arith.constant 0 : index
    %get3A_27 = arith.constant 0 : index
    %get3A_28 = vector.load %arg2[%get3A_26, %get3A_27] : memref<1x64xf32, #tpu.memory_space<vmem>>, vector<1x1xf32>
    %get3A_29 = vector.extract %get3A_28[0, 0] : f32 from vector<1x1xf32>
    %log3A = math.log %get3A_15 : f32
    %mul3A = arith.mulf %get3A_29, %log3A : f32
    %jit3A_30 = arith.constant 0.000000e+00 : f32
    %broadcast_in_dim3A = vector.broadcast %mul3A : f32 to vector<1x81xf32>
    %broadcast_in_dim3A_31 = vector.broadcast %jit3A_30 : f32 to vector<1x81xf32>
    %select_n3A_32 = arith.select %and3A_25, %broadcast_in_dim3A, %broadcast_in_dim3A_31 : vector<1x81xi1>, vector<1x81xf32>
    %reduce_sum3A_33 = vector.shape_cast %select_n3A_32 : vector<1x81xf32> to vector<1x1x81xf32>
    %reduce_sum3A_34 = arith.constant dense<0.000000e+00> : vector<1xf32>
    %reduce_sum3A_35 = vector.multi_reduction <add>, %reduce_sum3A_33, %reduce_sum3A_34 [1, 2] : vector<1x1x81xf32> to vector<1xf32>
    %reduce_sum3A_36 = vector.shape_cast %reduce_sum3A_35 : vector<1xf32> to vector<1x1x1xf32>
    %reduce_sum3A_37 = vector.extract %reduce_sum3A_36[0, 0, 0] : f32 from vector<1x1x1xf32>
    %neg3A_38 = arith.constant 0.000000e+00 : f32
    %neg3A_39 = arith.subf %neg3A_38, %reduce_sum3A_37 : f32
    %add3A = arith.addf %select_n3A, %neg3A_39 : f32
    %div3A = arith.constant 5.000000e+03 : f32
    %div3A_40 = arith.divf %add3A, %div3A : f32
    %reshape3A = vector.broadcast %div3A_40 : f32 to vector<1x1xf32>
    %swap3A = arith.constant 0 : index
    %swap3A_41 = arith.constant 0 : index
    %swap3A_42 = vector.load %arg4[%swap3A, %swap3A_41] : memref<1x1xf32, #tpu.memory_space<vmem>>, vector<1x1xf32>
    tpu.vector_store %arg4[%swap3A, %swap3A_41], %reshape3A {strides = array<i32>} : memref<1x1xf32, #tpu.memory_space<vmem>>, vector<1x1xf32>,
    return
  }
}

</mosaic_0001>

<sc_bundles>
// kernel: kernel.4.cloned.1.call-start
scs
__scs_entry_jumppad:
0x0: {  	(pc) =	sbr.rel $0x88, $3  }
0x1: {  	(tag) =	ssettag $0x0;
	lr =	simm.s32 $0x1  }
0x2: {  	[smem:$0x3F9B] =	sst lr;
	_ =	strace $0xD0000000  }
0x3: {  	_ = 	snop  }
0x4: {  	_ = 	snop  }
0x5: {  	_ = 	snop  }
0x6: {  	_ = 	snop  }
0x7: {  	_ = 	snop  }
__scs_overlays_trampoline_lowered:
0x8: {  	[smem:$0x3FAA] =	sst s0  }
0x9: {  	[smem:$0x3FAB] =	sst s1  }
0xa: {  	[smem:$0x3FAC] =	sst s2  }
0xb: {  	[smem:$0x3FAD] =	sst s3  }
0xc: {  	[smem:$0x3FAE] =	sst s4  }
0xd: {  	[smem:$0x3FAF] =	sst s5  }
0xe: {  	[smem:$0x3FB0] =	sst s6  }
0xf: {  	[smem:$0x3FB1] =	sst s7  }
0x10: {  	[smem:$0x3FB2] =	sst s8  }
0x11: {  	[smem:$0x3FB3] =	sst s9;
	s0 =	simm.s32 @!p0 $0x0  }
0x12: {  	s1 =	sld [smem:$0x3F99];
	s0 =	simm.s32 @p0 $0x1  }
0x13: {  	[smem:$0x3FB4] =	sst s0;
	s0 =	simm.s32 @!p1 $0x0  }
0x14: {  	s2 =	sld [smem:$0x3F98];
	s0 =	simm.s32 @p1 $0x1  }
0x15: {  	[smem:$0x3FB5] =	sst s0;
	s0 =	simm.s32 @!p2 $0x0  }
0x16: {  	s3 =	sld [smem:$0x3FDB];
	s0 =	simm.s32 @p2 $0x1  }
0x17: {  	s4 =	simm.s32 $0x1BF5;
	[smem:$0x3FB7] =	sst s0  }
0x18: {  	s0 =	sld [smem:$0x3F9A];
	_ =	swait.ge [sflag:s4], $0x0  }
0x19: {  	s7 =	sld [smem:$0x3F9B]  }
0x1a: {  	s8 =	sadd.s32 $0xFFFFE003, lr  }
0x1b: {  	s9 =	sadd.s32 $0xFFFFFEF7, lr;
	s5 =	simm.s32 $0xFFFFFFFF;
	p2 =	slt.u32 s8, $0xFFFFF086  }
0x1c: {  	p1 =	slt.u32 s9, $0xF7A;
	s5 =	simm.s32 @!p2 $0x0  }
0x1d: {  	s5 =	simm.s32 @p1 $0x1;
	p0 =	seq.s32 s7, s2  }
0x1e: {  	s7 =	smul.u32 @!p0 $0xF7A, s2;
	p2 =	seq.s32 @!p0 s5, $0x0  }
0x1f: {  	s9 =	smul.u32 $0xF7A, s1;
	s8 =	simm.s32 @!p0 $0x1BF5;
	p2 =	por !p2, p0  }
0x20: {  	[sflag:s8] =	ssyncset.s32 @!p0 $0xFFFFF086;
	s6 =	sadd.s32 @!p0 s3, s7;
	s7 =	simm.s32 @!p0 $0x108  }
0x21: {  	s3 =	sadd.s32 s3, s9;
	s6 =	sadd.s32 @!p0 $0x88, s6;
	s7 =	simm.s32 @p2 $0x1082  }
0x22: {  	[simem:s7], [sflag:s8] =	dma.local @!p0 [hbm:s6], $0xF7A  }
0x23: {  	s9 =	sor.u32 $0xD0000000, s2;
	s6 =	simm.s32 $0x108;
	_ =	swait.ge @!p0 [sflag:s8], $0x0  }
0x24: {  	s3 =	sadd.s32 $0x88, s3;
	s6 =	simm.s32 @!p1 $0x1082;
	[sflag:s4] =	ssyncset.s32 $0xFFFFF086  }
0x25: {  	[simem:s6], [sflag:s4] =	dma.local [hbm:s3], $0xF7A  }
0x26: {  	[smem:$0x3F9B] =	sst s1;
	(tag) =	ssettag s2;
	_ =	strace s9  }
0x27: {  	s1 =	sld [smem:$0x3FAB]  }
0x28: {  	s2 =	sld [smem:$0x3FAC]  }
0x29: {  	s4 =	sld [smem:$0x3FAE]  }
0x2a: {  	p0 =	seq.s32 s5, $0x0;
	s5 =	sld [smem:$0x3FAF]  }
0x2b: {  	s6 =	sld [smem:$0x3FB0]  }
0x2c: {  	s7 =	sld [smem:$0x3FB1]  }
0x2d: {  	s3 =	simm.s32 $0x108;
	s8 =	sld [smem:$0x3FB2]  }
0x2e: {  	s3 =	simm.s32 @!p0 $0x1082;
	s9 =	sld [smem:$0x3FB3]  }
0x2f: {  	lr =	sadd.s32 s0, s3;
	s0 =	sld [smem:$0x3FAA]  }
0x30: {  	s3 =	sld [smem:$0x3FAD]  }
0x31: {  	[smem:$0x3FB6] =	sst s10  }
0x32: {  	s10 =	sld [smem:$0x3FB4];
	_ =	sdelay $0x3  }
0x33: {  	p0 =	seq.s32 s10, $0x1;
	s10 =	sld [smem:$0x3FB6];
	_ =	sdelay $0x3  }
0x34: {  	[smem:$0x3FB6] =	sst s10  }
0x35: {  	s10 =	sld [smem:$0x3FB5];
	_ =	sdelay $0x3  }
0x36: {  	p1 =	seq.s32 s10, $0x1;
	s10 =	sld [smem:$0x3FB6];
	_ =	sdelay $0x3  }
0x37: {  	[smem:$0x3FB6] =	sst s10  }
0x38: {  	s10 =	sld [smem:$0x3FB7]  }
0x39: {  	_ = 	snop;
	(pc) =	sbr.ind lr, $3  }
0x3a: {  	_ = 	snop  }
0x3b: {  	_ = 	snop  }
0x3c: {  	p2 =	seq.s32 s10, $0x1;
	s10 =	sld [smem:$0x3FB6]  }
0x3d: {  	_ =	shalt  }
0x3e: {  	_ =	shalt  }
0x3f: {  	_ =	shalt  }
0x40: {  	_ =	shalt  }
0x41: {  	_ =	shalt  }
0x42: {  	_ =	shalt  }
0x43: {  	_ =	shalt  }
0x44: {  	_ =	shalt  }
0x45: {  	_ =	shalt  }
0x46: {  	_ =	shalt  }
0x47: {  	_ =	shalt  }
0x48: {  	_ =	shalt  }
0x49: {  	_ =	shalt  }
0x4a: {  	_ =	shalt  }
0x4b: {  	_ =	shalt  }
0x4c: {  	_ =	shalt  }
0x4d: {  	_ =	shalt  }
0x4e: {  	_ =	shalt  }
0x4f: {  	_ =	shalt  }
0x50: {  	_ =	shalt  }
0x51: {  	_ =	shalt  }
0x52: {  	_ =	shalt  }
0x53: {  	_ =	shalt  }
0x54: {  	_ =	shalt  }
0x55: {  	_ =	shalt  }
0x56: {  	_ =	shalt  }
0x57: {  	_ =	shalt  }
0x58: {  	_ =	shalt  }
0x59: {  	_ =	shalt  }
0x5a: {  	_ =	shalt  }
0x5b: {  	_ =	shalt  }
0x5c: {  	_ =	shalt  }
0x5d: {  	_ =	shalt  }
0x5e: {  	_ =	shalt  }
0x5f: {  	_ =	shalt  }
0x60: {  	_ =	shalt  }
0x61: {  	_ =	shalt  }
0x62: {  	_ =	shalt  }
0x63: {  	_ =	shalt  }
0x64: {  	_ =	shalt  }
0x65: {  	_ =	shalt  }
0x66: {  	_ =	shalt  }
0x67: {  	_ =	shalt  }
0x68: {  	_ =	shalt  }
0x69: {  	_ =	shalt  }
0x6a: {  	_ =	shalt  }
0x6b: {  	_ =	shalt  }
0x6c: {  	_ =	shalt  }
0x6d: {  	_ =	shalt  }
0x6e: {  	_ =	shalt  }
0x6f: {  	_ =	shalt  }
0x70: {  	_ =	shalt  }
0x71: {  	_ =	shalt  }
0x72: {  	_ =	shalt  }
0x73: {  	_ =	shalt  }
0x74: {  	_ =	shalt  }
0x75: {  	_ =	shalt  }
0x76: {  	_ =	shalt  }
0x77: {  	_ =	shalt  }
0x78: {  	_ =	shalt  }
0x79: {  	_ =	shalt  }
0x7a: {  	_ =	shalt  }
0x7b: {  	_ =	shalt  }
0x7c: {  	_ =	shalt  }
0x7d: {  	_ =	shalt  }
0x7e: {  	_ =	shalt  }
0x7f: {  	_ =	shalt  }
0x80: {  	_ =	shalt  }
0x81: {  	_ =	shalt  }
0x82: {  	_ =	shalt  }
0x83: {  	_ =	shalt  }
0x84: {  	_ =	shalt  }
0x85: {  	_ =	shalt  }
0x86: {  	_ =	shalt  }
0x87: {  	_ =	shalt  }
.Lfunc_end0:
.L_simem_size_0:
called_computation_lowered:
.L_overlay_start_0:
0x88: {  	s0 =	sld [smem:$0x3FD9]  }
0x89: {  	s1 =	sld [smem:$0x3FFE];
	_ =	sdelay $0x3  }
0x8a: {  	s0 =	sadd.s32 s1, s0  }
0x8b: {  	[smem:$0x3FC2] =	sst s0  }
0x8c: {  	_ = 	snop  }
0x8d: {  	s0 =	sld [smem:$0x3FC8]  }
0x8e: {  	s16 =	sld [smem:$0x3FC7];
	(tm) =	ssettm $0x1  }
0x8f: {  	s2 =	sld [smem:$0x3FFB];
	_ =	sdelay $0x3  }
0x90: {  	_ =	strace s2  }
0x91: {  	s2 =	sld [smem:$0x3FFC];
	_ =	sdelay $0x3  }
0x92: {  	_ =	strace s2  }
0x93: {  	s2 =	sld [smem:$0x3FFD];
	_ =	sdelay $0x3  }
0x94: {  	_ =	strace s2  }
0x95: {  	_ =	strace $0x8FFFFFFF  }
0x96: {  	s17 =	sld [smem:$0x3FDB];
	_ =	sdelay $0x1  }
0x97: {  	s3 =	simm.s32 $_scs_section_size  }
0x98: {  	s4 =	simm.s32 $_size__tile_overlayer_lowered;
	s5 =	simm.s32 $_tile_overlayer_lowered  }
0x99: {  	s20 =	simm.s32 $0x1BFF;
	s19 =	sshll.u32 s5, $0x1;
	s2 =	sadd.s32 s3, s17  }
0x9a: {  	s6 =	simm.s32 $0x0;
	s18 =	sshll.u32 s4, $0x1;
	s4 =	sadd.s32 s19, s2  }
0x9b: {  	[timem:s6], [sflag:s20] =	dma.local [hbm:s4], s18  }
0x9c: {  	_ =	swait.ge [sflag:s20], s18  }
0x9d: {  	s3 =	ssub.s32 $0x0, s18;
	[sflag:s20] =	ssyncset.done $0x0  }
0x9e: {  	[sflag:s20] =	ssyncadd.s32 s3;
	_ =	sdelay $0x1  }
0x9f: {  	s21 =	simm.s32 $0x1B8B  }
0xa0: {  	_ =	swait.ge [sflag:s21], $0x1  }
0xa1: {  	[sflag:s21] =	ssyncset.done $0x0  }
0xa2: {  	s23 =	simm.s32 $0x1B8E;
	s22 =	sld [smem:$0x3FFE];
	[sflag:s21] =	ssyncadd.s32 $0xFFFFFFFF  }
0xa3: {  	s24 =	simm.s32 $execute0_lowered;
	[smem:$0x3FD2] =	sst s23  }
0xa4: {  	s4 =	sshll.u32 s24, $0x1;
	_ =	strace $0x80000046;
	[dreg:$0x1] =	wrdreg $0xFFFFFFFF  }
0xa5: {  	s25 =	simm.s32 $_size_execute0_lowered;
	s2 =	sadd.s32 s2, s4;
	[dreg:$0x0] =	wrdreg $0x0  }
0xa6: {  	s4 =	sshll.u32 s25, $0x1;
	[dreg:$0x2] =	wrdreg s2  }
0xa7: {  	[dreg:$0x3] =	wrdreg s4  }
0xa8: {  	[dreg:$0x4] =	wrdreg $0xC0  }
0xa9: {  	_ =	task [dreg:s6], $0x5FFFF  }
0xaa: {  	[dreg:$0x1] =	wrdreg $0xFFFFFFFF  }
0xab: {  	[dreg:$0x0] =	wrdreg $0x60  }
0xac: {  	[dreg:$0x2] =	wrdreg s22  }
0xad: {  	[dreg:$0x3] =	wrdreg s0  }
0xae: {  	[dreg:$0x4] =	wrdreg s16  }
0xaf: {  	[dreg:$0x5] =	wrdreg $0x9  }
0xb0: {  	_ =	task.clear_ibuf [dreg:s6], $0x6FFFF;
	_ =	strace $0x90000046  }
0xb1: {  	s26 =	simm.s32 $0x9;
	_ =	strace $0x80000048  }
0xb2: {  	_ =	swait.ge [sflag:s26], $0x1  }
0xb3: {  	[sflag:s26] =	ssyncadd.s32 $0xFFFFFFFF  }
0xb4: {  	_ =	strace $0x90000048  }
0xb5: {  	_ =	sfence  }
0xb6: {  	s28 =	sld [smem:$0x0];
	_ =	sdelay $0x1  }
0xb7: {  	s29 =	srdreg.scid  }
0xb8: {  	s30 =	sshll.u32 s29, $0xD;
	s31 =	sshrl.u32 s29, $0x2  }
0xb9: {  	s1 =	sand.u32 $0x1, s29;
	s2 =	sand.u32 $0x4000, s30;
	s0 =	sadd.s32 s31, s28  }
0xba: {  	s1 =	sor.u32 s2, s1;
	s0 =	sshll.u32 s0, $0x11  }
0xbb: {  	s0 =	sor.u32 s0, s1  }
0xbc: {  	s0 =	sadd.s32 $0x8F2B, s0  }
0xbd: {  	[sflag:s0] =	ssyncadd.remote.s32 $0x1  }
0xbe: {  	_ =	sfence.sel $0xFFFF  }
0xbf: {  	[dreg:$0x0] =	wrdreg $0xFFFFFFFF;
	(pc) =	sbr.abs _section_cstart, $3  }
0xc0: {  	[dreg:$0x1] =	wrdreg $0xFFFFFFFF  }
0xc1: {  	_ =	task.clear_ibuf [dreg:s6], $0x2FFFF;
	_ =	strace $0x9FFFFFFF  }
0xc2: {  	(tm) =	ssettm $0x7FFFFFFF  }
0xc3: {  	_ =	shalt  }
tec
execute0_lowered:
.L_overlay_start_1:
0x0: {  	(tag) =	ssettag $0x1  }
0x1: {  	s0 =	stileid.u32  }
0x2: {  	s4 =	smul.u32 $0x140, s0;
	_ =	sdelay $0x1  }
0x3: {  	s2 =	rddreg [dreg:$0x0];
	v0 =	vlaneseq.u32;
	s7 =	smin.u32 s4, $0x1248  }
0x4: {  	s5 =	rddreg [dreg:$0x1];
	v20 =	vadd.s32 s7, v0;
	s8 =	sor.u32 $0x10, s7  }
0x5: {  	s6 =	rddreg [dreg:$0x2];
	s3 =	simm.s32 $0x0;
	s23 =	sor.u32 $0x20, s7;
	v1 =	vmul.u32 $0x51, v20;
	v17 =	vadd.s32 s8, v0  }
0x6: {  	[smem:$0x7FF] =	sst s3;
	s24 =	sor.u32 $0x30, s7;
	v19 =	vadd.s32 s23, v0;
	v2 =	vmul.u32 $0x51, v17  }
0x7: {  	s1 =	rddreg [dreg:$0x3];
	_ =	strace $0x80000047;
	s25 =	sadd.s32 $0x40, s7;
	v18 =	vadd.s32 s24, v0;
	v3 =	vmul.u32 $0x51, v19;
	[tilespmem:$0x0] =	vst v1  }
0x8: {  	s26 =	sadd.s32 $0x50, s7;
	v16 =	vadd.s32 s25, v0;
	v32 =	vmul.u32 $0x51, v18;
	[tilespmem:$0x10] =	vst v2  }
0x9: {  	s28 =	sadd.s32 $0x60, s7;
	v15 =	vadd.s32 s26, v0;
	v33 =	vmul.u32 $0x51, v16;
	[tilespmem:$0x20] =	vst v3  }
0xa: {  	s29 =	sadd.s32 $0x70, s7;
	v14 =	vadd.s32 s28, v0;
	v34 =	vmul.u32 $0x51, v15;
	[tilespmem:$0x30] =	vst v32  }
0xb: {  	s30 =	sadd.s32 $0x80, s7;
	v13 =	vadd.s32 s29, v0;
	v35 =	vmul.u32 $0x51, v14;
	[tilespmem:$0x40] =	vst v33  }
0xc: {  	s31 =	sadd.s32 $0x90, s7;
	v12 =	vadd.s32 s30, v0;
	v36 =	vmul.u32 $0x51, v13;
	[tilespmem:$0x80] =	vst v34  }
0xd: {  	s9 =	sadd.s32 $0xA0, s7;
	v11 =	vadd.s32 s31, v0;
	v37 =	vmul.u32 $0x51, v12;
	[tilespmem:$0x90] =	vst v35  }
0xe: {  	s10 =	sadd.s32 $0xB0, s7;
	v10 =	vadd.s32 s9, v0;
	v38 =	vmul.u32 $0x51, v11;
	[tilespmem:$0xA0] =	vst v36  }
0xf: {  	s11 =	sadd.s32 $0xC0, s7;
	v9 =	vadd.s32 s10, v0;
	v39 =	vmul.u32 $0x51, v10;
	[tilespmem:$0xB0] =	vst v37  }
0x10: {  	s12 =	sadd.s32 $0xD0, s7;
	v8 =	vadd.s32 s11, v0;
	v40 =	vmul.u32 $0x51, v9;
	[tilespmem:$0xC0] =	vst v38  }
0x11: {  	s13 =	sadd.s32 $0xE0, s7;
	v7 =	vadd.s32 s12, v0;
	v41 =	vmul.u32 $0x51, v8;
	[tilespmem:$0x100] =	vst v39  }
0x12: {  	s14 =	sadd.s32 $0xF0, s7;
	v6 =	vadd.s32 s13, v0;
	v42 =	vmul.u32 $0x51, v7;
	[tilespmem:$0x110] =	vst v40  }
0x13: {  	s17 =	sadd.s32 $0x120, s7;
	v5 =	vadd.s32 s14, v0;
	v4 =	vmul.u32 $0x51, v6;
	[tilespmem:$0x120] =	vst v41  }
0x14: {  	s15 =	sadd.s32 $0x100, s7;
	v21 =	vmul.u32 $0x51, v5;
	v1 =	vadd.s32 s17, v0;
	[tilespmem:$0x130] =	vst v42  }
0x15: {  	s16 =	sadd.s32 $0x110, s7;
	v3 =	vadd.s32 s15, v0;
	[tilespmem:$0x140] =	vst v4;
	v44 =	vmul.u32 $0x51, v1  }
0x16: {  	s18 =	sadd.s32 $0x130, s7;
	v2 =	vadd.s32 s16, v0;
	[tilespmem:$0x180] =	vst v21;
	v22 =	vmul.u32 $0x51, v3  }
0x17: {  	v0 =	vadd.s32 s18, v0;
	v43 =	vmul.u32 $0x51, v2;
	[tilespmem:$0x1B0] =	vst v44  }
0x18: {  	v45 =	vmul.u32 $0x51, v0;
	[tilespmem:$0x190] =	vst v22  }
0x19: {  	[tilespmem:$0x1A0] =	vst v43  }
0x1a: {  	s19 =	sadd.s32 $0xC00, s2;
	s9 =	simm.s32 $0x50;
	s10 =	simm.s32 $0x200;
	[tilespmem:$0x1C0] =	vst v45  }
0x1b: {  	[tilespmem:s10], [sflag:$0x1] =	stream.indirect.gather [hbm4b:s19+s9], $0x1, s3, s9, $0xb8;
	[tilespmem:$0x780] =	vst v63  }
0x1c: {  	s20 =	simm.s32 $0x80;
	s11 =	simm.s32 $0x280  }
0x1d: {  	[tilespmem:s11], [sflag:$0x1] =	stream.indirect.gather [hbm4b:s19+s9], $0x1, s20, s9, $0xb8;
	[tilespmem:$0x780] =	vst v63  }
0x1e: {  	s21 =	simm.s32 $0x100;
	s22 =	simm.s32 $0x300  }
0x1f: {  	[tilespmem:s22], [sflag:$0x1] =	stream.indirect.gather [hbm4b:s19+s9], $0x1, s21, s9, $0xb8;
	[tilespmem:$0x780] =	vst v63  }
0x20: {  	s7 =	sshrl.u32 s7, $0x3;
	s23 =	simm.s32 $0x180;
	s24 =	simm.s32 $0x380  }
0x21: {  	[tilespmem:s24], [sflag:$0x1] =	stream.indirect.gather [hbm4b:s19+s9], $0x1, s23, s9, $0xb8;
	[tilespmem:$0x780] =	vst v63  }
0x22: {  	s5 =	sadd.s32 s5, s7;
	s25 =	simm.s32 $0x400;
	s26 =	simm.s32 $0x2  }
0x23: {  	[tilespmem:s25], [sflag:$0x2] =	stream.linear.gather [hbm4b:s5+s3], $0x140, $0x38;
	[tilespmem:$0x780] =	vst v63  }
0x24: {  	_ =	swait.ge [sflag:s26], $0x140  }
0x25: {  	[sflag:s26] =	ssyncset.done $0x0  }
0x26: {  	s6 =	sadd.s32 s6, s7;
	s28 =	simm.s32 $0x580;
	[sflag:s26] =	ssyncadd.s32 $0xFFFFFEC0  }
0x27: {  	[tilespmem:s28], [sflag:$0x2] =	stream.linear.gather [hbm4b:s6+s3], $0x140, $0x38;
	[tilespmem:$0x780] =	vst v63  }
0x28: {  	_ =	swait.ge [sflag:s26], $0x140  }
0x29: {  	[sflag:s26] =	ssyncset.done $0x0  }
0x2a: {  	s29 =	simm.s32 $0x1;
	[sflag:s26] =	ssyncadd.s32 $0xFFFFFEC0  }
0x2b: {  	_ =	swait.ge [sflag:s29], $0x50  }
0x2c: {  	[sflag:s29] =	ssyncset.done $0x0  }
0x2d: {  	[sflag:s29] =	ssyncadd.s32 $0xFFFFFFB0  }
0x2e: {  	_ =	swait.ge [sflag:s29], $0x50  }
0x2f: {  	[sflag:s29] =	ssyncset.done $0x0  }
0x30: {  	[sflag:s29] =	ssyncadd.s32 $0xFFFFFFB0  }
0x31: {  	_ =	swait.ge [sflag:s29], $0x50  }
0x32: {  	[sflag:s29] =	ssyncset.done $0x0  }
0x33: {  	[sflag:s29] =	ssyncadd.s32 $0xFFFFFFB0  }
0x34: {  	_ =	swait.ge [sflag:s29], $0x50  }
0x35: {  	[sflag:s29] =	ssyncset.done $0x0  }
0x36: {  	[sflag:s29] =	ssyncadd.s32 $0xFFFFFFB0  }
0x37: {  	v46 =	vld [tilespmem:$0x200];
	_ =	sdelay $0x4  }
0x38: {  	v47 =	vand.u32 $0x7FFFFF, v46  }
0x39: {  	v23 =	vld [tilespmem:$0x210];
	v21 =	vor.u32 $0x3F800000, v47  }
0x3a: {  	v48 =	vmul.f32 $5.000000000e-01, v21  }
0x3b: {  	vm0 =	vgt.f32 v21, $1.414213540e+00  }
0x3c: {  	v21 =	vsel vm0, v48, v21  }
0x3d: {  	v22 =	vadd.f32 $1.000000000e+00, v21  }
0x3e: {  	v49 =	vand.u32 $0x7FFFFF, v23  }
0x3f: {  	(erf) = vrcp.f32 v22;
	v22 =	vor.u32 $0x3F800000, v49  }
0x40: {  	v24 =	vmul.f32 $5.000000000e-01, v22  }
0x41: {  	vm3 =	vgt.f32 v22, $1.414213540e+00  }
0x42: {  	v22 =	vsel vm3, v24, v22  }
0x43: {  	v25 =	vadd.f32 $1.000000000e+00, v22  }
0x44: {  	v51 =	vld [tilespmem:$0x220]  }
0x45: {  	(erf) = vrcp.f32 v25;
	_ =	sdelay $0x1  }
0x46: {  	v21 =	vadd.f32 $-1.000000000e+00, v21  }
0x47: {  	v50 =	vpop (erf)  }
0x48: {  	v27 =	vand.u32 $0x7FFFFF, v51;
	v21 =	vmul.f32 v50, v21  }
0x49: {  	v33 =	vld [tilespmem:$0x400];
	v27 =	vor.u32 $0x3F800000, v27  }
0x4a: {  	vm11 =	vge.u32 v20, s4;
	v38 =	vld [tilespmem:$0x410];
	v28 =	vmul.f32 $5.000000000e-01, v27;
	v52 =	vmul.f32 v21, v21  }
0x4b: {  	vm4 =	vge.u32 v17, s4;
	vm12 =	vge.u32 v19, s4;
	vm1 =	vgt.f32 v27, $1.414213540e+00  }
0x4c: {  	v27 =	vsel vm1, v28, v27;
	v28 =	vld [tilespmem:$0x230];
	v22 =	vadd.f32 $-1.000000000e+00, v22;
	v26 =	vmul.f32 $1.111111120e-01, v52  }
0x4d: {  	vm15 =	vge.u32 v18, s4;
	v4 =	vimm.s32 $0x0;
	v53 =	vshrl.u32 v46, $0x17;
	v29 =	vpop (erf)  }
0x4e: {  	vm5 =	veq.s32 v33, $0x0;
	v26 =	vadd.f32 $1.428571490e-01, v26;
	v22 =	vmul.f32 v29, v22  }
0x4f: {  	vm14 =	veq.s32 v38, $0x0;
	v46 =	vshrl.u32 v51, $0x17;
	vm5 =	vmand vm11, vm5  }
0x50: {  	v30 =	vadd.f32 $1.000000000e+00, v27;
	v26 =	vmul.f32 v26, v52;
	v54 =	vmul.f32 v22, v22  }
0x51: {  	vm11 =	vge.u32 v16, s4;
	v58 =	vadd.f32 $-1.000000000e+00, v27;
	v32 =	vand.u32 $0x7FFFFF, v28  }
0x52: {  	v27 =	vld [tilespmem:$0x240];
	(erf) = vrcp.f32 v30;
	v26 =	vadd.f32 $2.000000030e-01, v26;
	v55 =	vmul.f32 $1.111111120e-01, v54  }
0x53: {  	v31 =	vsel vm0, $0x1, v4;
	v47 =	vsel vm1, $0x1, v4;
	v32 =	vor.u32 $0x3F800000, v32  }
0x54: {  	v29 =	vadd.s32 v31, v53;
	v26 =	vmul.f32 v26, v52;
	v31 =	vadd.f32 $1.428571490e-01, v55  }
0x55: {  	v35 =	vsel vm3, $0x1, v4;
	v28 =	vshrl.u32 v28, $0x17;
	v56 =	vmul.f32 $5.000000000e-01, v32  }
0x56: {  	v29 =	vadd.s32 $0xFFFFFF81, v29;
	v26 =	vadd.f32 $3.333333430e-01, v26;
	v31 =	vmul.f32 v31, v54  }
0x57: {  	v37 =	vand.u32 $0x7FFFFF, v27;
	vm2 =	vgt.f32 v32, $1.414213540e+00;
	v29 =	vcvt.s32.f32 v29  }
0x58: {  	v25 =	vmul.f32 v26, v52;
	v26 =	vsel vm2, v56, v32;
	v59 =	vadd.f32 $2.000000030e-01, v31;
	v32 =	vld [tilespmem:$0x280]  }
0x59: {  	v21 =	vadd.f32 v21, v21;
	v53 =	vsel vm2, $0x1, v4;
	v22 =	vadd.f32 v22, v22  }
0x5a: {  	v29 =	vmul.f32 $6.931471820e-01, v29;
	v25 =	vadd.f32 $1.000000000e+00, v25;
	v61 =	vmul.f32 v59, v54  }
0x5b: {  	v60 =	vpop (erf);
	v55 =	vadd.s32 v53, v28;
	v34 =	vadd.f32 $1.000000000e+00, v26;
	v26 =	vadd.f32 $-1.000000000e+00, v26  }
0x5c: {  	v57 =	vld [tilespmem:$0x580];
	v21 =	vmul.f32 v25, v21;
	v25 =	vmul.f32 v60, v58;
	v17 =	vadd.f32 $3.333333430e-01, v61  }
0x5d: {  	(erf) = vrcp.f32 v34;
	v34 =	vshrl.u32 v23, $0x17;
	v48 =	vand.u32 $0x7FFFFF, v32  }
0x5e: {  	v21 =	vadd.f32 v21, v29;
	v63 =	vmul.f32 v25, v25;
	v17 =	vmul.f32 v17, v54  }
0x5f: {  	v29 =	vor.u32 $0x3F800000, v37;
	v49 =	vor.u32 $0x3F800000, v48;
	v25 =	vadd.f32 v25, v25  }
0x60: {  	v54 =	vld [tilespmem:$0x420];
	v39 =	vmul.f32 $5.000000000e-01, v29;
	vm13 =	vgt.f32 v29, $1.414213540e+00;
	v50 =	vmul.f32 $5.000000000e-01, v49  }
0x61: {  	v62 =	vmul.f32 v21, v57;
	v21 =	vadd.s32 v35, v34;
	v36 =	vmul.f32 $1.111111120e-01, v63  }
0x62: {  	vm1 =	vgt.f32 v49, $1.414213540e+00;
	v17 =	vadd.f32 $1.000000000e+00, v17;
	v21 =	vadd.s32 $0xFFFFFF81, v21  }
0x63: {  	v29 =	vsel vm13, v39, v29;
	v19 =	vadd.f32 $0.0e+00, v62;
	v23 =	vadd.f32 $1.428571490e-01, v36  }
0x64: {  	v41 =	vld [tilespmem:$0x590];
	v21 =	vcvt.s32.f32 v21;
	v22 =	vmul.f32 v17, v22;
	v31 =	vadd.f32 $1.000000000e+00, v29  }
0x65: {  	v51 =	vadd.f32 $-1.000000000e+00, v29;
	v62 =	vld [tilespmem:$0x430];
	vm8 =	veq.s32 v54, $0x0;
	v23 =	vmul.f32 v23, v63  }
0x66: {  	v36 =	vld [tilespmem:$0x440];
	v40 =	vpop (erf);
	v21 =	vmul.f32 $6.931471820e-01, v21;
	v17 =	vnsel vm5, $0x0, v19;
	(erf) = vrcp.f32 v31  }
0x67: {  	vm5 =	vmand vm4, vm14;
	vm0 =	vmand vm12, vm8;
	v26 =	vmul.f32 v40, v26  }
0x68: {  	v23 =	vadd.f32 $2.000000030e-01, v23;
	v43 =	vadd.f32 v22, v21;
	v22 =	vadd.s32 v47, v46  }
0x69: {  	v40 =	vshrl.u32 v27, $0x17;
	v42 =	vmul.f32 v26, v26;
	v22 =	vadd.s32 $0xFFFFFF81, v22  }
0x6a: {  	v26 =	vadd.f32 v26, v26;
	vm9 =	veq.s32 v62, $0x0;
	v44 =	vmul.f32 v23, v63  }
0x6b: {  	vm12 =	veq.s32 v36, $0x0;
	v19 =	vmul.f32 v43, v41;
	v22 =	vcvt.s32.f32 v22  }
0x6c: {  	v23 =	vld [tilespmem:$0x290];
	vm10 =	vmand vm15, vm9;
	v41 =	vsel vm13, $0x1, v4;
	v45 =	vmul.f32 $1.111111120e-01, v42  }
0x6d: {  	vm14 =	vmand vm11, vm12;
	vm15 =	vge.u32 v15, s4;
	vm9 =	vge.u32 v14, s4  }
0x6e: {  	v21 =	vadd.f32 $3.333333430e-01, v44;
	v19 =	vnsel vm5, $0x0, v19;
	v18 =	vadd.f32 $1.428571490e-01, v45  }
0x6f: {  	vm12 =	vge.u32 v13, s4;
	v22 =	vmul.f32 $6.931471820e-01, v22;
	v17 =	vadd.f32 v19, v17  }
0x70: {  	v20 =	vmul.f32 v21, v63;
	v21 =	vsel vm1, v50, v49;
	v18 =	vmul.f32 v18, v42  }
0x71: {  	v49 =	vshrl.u32 v32, $0x17;
	v52 =	vadd.f32 $1.000000000e+00, v21;
	v31 =	vpop (erf);
	v57 =	vand.u32 $0x7FFFFF, v23  }
0x72: {  	v24 =	vmul.f32 v31, v51;
	v58 =	vor.u32 $0x3F800000, v57;
	v18 =	vadd.f32 $2.000000030e-01, v18  }
0x73: {  	v20 =	vadd.f32 $1.000000000e+00, v20;
	(erf) = vrcp.f32 v52;
	v61 =	vmul.f32 $5.000000000e-01, v58  }
0x74: {  	vm2 =	vgt.f32 v58, $1.414213540e+00;
	v56 =	vmul.f32 v24, v24;
	v18 =	vmul.f32 v18, v42  }
0x75: {  	v21 =	vadd.f32 $-1.000000000e+00, v21;
	v20 =	vmul.f32 v20, v25;
	v63 =	vsel vm2, v61, v58  }
0x76: {  	v60 =	vmul.f32 $1.111111120e-01, v56;
	v35 =	vadd.f32 $1.000000000e+00, v63;
	v18 =	vadd.f32 $3.333333430e-01, v18  }
0x77: {  	v23 =	vshrl.u32 v23, $0x17;
	v25 =	vadd.s32 $0xFFFFFF81, v55;
	v20 =	vadd.f32 v20, v22  }
0x78: {  	v59 =	vld [tilespmem:$0x5A0];
	v22 =	vadd.f32 $1.428571490e-01, v60;
	(erf) = vrcp.f32 v35;
	v18 =	vmul.f32 v18, v42  }
0x79: {  	v52 =	vsel vm1, $0x1, v4;
	v62 =	vsel vm2, $0x1, v4;
	v25 =	vcvt.s32.f32 v25  }
0x7a: {  	v23 =	vadd.s32 v62, v23;
	v22 =	vmul.f32 v22, v56;
	v18 =	vadd.f32 $1.000000000e+00, v18  }
0x7b: {  	v33 =	vld [tilespmem:$0x5B0];
	v24 =	vadd.f32 v24, v24;
	v23 =	vadd.s32 $0xFFFFFF81, v23;
	v25 =	vmul.f32 $6.931471820e-01, v25  }
0x7c: {  	v23 =	vcvt.s32.f32 v23;
	v37 =	vpop (erf);
	v22 =	vadd.f32 $2.000000030e-01, v22;
	v18 =	vmul.f32 v18, v26  }
0x7d: {  	v29 =	vadd.f32 $-1.000000000e+00, v63;
	v20 =	vmul.f32 v20, v59;
	v21 =	vmul.f32 v37, v21;
	v26 =	vld [tilespmem:$0x2A0]  }
0x7e: {  	v23 =	vmul.f32 $6.931471820e-01, v23;
	v37 =	vld [tilespmem:$0x460];
	v22 =	vmul.f32 v22, v56;
	v25 =	vadd.f32 v18, v25  }
0x7f: {  	v18 =	vnsel vm0, $0x0, v20;
	v39 =	vmul.f32 v21, v21;
	v20 =	vadd.s32 v41, v40  }
0x80: {  	v22 =	vadd.f32 $3.333333430e-01, v22;
	v20 =	vadd.s32 $0xFFFFFF81, v20;
	v38 =	vmul.f32 v25, v33  }
0x81: {  	v21 =	vadd.f32 v21, v21;
	v42 =	vmul.f32 $1.111111120e-01, v39;
	v20 =	vcvt.s32.f32 v20;
	v45 =	vpop (erf)  }
0x82: {  	v43 =	vand.u32 $0x7FFFFF, v26;
	v22 =	vmul.f32 v22, v56;
	v29 =	vmul.f32 v45, v29  }
0x83: {  	vm11 =	veq.s32 v37, $0x0;
	v27 =	vadd.f32 $1.428571490e-01, v42;
	v44 =	vor.u32 $0x3F800000, v43  }
0x84: {  	v26 =	vshrl.u32 v26, $0x17;
	v16 =	vnsel vm10, $0x0, v38;
	v30 =	vmul.f32 $5.000000000e-01, v44  }
0x85: {  	v56 =	vld [tilespmem:$0x450];
	v20 =	vmul.f32 $6.931471820e-01, v20;
	vm13 =	vgt.f32 v44, $1.414213540e+00;
	v27 =	vmul.f32 v27, v39  }
0x86: {  	v22 =	vadd.f32 $1.000000000e+00, v22;
	v47 =	vmul.f32 v29, v29;
	v28 =	vsel vm13, v30, v44  }
0x87: {  	vm2 =	vmand vm9, vm11;
	v30 =	vld [tilespmem:$0x2B0];
	v27 =	vadd.f32 $2.000000030e-01, v27;
	v46 =	vadd.f32 $1.000000000e+00, v28  }
0x88: {  	v29 =	vadd.f32 v29, v29;
	v22 =	vmul.f32 v22, v24;
	v50 =	vmul.f32 $1.111111120e-01, v47  }
0x89: {  	v28 =	vadd.f32 $-1.000000000e+00, v28;
	v48 =	vmul.f32 v27, v39;
	(erf) = vrcp.f32 v46  }
0x8a: {  	v51 =	vld [tilespmem:$0x5C0];
	vm10 =	veq.s32 v56, $0x0;
	v20 =	vadd.f32 v22, v20;
	v27 =	vadd.f32 $1.428571490e-01, v50  }
0x8b: {  	v22 =	vadd.s32 v52, v49;
	vm1 =	vmand vm15, vm10;
	v15 =	vadd.f32 $3.333333430e-01, v48  }
0x8c: {  	vm15 =	vge.u32 v12, s4;
	v53 =	vand.u32 $0x7FFFFF, v30;
	v27 =	vmul.f32 v27, v47  }
0x8d: {  	v22 =	vadd.s32 $0xFFFFFF81, v22;
	v54 =	vor.u32 $0x3F800000, v53;
	v15 =	vmul.f32 v15, v39  }
0x8e: {  	v22 =	vcvt.s32.f32 v22;
	v55 =	vmul.f32 $5.000000000e-01, v54;
	v27 =	vadd.f32 $2.000000030e-01, v27  }
0x8f: {  	v46 =	vld [tilespmem:$0x470];
	v20 =	vmul.f32 v20, v51;
	vm8 =	vgt.f32 v54, $1.414213540e+00;
	v15 =	vadd.f32 $1.000000000e+00, v15  }
0x90: {  	v62 =	vshrl.u32 v30, $0x17;
	v30 =	vld [tilespmem:$0x320];
	v25 =	vsel vm8, v55, v54;
	v58 =	vmul.f32 v27, v47  }
0x91: {  	v22 =	vmul.f32 $6.931471820e-01, v22;
	v32 =	vadd.f32 $1.000000000e+00, v25;
	v21 =	vmul.f32 v15, v21  }
0x92: {  	v57 =	vld [tilespmem:$0x5D0];
	v25 =	vadd.f32 $-1.000000000e+00, v25;
	v15 =	vnsel vm14, $0x0, v20;
	v20 =	vadd.f32 $3.333333430e-01, v58;
	v59 =	vpop (erf)  }
0x93: {  	v58 =	vld [tilespmem:$0x480];
	(erf) = vrcp.f32 v32;
	v60 =	vadd.f32 v21, v22;
	v61 =	vmul.f32 v59, v28  }
0x94: {  	v22 =	vld [tilespmem:$0x2C0];
	v20 =	vmul.f32 v20, v47;
	v47 =	vsel vm13, $0x1, v4;
	vm13 =	veq.s32 v46, $0x0  }
0x95: {  	v59 =	vsel vm8, $0x1, v4;
	vm8 =	vge.u32 v11, s4;
	v46 =	vand.u32 $0x7FFFFF, v30  }
0x96: {  	v49 =	vadd.s32 v47, v26;
	vm14 =	vmand vm12, vm13;
	v35 =	vadd.s32 v59, v62  }
0x97: {  	v63 =	vmul.f32 v61, v61;
	v14 =	vmul.f32 v60, v57;
	v37 =	vadd.s32 $0xFFFFFF81, v35  }
0x98: {  	v20 =	vadd.f32 $1.000000000e+00, v20;
	v21 =	vadd.f32 v61, v61;
	v12 =	vcvt.s32.f32 v37  }
0x99: {  	v39 =	vld [tilespmem:$0x5E0];
	vm9 =	veq.s32 v58, $0x0;
	v36 =	vmul.f32 $1.111111120e-01, v63;
	v38 =	vand.u32 $0x7FFFFF, v22  }
0x9a: {  	v20 =	vmul.f32 v20, v29;
	v14 =	vnsel vm1, $0x0, v14;
	v29 =	vld [tilespmem:$0x300];
	v31 =	vor.u32 $0x3F800000, v38  }
0x9b: {  	vm0 =	vmand vm15, vm9;
	vm15 =	vge.u32 v9, s4;
	v40 =	vmul.f32 $5.000000000e-01, v31  }
0x9c: {  	v12 =	vmul.f32 $6.931471820e-01, v12;
	v24 =	vadd.f32 $1.428571490e-01, v36;
	vm1 =	vgt.f32 v31, $1.414213540e+00;
	v41 =	vpop (erf)  }
0x9d: {  	v20 =	vadd.f32 v20, v23;
	v42 =	vmul.f32 v41, v25;
	v43 =	vsel vm1, v40, v31  }
0x9e: {  	v22 =	vshrl.u32 v22, $0x17;
	v24 =	vmul.f32 v24, v63;
	v44 =	vadd.f32 $1.000000000e+00, v43  }
0x9f: {  	v20 =	vmul.f32 v20, v39;
	v51 =	vand.u32 $0x7FFFFF, v29;
	v45 =	vmul.f32 v42, v42  }
0xa0: {  	v25 =	vor.u32 $0x3F800000, v46;
	v24 =	vadd.f32 $2.000000030e-01, v24;
	(erf) = vrcp.f32 v44  }
0xa1: {  	v13 =	vnsel vm2, $0x0, v20;
	v20 =	vadd.s32 $0xFFFFFF81, v49;
	v48 =	vmul.f32 $1.111111120e-01, v45  }
0xa2: {  	v52 =	vor.u32 $0x3F800000, v51;
	v54 =	vadd.f32 $-1.000000000e+00, v43;
	v24 =	vmul.f32 v24, v63  }
0xa3: {  	v49 =	vsel vm1, $0x1, v4;
	vm11 =	vgt.f32 v25, $1.414213540e+00;
	v50 =	vadd.f32 $1.428571490e-01, v48  }
0xa4: {  	v20 =	vcvt.s32.f32 v20;
	v28 =	vmul.f32 $5.000000000e-01, v52;
	v24 =	vadd.f32 $3.333333430e-01, v24  }
0xa5: {  	vm2 =	vgt.f32 v52, $1.414213540e+00;
	v22 =	vadd.s32 v49, v22;
	v26 =	vmul.f32 v50, v45  }
0xa6: {  	v44 =	vld [tilespmem:$0x490];
	v22 =	vadd.s32 $0xFFFFFF81, v22;
	v27 =	vsel vm2, v28, v52;
	v24 =	vmul.f32 v24, v63  }
0xa7: {  	v20 =	vmul.f32 $6.931471820e-01, v20;
	v55 =	vadd.f32 $1.000000000e+00, v27;
	v26 =	vadd.f32 $2.000000030e-01, v26  }
0xa8: {  	v59 =	vld [tilespmem:$0x4A0];
	v22 =	vcvt.s32.f32 v22;
	v48 =	vmul.f32 $5.000000000e-01, v25;
	v24 =	vadd.f32 $1.000000000e+00, v24  }
0xa9: {  	v53 =	vld [tilespmem:$0x5F0];
	v23 =	vadd.f32 v42, v42;
	(erf) = vrcp.f32 v55;
	v56 =	vmul.f32 v26, v45;
	v57 =	vpop (erf)  }
0xaa: {  	v41 =	vadd.f32 $-1.000000000e+00, v27;
	v21 =	vmul.f32 v24, v21;
	v26 =	vld [tilespmem:$0x310];
	v24 =	vmul.f32 v57, v54  }
0xab: {  	v22 =	vmul.f32 $6.931471820e-01, v22;
	vm12 =	veq.s32 v44, $0x0;
	v60 =	vadd.f32 $3.333333430e-01, v56  }
0xac: {  	v44 =	vshrl.u32 v30, $0x17;
	v20 =	vadd.f32 v21, v20;
	v63 =	vmul.f32 v24, v24  }
0xad: {  	vm13 =	vmand vm8, vm12;
	vm8 =	veq.s32 v59, $0x0;
	v36 =	vmul.f32 v60, v45  }
0xae: {  	v56 =	vsel vm2, $0x1, v4;
	v61 =	vmul.f32 v20, v53;
	v38 =	vmul.f32 $1.111111120e-01, v63  }
0xaf: {  	v24 =	vadd.f32 v24, v24;
	v40 =	vand.u32 $0x7FFFFF, v26;
	v20 =	vadd.f32 $1.000000000e+00, v36  }
0xb0: {  	v53 =	vadd.f32 v18, v17;
	v21 =	vor.u32 $0x3F800000, v40;
	v19 =	vadd.f32 $1.428571490e-01, v38  }
0xb1: {  	v27 =	vld [tilespmem:$0x340];
	v60 =	vshrl.u32 v29, $0x17;
	v42 =	vmul.f32 $5.000000000e-01, v21;
	v20 =	vmul.f32 v20, v23  }
0xb2: {  	v43 =	vpop (erf);
	v11 =	vnsel vm14, $0x0, v61;
	vm10 =	vgt.f32 v21, $1.414213540e+00;
	v19 =	vmul.f32 v19, v63  }
0xb3: {  	v21 =	vsel vm10, v42, v21;
	v12 =	vadd.f32 v20, v12;
	v20 =	vmul.f32 v43, v41  }
0xb4: {  	vm14 =	vge.u32 v10, s4;
	v10 =	vadd.f32 v16, v53;
	v45 =	vadd.f32 $1.000000000e+00, v21  }
0xb5: {  	vm4 =	vmand vm14, vm8;
	v19 =	vadd.f32 $2.000000030e-01, v19;
	v47 =	vmul.f32 v20, v20  }
0xb6: {  	v40 =	vand.u32 $0x7FFFFF, v27;
	v10 =	vadd.f32 v15, v10;
	(erf) = vrcp.f32 v45  }
0xb7: {  	v23 =	vsel vm11, v48, v25;
	v19 =	vmul.f32 v19, v63;
	v50 =	vmul.f32 $1.111111120e-01, v47  }
0xb8: {  	v15 =	vadd.s32 v56, v60;
	v38 =	vshrl.u32 v26, $0x17;
	v52 =	vadd.f32 $1.000000000e+00, v23  }
0xb9: {  	v39 =	vld [tilespmem:$0x600];
	v15 =	vadd.s32 $0xFFFFFF81, v15;
	v19 =	vadd.f32 $3.333333430e-01, v19;
	v51 =	vadd.f32 $1.428571490e-01, v50  }
0xba: {  	v56 =	vld [tilespmem:$0x4D0];
	v35 =	vsel vm10, $0x1, v4;
	v15 =	vcvt.s32.f32 v15;
	(erf) = vrcp.f32 v52  }
0xbb: {  	vm10 =	vge.u32 v8, s4;
	v19 =	vmul.f32 v19, v63;
	v25 =	vmul.f32 v51, v47  }
0xbc: {  	v42 =	vsel vm11, $0x1, v4;
	v10 =	vadd.f32 v14, v10;
	v21 =	vadd.f32 $-1.000000000e+00, v21;
	v45 =	vld [tilespmem:$0x4B0]  }
0xbd: {  	v54 =	vld [tilespmem:$0x610];
	v15 =	vmul.f32 $6.931471820e-01, v15;
	v19 =	vadd.f32 $1.000000000e+00, v19;
	v55 =	vadd.f32 $2.000000030e-01, v25  }
0xbe: {  	v10 =	vadd.f32 v13, v10;
	v12 =	vmul.f32 v12, v39;
	v20 =	vadd.f32 v20, v20;
	v52 =	vld [tilespmem:$0x4C0]  }
0xbf: {  	vm7 =	veq.s32 v56, $0x0;
	v19 =	vmul.f32 v19, v24;
	v57 =	vpop (erf);
	v18 =	vmul.f32 v55, v47  }
0xc0: {  	v10 =	vadd.f32 v11, v10;
	v12 =	vnsel vm0, $0x0, v12;
	v50 =	vld [tilespmem:$0x380];
	v21 =	vmul.f32 v57, v21  }
0xc1: {  	vm12 =	veq.s32 v45, $0x0;
	v58 =	vadd.f32 v19, v22;
	v18 =	vadd.f32 $3.333333430e-01, v18  }
0xc2: {  	v63 =	vadd.f32 $-1.000000000e+00, v23;
	vm1 =	vmand vm15, vm12;
	v22 =	vld [tilespmem:$0x330];
	v61 =	vmul.f32 v21, v21  }
0xc3: {  	vm14 =	veq.s32 v52, $0x0;
	v29 =	vpop (erf);
	v9 =	vmul.f32 v58, v54;
	v62 =	vmul.f32 v18, v47  }
0xc4: {  	v21 =	vadd.f32 v21, v21;
	v28 =	vmul.f32 $1.111111120e-01, v61;
	v18 =	vmul.f32 v29, v63  }
0xc5: {  	v58 =	vand.u32 $0x7FFFFF, v50;
	v9 =	vnsel vm13, $0x0, v9;
	vm13 =	vge.u32 v7, s4  }
0xc6: {  	v17 =	vadd.f32 $1.000000000e+00, v62;
	v31 =	vadd.f32 $1.428571490e-01, v28;
	v24 =	vmul.f32 v18, v18  }
0xc7: {  	v32 =	vand.u32 $0x7FFFFF, v22;
	v18 =	vadd.f32 v18, v18;
	v63 =	vshrl.u32 v22, $0x17  }
0xc8: {  	v23 =	vor.u32 $0x3F800000, v32;
	v19 =	vmul.f32 v31, v61;
	v34 =	vmul.f32 $1.111111120e-01, v24  }
0xc9: {  	v33 =	vmul.f32 $5.000000000e-01, v23;
	v17 =	vmul.f32 v17, v20;
	v20 =	vor.u32 $0x3F800000, v40  }
0xca: {  	vm9 =	vgt.f32 v23, $1.414213540e+00;
	v41 =	vmul.f32 $5.000000000e-01, v20;
	v36 =	vadd.f32 $1.428571490e-01, v34  }
0xcb: {  	vm11 =	vgt.f32 v20, $1.414213540e+00;
	v30 =	vsel vm9, $0x1, v4;
	v19 =	vadd.f32 $2.000000030e-01, v19  }
0xcc: {  	v23 =	vsel vm9, v33, v23;
	v15 =	vadd.f32 v17, v15;
	v8 =	vmul.f32 v36, v24  }
0xcd: {  	v39 =	vld [tilespmem:$0x620];
	v17 =	vadd.s32 v35, v38;
	v37 =	vadd.f32 $1.000000000e+00, v23;
	v20 =	vsel vm11, v41, v20  }
0xce: {  	vm9 =	vge.u32 v6, s4;
	v43 =	vadd.f32 $1.000000000e+00, v20;
	v8 =	vadd.f32 $2.000000030e-01, v8  }
0xcf: {  	v35 =	vsel vm11, $0x1, v4;
	v19 =	vmul.f32 v19, v61;
	(erf) = vrcp.f32 v37  }
0xd0: {  	v17 =	vadd.s32 $0xFFFFFF81, v17;
	(erf) = vrcp.f32 v43;
	v8 =	vmul.f32 v8, v24  }
0xd1: {  	v23 =	vadd.f32 $-1.000000000e+00, v23;
	v17 =	vcvt.s32.f32 v17;
	v19 =	vadd.f32 $3.333333430e-01, v19  }
0xd2: {  	v15 =	vmul.f32 v15, v39;
	v57 =	vadd.f32 $-1.000000000e+00, v20;
	v8 =	vadd.f32 $3.333333430e-01, v8  }
0xd3: {  	v20 =	vor.u32 $0x3F800000, v58;
	v36 =	vadd.f32 v12, v10;
	v16 =	vmul.f32 v19, v61  }
0xd4: {  	v39 =	vshrl.u32 v27, $0x17;
	v37 =	vld [tilespmem:$0x4E0];
	v19 =	vadd.s32 v42, v44;
	v8 =	vmul.f32 v8, v24  }
0xd5: {  	v60 =	vmul.f32 $5.000000000e-01, v20;
	v19 =	vadd.s32 $0xFFFFFF81, v19;
	v16 =	vadd.f32 $1.000000000e+00, v16  }
0xd6: {  	vm15 =	vgt.f32 v20, $1.414213540e+00;
	v48 =	vcvt.s32.f32 v19;
	v8 =	vadd.f32 $1.000000000e+00, v8  }
0xd7: {  	v40 =	vadd.s32 v35, v39;
	v17 =	vmul.f32 $6.931471820e-01, v17;
	v47 =	vmul.f32 v16, v21  }
0xd8: {  	v46 =	vld [tilespmem:$0x630];
	v15 =	vnsel vm4, $0x0, v15;
	v16 =	vmul.f32 $6.931471820e-01, v48;
	v49 =	vpop (erf);
	v8 =	vmul.f32 v8, v18  }
0xd9: {  	vm4 =	vmand vm13, vm7;
	vm11 =	veq.s32 v37, $0x0;
	v14 =	vadd.f32 v47, v17;
	v59 =	vpop (erf)  }
0xda: {  	v19 =	vmul.f32 v49, v23;
	v23 =	vld [tilespmem:$0x390];
	v8 =	vadd.f32 v8, v16;
	v16 =	vmul.f32 v59, v57  }
0xdb: {  	v17 =	vsel vm15, v60, v20;
	v20 =	vadd.s32 v30, v63;
	v47 =	vsel vm15, $0x1, v4  }
0xdc: {  	v62 =	vadd.f32 $1.000000000e+00, v17;
	v20 =	vadd.s32 $0xFFFFFF81, v20;
	v61 =	vmul.f32 v16, v16  }
0xdd: {  	v17 =	vadd.f32 $-1.000000000e+00, v17;
	v54 =	vmul.f32 v14, v46;
	v20 =	vcvt.s32.f32 v20  }
0xde: {  	v46 =	vshrl.u32 v50, $0x17;
	v53 =	vmul.f32 v19, v19;
	v28 =	vmul.f32 $1.111111120e-01, v61  }
0xdf: {  	(erf) = vrcp.f32 v62;
	v7 =	vnsel vm1, $0x0, v54;
	v29 =	vand.u32 $0x7FFFFF, v23  }
0xe0: {  	v20 =	vmul.f32 $6.931471820e-01, v20;
	v14 =	vor.u32 $0x3F800000, v29;
	v22 =	vadd.f32 $1.428571490e-01, v28  }
0xe1: {  	v21 =	vld [tilespmem:$0x3C0];
	vm1 =	vmand vm10, vm14;
	v55 =	vmul.f32 $1.111111120e-01, v53;
	v31 =	vmul.f32 $5.000000000e-01, v14  }
0xe2: {  	v60 =	vld [tilespmem:$0x4F0];
	vm10 =	vge.u32 v5, s4;
	vm8 =	vgt.f32 v14, $1.414213540e+00;
	v22 =	vmul.f32 v22, v61  }
0xe3: {  	v51 =	vld [tilespmem:$0x640];
	v5 =	vadd.f32 v9, v36;
	v13 =	vadd.f32 $1.428571490e-01, v55;
	v14 =	vsel vm8, v31, v14  }
0xe4: {  	v9 =	vadd.s32 $0xFFFFFF81, v40;
	v33 =	vadd.f32 $1.000000000e+00, v14;
	v32 =	vadd.f32 $2.000000030e-01, v22  }
0xe5: {  	v19 =	vadd.f32 v19, v19;
	v9 =	vcvt.s32.f32 v9;
	v13 =	vmul.f32 v13, v53  }
0xe6: {  	v54 =	vand.u32 $0x7FFFFF, v21;
	(erf) = vrcp.f32 v33;
	v6 =	vmul.f32 v32, v61  }
0xe7: {  	vm15 =	veq.s32 v60, $0x0;
	v16 =	vadd.f32 v16, v16;
	v13 =	vadd.f32 $2.000000030e-01, v13  }
0xe8: {  	v8 =	vmul.f32 v8, v51;
	v5 =	vadd.f32 v15, v5;
	v38 =	vpop (erf);
	v6 =	vadd.f32 $3.333333430e-01, v6  }
0xe9: {  	v15 =	vadd.s32 v47, v46;
	v13 =	vmul.f32 v13, v53;
	v12 =	vmul.f32 v38, v17  }
0xea: {  	vm0 =	vmand vm10, vm15;
	vm10 =	vge.u32 v2, s4;
	v6 =	vmul.f32 v6, v61  }
0xeb: {  	v15 =	vadd.s32 $0xFFFFFF81, v15;
	v17 =	vld [tilespmem:$0x3A0];
	v13 =	vadd.f32 $3.333333430e-01, v13;
	v41 =	vmul.f32 v12, v12  }
0xec: {  	v9 =	vmul.f32 $6.931471820e-01, v9;
	v15 =	vcvt.s32.f32 v15;
	v6 =	vadd.f32 $1.000000000e+00, v6  }
0xed: {  	v8 =	vnsel vm1, $0x0, v8;
	v13 =	vmul.f32 v13, v53;
	v42 =	vmul.f32 $1.111111120e-01, v41  }
0xee: {  	v5 =	vadd.f32 v7, v5;
	v14 =	vadd.f32 $-1.000000000e+00, v14;
	v6 =	vmul.f32 v6, v16;
	v16 =	vld [tilespmem:$0x3B0]  }
0xef: {  	v57 =	vsel vm8, $0x1, v4;
	v13 =	vadd.f32 $1.000000000e+00, v13;
	v10 =	vadd.f32 $1.428571490e-01, v42;
	v43 =	vpop (erf)  }
0xf0: {  	v15 =	vmul.f32 $6.931471820e-01, v15;
	v45 =	vand.u32 $0x7FFFFF, v17;
	v44 =	vmul.f32 v43, v14  }
0xf1: {  	v13 =	vmul.f32 v13, v19;
	v10 =	vmul.f32 v10, v41;
	v14 =	vor.u32 $0x3F800000, v45  }
0xf2: {  	v22 =	vor.u32 $0x3F800000, v54;
	v49 =	vmul.f32 $5.000000000e-01, v14;
	v48 =	vmul.f32 v44, v44  }
0xf3: {  	v13 =	vadd.f32 v13, v20;
	vm12 =	vgt.f32 v14, $1.414213540e+00;
	v51 =	vand.u32 $0x7FFFFF, v16  }
0xf4: {  	v14 =	vsel vm12, v49, v14;
	v50 =	vmul.f32 $1.111111120e-01, v48;
	v20 =	vor.u32 $0x3F800000, v51  }
0xf5: {  	v10 =	vadd.f32 $2.000000030e-01, v10;
	v52 =	vadd.f32 $1.000000000e+00, v14;
	v53 =	vmul.f32 $5.000000000e-01, v20  }
0xf6: {  	v56 =	vmul.f32 $5.000000000e-01, v22;
	v18 =	vadd.f32 $1.428571490e-01, v50;
	vm13 =	vgt.f32 v20, $1.414213540e+00  }
0xf7: {  	v10 =	vmul.f32 v10, v41;
	(erf) = vrcp.f32 v52;
	v20 =	vsel vm13, v53, v20  }
0xf8: {  	vm14 =	vgt.f32 v22, $1.414213540e+00;
	v18 =	vmul.f32 v18, v48;
	v24 =	vadd.f32 $1.000000000e+00, v20  }
0xf9: {  	v34 =	vld [tilespmem:$0x650];
	vm8 =	vge.u32 v3, s4;
	v58 =	vsel vm14, v56, v22;
	v10 =	vadd.f32 $3.333333430e-01, v10  }
0xfa: {  	v22 =	vadd.f32 $1.000000000e+00, v58;
	v18 =	vadd.f32 $2.000000030e-01, v18;
	(erf) = vrcp.f32 v24  }
0xfb: {  	v5 =	vadd.f32 v8, v5;
	v12 =	vadd.f32 v12, v12;
	v10 =	vmul.f32 v10, v41  }
0xfc: {  	v32 =	vadd.f32 $-1.000000000e+00, v58;
	v18 =	vmul.f32 v18, v48;
	(erf) = vrcp.f32 v22  }
0xfd: {  	v42 =	vshrl.u32 v17, $0x17;
	v61 =	vshrl.u32 v23, $0x17;
	v10 =	vadd.f32 $1.000000000e+00, v10  }
0xfe: {  	v11 =	vmul.f32 v13, v34;
	v38 =	vsel vm12, $0x1, v4;
	v18 =	vadd.f32 $3.333333430e-01, v18  }
0xff: {  	v14 =	vadd.f32 $-1.000000000e+00, v14;
	v10 =	vmul.f32 v10, v12;
	v12 =	vadd.s32 v57, v61  }
0x100: {  	v6 =	vadd.f32 v6, v9;
	v12 =	vadd.s32 $0xFFFFFF81, v12;
	v62 =	vpop (erf);
	v18 =	vmul.f32 v18, v48  }
0x101: {  	v63 =	vld [tilespmem:$0x500];
	v9 =	vadd.f32 v44, v44;
	v12 =	vcvt.s32.f32 v12;
	v14 =	vmul.f32 v62, v14  }
0x102: {  	v55 =	vld [tilespmem:$0x660];
	vm12 =	vge.u32 v1, s4;
	v20 =	vadd.f32 $-1.000000000e+00, v20;
	v18 =	vadd.f32 $1.000000000e+00, v18  }
0x103: {  	v11 =	vnsel vm4, $0x0, v11;
	v12 =	vmul.f32 $6.931471820e-01, v12;
	v23 =	vmul.f32 v14, v14;
	v29 =	vpop (erf)  }
0x104: {  	vm4 =	vmand vm9, vm11;
	v9 =	vmul.f32 v18, v9;
	v20 =	vmul.f32 v29, v20  }
0x105: {  	v5 =	vadd.f32 v11, v5;
	v11 =	vadd.s32 v38, v42;
	v30 =	vmul.f32 $1.111111120e-01, v23;
	v35 =	vpop (erf)  }
0x106: {  	v31 =	vadd.f32 v9, v12;
	v9 =	vmul.f32 v35, v32;
	v34 =	vmul.f32 v20, v20  }
0x107: {  	vm9 =	veq.s32 v63, $0x0;
	v6 =	vmul.f32 v6, v55;
	v44 =	vadd.s32 $0xFFFFFF81, v11  }
0x108: {  	v33 =	vadd.f32 $1.428571490e-01, v30;
	v37 =	vmul.f32 v9, v9;
	v36 =	vmul.f32 $1.111111120e-01, v34  }
0x109: {  	v49 =	vshrl.u32 v16, $0x17;
	v6 =	vnsel vm4, $0x0, v6;
	v10 =	vadd.f32 v10, v15  }
0x10a: {  	v12 =	vmul.f32 v33, v23;
	v40 =	vmul.f32 $1.111111120e-01, v37;
	v15 =	vadd.f32 $1.428571490e-01, v36  }
0x10b: {  	v46 =	vcvt.s32.f32 v44;
	v5 =	vadd.f32 v6, v5;
	v39 =	vsel vm13, $0x1, v4  }
0x10c: {  	v41 =	vld [tilespmem:$0x510];
	v12 =	vadd.f32 $2.000000030e-01, v12;
	v43 =	vadd.f32 $1.428571490e-01, v40;
	v15 =	vmul.f32 v15, v34  }
0x10d: {  	v4 =	vsel vm14, $0x1, v4;
	v8 =	vadd.s32 v39, v49;
	v53 =	vshrl.u32 v21, $0x17  }
0x10e: {  	v59 =	vld [tilespmem:$0x670];
	v12 =	vmul.f32 v12, v23;
	v45 =	vmul.f32 v43, v37;
	v15 =	vadd.f32 $2.000000030e-01, v15  }
0x10f: {  	v2 =	vmul.f32 $6.931471820e-01, v46;
	v8 =	vadd.s32 $0xFFFFFF81, v8;
	v4 =	vadd.s32 v4, v53  }
0x110: {  	v12 =	vadd.f32 $3.333333430e-01, v12;
	v47 =	vadd.f32 $2.000000030e-01, v45;
	v15 =	vmul.f32 v15, v34  }
0x111: {  	vm11 =	veq.s32 v41, $0x0;
	v8 =	vcvt.s32.f32 v8;
	v4 =	vadd.s32 $0xFFFFFF81, v4  }
0x112: {  	v28 =	vld [tilespmem:$0x680];
	v12 =	vmul.f32 v12, v23;
	v6 =	vmul.f32 v47, v37;
	v15 =	vadd.f32 $3.333333430e-01, v15  }
0x113: {  	v4 =	vcvt.s32.f32 v4;
	v10 =	vmul.f32 v10, v59;
	v14 =	vadd.f32 v14, v14  }
0x114: {  	v48 =	vadd.f32 $1.000000000e+00, v12;
	v6 =	vadd.f32 $3.333333430e-01, v6;
	v50 =	vmul.f32 v15, v34  }
0x115: {  	v51 =	vld [tilespmem:$0x690];
	v8 =	vmul.f32 $6.931471820e-01, v8;
	v10 =	vnsel vm0, $0x0, v10;
	v52 =	vadd.f32 v20, v20  }
0x116: {  	v54 =	vld [tilespmem:$0x520];
	v11 =	vmul.f32 v48, v14;
	v6 =	vmul.f32 v6, v37;
	v12 =	vadd.f32 $1.000000000e+00, v50  }
0x117: {  	v55 =	vld [tilespmem:$0x6A0];
	vm0 =	vmand vm8, vm9;
	v3 =	vmul.f32 v31, v28;
	v9 =	vadd.f32 v9, v9  }
0x118: {  	v56 =	vld [tilespmem:$0x530];
	v2 =	vadd.f32 v11, v2;
	v6 =	vadd.f32 $1.000000000e+00, v6;
	v12 =	vmul.f32 v12, v52  }
0x119: {  	v57 =	vld [tilespmem:$0x6B0];
	v4 =	vmul.f32 $6.931471820e-01, v4;
	v5 =	vadd.f32 v10, v5;
	v3 =	vnsel vm0, $0x0, v3  }
0x11a: {  	v2 =	vmul.f32 v2, v51;
	v6 =	vmul.f32 v6, v9;
	v8 =	vadd.f32 v12, v8  }
0x11b: {  	vm13 =	veq.s32 v54, $0x0;
	vm0 =	vmand vm10, vm11;
	v58 =	vadd.f32 v3, v5  }
0x11c: {  	v2 =	vnsel vm0, $0x0, v2;
	v4 =	vadd.f32 v6, v4;
	v59 =	vmul.f32 v8, v55  }
0x11d: {  	vm15 =	veq.s32 v56, $0x0;
	vm0 =	vmand vm12, vm13;
	v60 =	vadd.f32 v2, v58  }
0x11e: {  	vm14 =	vge.u32 v0, s4;
	v62 =	vmul.f32 v4, v57;
	v61 =	vnsel vm0, $0x0, v59  }
0x11f: {  	vm0 =	vmand vm14, vm15;
	v0 =	vadd.f32 v61, v60  }
0x120: {  	v63 =	vnsel vm0, $0x0, v62  }
0x121: {  	s30 =	sshll.u32 s0, $0x4;
	v0 =	vadd.f32 v63, v0  }
0x122: {  	s2 =	sadd.s32 s30, s2  }
0x123: {  	s31 =	simm.s32 $0x700;
	s2 =	sadd.s32 $0xD200, s2;
	[tilespmem:$0x700] =	vst v0  }
0x124: {  	[hbm4b:s2+s3] =	stream.linear.scatter [tilespmem:s31], [sflag:$0x2], $0x80, $0x38;
	[tilespmem:$0x780] =	vst v63  }
0x125: {  	_ =	swait.ge [sflag:s26], $0x80  }
0x126: {  	[sflag:s26] =	ssyncset.done $0x0  }
0x127: {  	[sflag:s26] =	ssyncadd.s32 $0xFFFFFF80  }
0x128: {  	_ =	sfence.sel $0x180000  }
0x129: {  	[bflag:$0x0] =	sbarrier.arrive $0xFFFF  }
0x12a: {  	p0 =	sne.s32 s0, $0x0;
	_ =	strace $0x90000047  }
0x12b: {  	s0 =	sadd.s32 @!p0 $0x100000, s1;
	[bflag:$0x2] =	sbarrier.arrive $0xFFFF  }
0x12c: {  	[sflag:s0] =	ssyncadd.tile.s32 @!p0 $0x1;
	_ =	shalt  }
.Lfunc_end2:
_tile_overlayer_lowered:
.L_overlay_start_2:
0x12d: {  	(tag) =	ssettag $0x2  }
0x12e: {  	s0 =	rddreg [dreg:$0x0];
	s2 =	stileid.u32  }
0x12f: {  	s1 =	rddreg [dreg:$0x1];
	p0 =	sne.s32 s2, $0x0  }
0x130: {  	s3 =	rddreg [dreg:$0x2];
	[bflag:$0x3] =	sbarrier.arrive $0xFFFF;
	s2 =	simm.s32 @!p0 $0x1C02  }
0x131: {  	[timem:s3], [sflag:s2] =	dma.local @!p0 [hbm:s0], s1  }
0x132: {  	s0 =	simm.s32 @!p0 $0x2  }
0x133: {  	_ =	swait.ge @!p0 [sflag:s0], s1  }
0x134: {  	s1 =	ssub.s32 @!p0 $0x0, s1;
	[sflag:s0] =	ssyncset.done @!p0 $0x0  }
0x135: {  	[sflag:s0] =	ssyncadd.s32 @!p0 s1  }
0x136: {  	[bflag:$0x3] =	sbarrier.arrive $0xFFFF  }
0x137: {  	_ =	shalt  }

</sc_bundles>
